<compile_context>
chip_gen: v7x
topology: tpu7x:2x2x1
jax: 0.10.2.dev20260603
libtpu: 0.0.44.dev20260713+nightly
codegen_flags: <defaults>
</compile_context>

<pallas_src>
import functools

import jax
import jax.numpy as jnp
from jax import lax
from jax.experimental import pallas as pl
from jax.experimental.pallas import tpu as pltpu
from jax.experimental.pallas import tpu_sc as plsc

N = 320000
D = 128
H = 256
C = 16
NSEG = 1024
NW = 32
SEG_PER_W = NSEG // NW
CH = 512
ACC_ROWS = SEG_PER_W + 2
MPAD = 48


def _select_scalar(vec_groups, idx):
  total = jnp.zeros((), jnp.int32)
  lane = lax.broadcasted_iota(jnp.int32, (16,), 0)
  for g, v in enumerate(vec_groups):
    pos = lane + (g * 16)
    total = total + jnp.sum(jnp.where(pos == idx, v, 0))
  return total


def _seg_sum_body(x_hbm, b_hbm, meta_hbm, out_hbm,
                  xbuf, idbuf, acc, mbuf):
  cid = lax.axis_index("c")
  sid = lax.axis_index("s")
  w = sid * 2 + cid

  pltpu.sync_copy(meta_hbm, mbuf)
  mv = mbuf[pl.ds(w, 16)]
  r0 = mv[0]
  r1 = mv[1]
  a0 = (r0 // 8) * 8
  nch = (r1 - a0 + (CH - 1)) // CH

  def zero_body(i, carry):
    for c in range(D // 16):
      acc[i, pl.ds(c * 16, 16)] = jnp.zeros((16,), jnp.float32)
    return carry
  lax.fori_loop(0, ACC_ROWS, zero_body, 0)

  lane = lax.broadcasted_iota(jnp.int32, (16,), 0)
  lo = w * SEG_PER_W - 1

  def chunk_body(k, carry):
    s_unc = a0 + k * CH
    s = jnp.minimum(s_unc, N - CH)
    shift = s_unc - s
    pltpu.sync_copy(x_hbm.at[pl.ds(s, CH)], xbuf)
    pltpu.sync_copy(b_hbm.at[pl.ds(s, CH)], idbuf)

    def group_body(g, carry2):
      ids_v = idbuf[pl.ds(g * 16, 16)]
      pos = lane + g * 16
      lid = jnp.minimum(jnp.maximum(ids_v - lo, 0), ACC_ROWS - 1)
      lid = jnp.where(pos >= shift, lid, 0)
      base = g * 16
      for l in range(16):
        off = lid[l]
        row = base + l
        for c in range(D // 16):
          plsc.addupdate(acc.at[off, pl.ds(c * 16, 16)],
                         xbuf[row, pl.ds(c * 16, 16)])
      return carry2

    lax.fori_loop(0, CH // 16, group_body, 0)
    return carry

  lax.fori_loop(0, nch, chunk_body, 0)

  pltpu.sync_copy(acc.at[pl.ds(1, SEG_PER_W)],
                  out_hbm.at[pl.ds(w * SEG_PER_W, SEG_PER_W)])


def _sc_segment_sum(x, batch32, meta):
  mesh = plsc.VectorSubcoreMesh(core_axis_name="c", subcore_axis_name="s")
  kfn = functools.partial(
      pl.kernel,
      mesh=mesh,
      out_type=jax.ShapeDtypeStruct((NSEG, D), jnp.float32),
      scratch_types=[
          pltpu.VMEM((CH, D), jnp.float32),
          pltpu.VMEM((CH,), jnp.int32),
          pltpu.VMEM((ACC_ROWS, D), jnp.float32),
          pltpu.VMEM((MPAD,), jnp.int32),
      ],
  )(_seg_sum_body)
  return kfn(x, batch32, meta)


def _mlp_body(p_ref, w1_ref, b1_ref, w2_ref, b2_ref, o_ref):
  h = jnp.dot(p_ref[...], w1_ref[...], preferred_element_type=jnp.float32)
  h = jnp.maximum(h + b1_ref[...], 0.0)
  o = jnp.dot(h, w2_ref[...], preferred_element_type=jnp.float32)
  o_ref[...] = o + b2_ref[...]


def _mlp(pooled, W1, b1, W2, b2):
  return pl.pallas_call(
      _mlp_body,
      out_shape=jax.ShapeDtypeStruct((NSEG, C), jnp.float32),
  )(pooled, W1, b1.reshape(1, H), W2, b2.reshape(1, C))


@jax.jit
def kernel(x, batch, annotations, W1, b1, W2, b2):
  del annotations
  batch32 = batch.astype(jnp.int32)
  qs = jnp.arange(0, NSEG + 1, SEG_PER_W, dtype=jnp.int32)
  bounds = jnp.searchsorted(batch32, qs, side="left").astype(jnp.int32)
  meta = jnp.concatenate(
      [bounds, jnp.full((MPAD - bounds.shape[0],), N, jnp.int32)])
  pooled = _sc_segment_sum(x, batch32, meta)
  return _mlp(pooled, W1, b1, W2, b2)

# --- scband reference (transcript-rebuilt; emitter-appended) ---
"""Pipeline reference for scband-standard-pooling-layer-28690381537860 (READ-ONLY COPY).

The authoritative reference and input builder live on the scoring server;
editing this copy changes nothing except your own understanding.
"""

import jax, jax.numpy as jnp
import numpy as np

N = 320000
D = 128
H = 256
C = 16
NUM_SEGMENTS = 1024

def setup_inputs(seed: int = 0) -> dict:
    key = jax.random.key(seed)
    k1, k2, k3, k4, k5, k6 = jax.random.split(key, 6)
    x = jax.random.normal(k1, (N, D), dtype=jnp.float32)
    batch = jnp.sort(jax.random.randint(k2, (N,), 0, NUM_SEGMENTS, dtype=jnp.int64))
    annotations = jax.random.normal(k3, (N, D), dtype=jnp.float32)
    # MLP params: Linear(D->H), ReLU, Linear(H->C)
    W1 = jax.random.normal(k4, (D, H), dtype=jnp.float32) / np.sqrt(D)
    b1 = jnp.zeros((H,), dtype=jnp.float32)
    W2 = jax.random.normal(k5, (H, C), dtype=jnp.float32) / np.sqrt(H)
    b2 = jnp.zeros((C,), dtype=jnp.float32)
    return {"x": x, "batch": batch, "annotations": annotations, "W1": W1, "b1": b1, "W2": W2, "b2": b2}

def reference(x, batch, annotations, W1, b1, W2, b2):
    # SumAggregation over segment ids (graph assignment)
    pooled = jax.ops.segment_sum(x, batch, num_segments=NUM_SEGMENTS)  # [B, D]
    # MLP: Linear -> ReLU -> Linear
    h = jnp.maximum(pooled @ W1 + b1, 0.0)
    out = h @ W2 + b2  # [B, C]
    # forward returns (out, None, None); we return the tensor output
    return out

if __name__ == "__main__":
    import jax
    _d = setup_inputs()
    print(jax.jit(kernel)(*tuple(_d.values())))

</pallas_src>

<mosaic_0001>
#map = affine_map<(d0, d1) -> (0, 0)>
#map1 = affine_map<(d0, d1) -> (0)>
module attributes {stable_mosaic.version = 14 : i64} {
  func.func @_seg_sum_body(%arg0: i32, %arg1: i32, %arg2: memref<320000x128xf32, #tpu.memory_space<hbm>>, %arg3: memref<320000xi32, #tpu.memory_space<hbm>>, %arg4: memref<48xi32, #tpu.memory_space<hbm>>, %arg5: memref<1024x128xf32, #tpu.memory_space<hbm>>, %arg6: memref<512x128xf32, #tpu.memory_space<vmem>>, %arg7: memref<512xi32, #tpu.memory_space<vmem>>, %arg8: memref<34x128xf32, #tpu.memory_space<vmem>>, %arg9: memref<48xi32, #tpu.memory_space<vmem>>) attributes {dimension_semantics = [#tpu.dimension_semantics<core_parallel>, #tpu.dimension_semantics<subcore_parallel>], iteration_bounds = array<i64: 2, 16>, scalar_prefetch = 0 : i64, scratch_operands = 4 : i64, tpu.core_type = #tpu.core_type<sc_vector_subcore>, window_params = [{transform_indices = #map}, {transform_indices = #map1}, {transform_indices = #map1}, {transform_indices = #map}]} {
    %mul3A = arith.constant 2 : i32
    %mul3A_0 = arith.muli %arg1, %mul3A : i32
    %add3A = arith.addi %mul3A_0, %arg0 : i32
    "tpu.region"() ({
      %run_scoped3A = tpu.sem_alloc : memref<!tpu.dma_semaphore, #tpu.memory_space<semaphore_mem>>
      tpu.enqueue_dma source(%arg4 : memref<48xi32, #tpu.memory_space<hbm>>) target(%arg9 : memref<48xi32, #tpu.memory_space<vmem>>) target_semaphore(%run_scoped3A : memref<!tpu.dma_semaphore, #tpu.memory_space<semaphore_mem>>)
      tpu.wait_dma2 semaphore(%run_scoped3A : memref<!tpu.dma_semaphore, #tpu.memory_space<semaphore_mem>>) src(%arg4 : memref<48xi32, #tpu.memory_space<hbm>>) dst(%arg9 : memref<48xi32, #tpu.memory_space<vmem>>)
      tpu.yield
    }) : () -> ()
    %get3A = arith.index_cast %add3A : i32 to index
    %get3A_1 = tpu.vector_load %arg9[%get3A] {strides = array<i32>} : memref<48xi32, #tpu.memory_space<vmem>>, vector<16xi32>,
    %get3A_2 = vector.shape_cast %get3A_1 : vector<16xi32> to vector<16xi32>
    %slice3A = vector.extract_strided_slice %get3A_2 {offsets = [0], sizes = [1], strides = [1]} : vector<16xi32> to vector<1xi32>
    %squeeze3A = vector.extract %slice3A[0] : i32 from vector<1xi32>
    %slice3A_3 = vector.extract_strided_slice %get3A_2 {offsets = [1], sizes = [1], strides = [1]} : vector<16xi32> to vector<1xi32>
    %squeeze3A_4 = vector.extract %slice3A_3[0] : i32 from vector<1xi32>
    %jit3A = arith.constant 8 : i32
    %div3A = arith.divsi %squeeze3A, %jit3A : i32
    %sign3A = arith.constant 0 : i32
    %sign3A_5 = arith.cmpi sgt, %squeeze3A, %sign3A : i32
    %sign3A_6 = arith.extui %sign3A_5 : i1 to i32
    %sign3A_7 = arith.constant 0 : i32
    %sign3A_8 = arith.cmpi slt, %squeeze3A, %sign3A_7 : i32
    %sign3A_9 = arith.extui %sign3A_8 : i1 to i32
    %sign3A_10 = arith.subi %sign3A_6, %sign3A_9 : i32
    %sign3A_11 = arith.constant 0 : i32
    %sign3A_12 = arith.cmpi sgt, %jit3A, %sign3A_11 : i32
    %sign3A_13 = arith.extui %sign3A_12 : i1 to i32
    %sign3A_14 = arith.constant 0 : i32
    %sign3A_15 = arith.cmpi slt, %jit3A, %sign3A_14 : i32
    %sign3A_16 = arith.extui %sign3A_15 : i1 to i32
    %sign3A_17 = arith.subi %sign3A_13, %sign3A_16 : i32
    %ne3A = arith.cmpi ne, %sign3A_10, %sign3A_17 : i32
    %rem3A = arith.remsi %squeeze3A, %jit3A : i32
    %ne3A_18 = arith.constant 0 : i32
    %ne3A_19 = arith.cmpi ne, %rem3A, %ne3A_18 : i32
    %and3A = arith.andi %ne3A, %ne3A_19 : i1
    %sub3A = arith.constant 1 : i32
    %sub3A_20 = arith.subi %div3A, %sub3A : i32
    %select_n3A = arith.select %and3A, %sub3A_20, %div3A : i32
    %mul3A_21 = arith.constant 8 : i32
    %mul3A_22 = arith.muli %select_n3A, %mul3A_21 : i32
    %sub3A_23 = arith.subi %squeeze3A_4, %mul3A_22 : i32
    %add3A_24 = arith.constant 511 : i32
    %add3A_25 = arith.addi %sub3A_23, %add3A_24 : i32
    %jit3A_26 = arith.constant 512 : i32
    %div3A_27 = arith.divsi %add3A_25, %jit3A_26 : i32
    %sign3A_28 = arith.constant 0 : i32
    %sign3A_29 = arith.cmpi sgt, %add3A_25, %sign3A_28 : i32
    %sign3A_30 = arith.extui %sign3A_29 : i1 to i32
    %sign3A_31 = arith.constant 0 : i32
    %sign3A_32 = arith.cmpi slt, %add3A_25, %sign3A_31 : i32
    %sign3A_33 = arith.extui %sign3A_32 : i1 to i32
    %sign3A_34 = arith.subi %sign3A_30, %sign3A_33 : i32
    %sign3A_35 = arith.constant 0 : i32
    %sign3A_36 = arith.cmpi sgt, %jit3A_26, %sign3A_35 : i32
    %sign3A_37 = arith.extui %sign3A_36 : i1 to i32
    %sign3A_38 = arith.constant 0 : i32
    %sign3A_39 = arith.cmpi slt, %jit3A_26, %sign3A_38 : i32
    %sign3A_40 = arith.extui %sign3A_39 : i1 to i32
    %sign3A_41 = arith.subi %sign3A_37, %sign3A_40 : i32
    %ne3A_42 = arith.cmpi ne, %sign3A_34, %sign3A_41 : i32
    %rem3A_43 = arith.remsi %add3A_25, %jit3A_26 : i32
    %ne3A_44 = arith.constant 0 : i32
    %ne3A_45 = arith.cmpi ne, %rem3A_43, %ne3A_44 : i32
    %and3A_46 = arith.andi %ne3A_42, %ne3A_45 : i1
    %sub3A_47 = arith.constant 1 : i32
    %sub3A_48 = arith.subi %div3A_27, %sub3A_47 : i32
    %select_n3A_49 = arith.select %and3A_46, %sub3A_48, %div3A_27 : i32
    %scan3A = arith.constant 0 : i32
    %scan3A_50 = arith.constant 0 : i32
    %scan3A_51 = arith.constant 34 : i32
    %scan3A_52 = arith.addi %scan3A_50, %scan3A_51 : i32
    %scan3A_53 = arith.constant 1 : i32
    scf.for %scan3A_70 = %scan3A_50 to %scan3A_52 step %scan3A_53  : i32 {
      %broadcast_in_dim3A = arith.constant 0.000000e+00 : f32
      %broadcast_in_dim3A_71 = vector.broadcast %broadcast_in_dim3A : f32 to vector<16xf32>
      %swap3A = arith.index_cast %scan3A_70 : i32 to index
      %swap3A_72 = arith.constant 0 : index
      %swap3A_73 = tpu.vector_load %arg8[%swap3A, %swap3A_72] {strides = array<i32>} : memref<34x128xf32, #tpu.memory_space<vmem>>, vector<1x16xf32>,
      %swap3A_74 = vector.shape_cast %swap3A_73 : vector<1x16xf32> to vector<16xf32>
      %swap3A_75 = vector.shape_cast %broadcast_in_dim3A_71 : vector<16xf32> to vector<1x16xf32>
      tpu.vector_store %arg8[%swap3A, %swap3A_72], %swap3A_75 {strides = array<i32>} : memref<34x128xf32, #tpu.memory_space<vmem>>, vector<1x16xf32>,
      %broadcast_in_dim3A_76 = arith.constant 0.000000e+00 : f32
      %broadcast_in_dim3A_77 = vector.broadcast %broadcast_in_dim3A_76 : f32 to vector<16xf32>
      %swap3A_78 = arith.index_cast %scan3A_70 : i32 to index
      %swap3A_79 = arith.constant 16 : index
      %swap3A_80 = tpu.vector_load %arg8[%swap3A_78, %swap3A_79] {strides = array<i32>} : memref<34x128xf32, #tpu.memory_space<vmem>>, vector<1x16xf32>,
      %swap3A_81 = vector.shape_cast %swap3A_80 : vector<1x16xf32> to vector<16xf32>
      %swap3A_82 = vector.shape_cast %broadcast_in_dim3A_77 : vector<16xf32> to vector<1x16xf32>
      tpu.vector_store %arg8[%swap3A_78, %swap3A_79], %swap3A_82 {strides = array<i32>} : memref<34x128xf32, #tpu.memory_space<vmem>>, vector<1x16xf32>,
      %broadcast_in_dim3A_83 = arith.constant 0.000000e+00 : f32
      %broadcast_in_dim3A_84 = vector.broadcast %broadcast_in_dim3A_83 : f32 to vector<16xf32>
      %swap3A_85 = arith.index_cast %scan3A_70 : i32 to index
      %swap3A_86 = arith.constant 32 : index
      %swap3A_87 = tpu.vector_load %arg8[%swap3A_85, %swap3A_86] {strides = array<i32>} : memref<34x128xf32, #tpu.memory_space<vmem>>, vector<1x16xf32>,
      %swap3A_88 = vector.shape_cast %swap3A_87 : vector<1x16xf32> to vector<16xf32>
      %swap3A_89 = vector.shape_cast %broadcast_in_dim3A_84 : vector<16xf32> to vector<1x16xf32>
      tpu.vector_store %arg8[%swap3A_85, %swap3A_86], %swap3A_89 {strides = array<i32>} : memref<34x128xf32, #tpu.memory_space<vmem>>, vector<1x16xf32>,
      %broadcast_in_dim3A_90 = arith.constant 0.000000e+00 : f32
      %broadcast_in_dim3A_91 = vector.broadcast %broadcast_in_dim3A_90 : f32 to vector<16xf32>
      %swap3A_92 = arith.index_cast %scan3A_70 : i32 to index
      %swap3A_93 = arith.constant 48 : index
      %swap3A_94 = tpu.vector_load %arg8[%swap3A_92, %swap3A_93] {strides = array<i32>} : memref<34x128xf32, #tpu.memory_space<vmem>>, vector<1x16xf32>,
      %swap3A_95 = vector.shape_cast %swap3A_94 : vector<1x16xf32> to vector<16xf32>
      %swap3A_96 = vector.shape_cast %broadcast_in_dim3A_91 : vector<16xf32> to vector<1x16xf32>
      tpu.vector_store %arg8[%swap3A_92, %swap3A_93], %swap3A_96 {strides = array<i32>} : memref<34x128xf32, #tpu.memory_space<vmem>>, vector<1x16xf32>,
      %broadcast_in_dim3A_97 = arith.constant 0.000000e+00 : f32
      %broadcast_in_dim3A_98 = vector.broadcast %broadcast_in_dim3A_97 : f32 to vector<16xf32>
      %swap3A_99 = arith.index_cast %scan3A_70 : i32 to index
      %swap3A_100 = arith.constant 64 : index
      %swap3A_101 = tpu.vector_load %arg8[%swap3A_99, %swap3A_100] {strides = array<i32>} : memref<34x128xf32, #tpu.memory_space<vmem>>, vector<1x16xf32>,
      %swap3A_102 = vector.shape_cast %swap3A_101 : vector<1x16xf32> to vector<16xf32>
      %swap3A_103 = vector.shape_cast %broadcast_in_dim3A_98 : vector<16xf32> to vector<1x16xf32>
      tpu.vector_store %arg8[%swap3A_99, %swap3A_100], %swap3A_103 {strides = array<i32>} : memref<34x128xf32, #tpu.memory_space<vmem>>, vector<1x16xf32>,
      %broadcast_in_dim3A_104 = arith.constant 0.000000e+00 : f32
      %broadcast_in_dim3A_105 = vector.broadcast %broadcast_in_dim3A_104 : f32 to vector<16xf32>
      %swap3A_106 = arith.index_cast %scan3A_70 : i32 to index
      %swap3A_107 = arith.constant 80 : index
      %swap3A_108 = tpu.vector_load %arg8[%swap3A_106, %swap3A_107] {strides = array<i32>} : memref<34x128xf32, #tpu.memory_space<vmem>>, vector<1x16xf32>,
      %swap3A_109 = vector.shape_cast %swap3A_108 : vector<1x16xf32> to vector<16xf32>
      %swap3A_110 = vector.shape_cast %broadcast_in_dim3A_105 : vector<16xf32> to vector<1x16xf32>
      tpu.vector_store %arg8[%swap3A_106, %swap3A_107], %swap3A_110 {strides = array<i32>} : memref<34x128xf32, #tpu.memory_space<vmem>>, vector<1x16xf32>,
      %broadcast_in_dim3A_111 = arith.constant 0.000000e+00 : f32
      %broadcast_in_dim3A_112 = vector.broadcast %broadcast_in_dim3A_111 : f32 to vector<16xf32>
      %swap3A_113 = arith.index_cast %scan3A_70 : i32 to index
      %swap3A_114 = arith.constant 96 : index
      %swap3A_115 = tpu.vector_load %arg8[%swap3A_113, %swap3A_114] {strides = array<i32>} : memref<34x128xf32, #tpu.memory_space<vmem>>, vector<1x16xf32>,
      %swap3A_116 = vector.shape_cast %swap3A_115 : vector<1x16xf32> to vector<16xf32>
      %swap3A_117 = vector.shape_cast %broadcast_in_dim3A_112 : vector<16xf32> to vector<1x16xf32>
      tpu.vector_store %arg8[%swap3A_113, %swap3A_114], %swap3A_117 {strides = array<i32>} : memref<34x128xf32, #tpu.memory_space<vmem>>, vector<1x16xf32>,
      %broadcast_in_dim3A_118 = arith.constant 0.000000e+00 : f32
      %broadcast_in_dim3A_119 = vector.broadcast %broadcast_in_dim3A_118 : f32 to vector<16xf32>
      %swap3A_120 = arith.index_cast %scan3A_70 : i32 to index
      %swap3A_121 = arith.constant 112 : index
      %swap3A_122 = tpu.vector_load %arg8[%swap3A_120, %swap3A_121] {strides = array<i32>} : memref<34x128xf32, #tpu.memory_space<vmem>>, vector<1x16xf32>,
      %swap3A_123 = vector.shape_cast %swap3A_122 : vector<1x16xf32> to vector<16xf32>
      %swap3A_124 = vector.shape_cast %broadcast_in_dim3A_119 : vector<16xf32> to vector<1x16xf32>
      tpu.vector_store %arg8[%swap3A_120, %swap3A_121], %swap3A_124 {strides = array<i32>} : memref<34x128xf32, #tpu.memory_space<vmem>>, vector<1x16xf32>,
    }
    %scan3A_54 = arith.constant 34 : i32
    %iota3A = tpu.iota {dimensions = array<i32: 0>} : vector<16xi32>
    %mul3A_55 = arith.constant 32 : i32
    %mul3A_56 = arith.muli %add3A, %mul3A_55 : i32
    %sub3A_57 = arith.constant 1 : i32
    %sub3A_58 = arith.subi %mul3A_56, %sub3A_57 : i32
    %while3A = arith.constant 0 : i32
    %while3A_59 = arith.constant 0 : i32
    %while3A_60 = arith.subi %select_n3A_49, %while3A_59 : i32
    %while3A_61 = arith.addi %while3A_59, %while3A_60 : i32
    %while3A_62 = arith.constant 1 : i32
    %while3A_63 = arith.divsi %while3A_60, %while3A_62 : i32
    %while3A_64 = arith.muli %while3A_63, %while3A_62 : i32
    %while3A_65 = arith.addi %while3A_59, %while3A_64 : i32
    %while3A_66 = arith.constant 1 : i32
    scf.for %while3A_70 = %while3A_59 to %while3A_65 step %while3A_66  : i32 {
      %mul3A_71 = arith.constant 512 : i32
      %mul3A_72 = arith.muli %while3A_70, %mul3A_71 : i32
      %add3A_73 = arith.addi %mul3A_22, %mul3A_72 : i32
      %min3A = arith.constant 319488 : i32
      %min3A_74 = arith.minsi %add3A_73, %min3A : i32
      %sub3A_75 = arith.subi %add3A_73, %min3A_74 : i32
      "tpu.region"() ({
        %run_scoped3A = tpu.sem_alloc : memref<!tpu.dma_semaphore, #tpu.memory_space<semaphore_mem>>
        %dma_start3A = arith.constant 0 : i32
        %dma_start3A_82 = tpu.memref_slice %arg2[%min3A_74, %dma_start3A] : memref<320000x128xf32, #tpu.memory_space<hbm>> -> memref<512x128xf32, #tpu.memory_space<hbm>>
        %dma_start3A_83 = arith.constant 0 : i32
        %dma_start3A_84 = tpu.memref_slice %arg2[%min3A_74, %dma_start3A_83] : memref<320000x128xf32, #tpu.memory_space<hbm>> -> memref<512x128xf32, #tpu.memory_space<hbm>>
        tpu.enqueue_dma source(%dma_start3A_84 : memref<512x128xf32, #tpu.memory_space<hbm>>) target(%arg6 : memref<512x128xf32, #tpu.memory_space<vmem>>) target_semaphore(%run_scoped3A : memref<!tpu.dma_semaphore, #tpu.memory_space<semaphore_mem>>)
        %dma_wait3A = arith.constant 0 : i32
        %dma_wait3A_85 = tpu.memref_slice %arg2[%min3A_74, %dma_wait3A] : memref<320000x128xf32, #tpu.memory_space<hbm>> -> memref<512x128xf32, #tpu.memory_space<hbm>>
        %dma_wait3A_86 = arith.constant 0 : i32
        %dma_wait3A_87 = tpu.memref_slice %arg2[%min3A_74, %dma_wait3A_86] : memref<320000x128xf32, #tpu.memory_space<hbm>> -> memref<512x128xf32, #tpu.memory_space<hbm>>
        tpu.wait_dma2 semaphore(%run_scoped3A : memref<!tpu.dma_semaphore, #tpu.memory_space<semaphore_mem>>) src(%dma_wait3A_87 : memref<512x128xf32, #tpu.memory_space<hbm>>) dst(%arg6 : memref<512x128xf32, #tpu.memory_space<vmem>>)
        tpu.yield
      }) : () -> ()
      "tpu.region"() ({
        %run_scoped3A = tpu.sem_alloc : memref<!tpu.dma_semaphore, #tpu.memory_space<semaphore_mem>>
        %dma_start3A = tpu.memref_slice %arg3[%min3A_74] : memref<320000xi32, #tpu.memory_space<hbm>> -> memref<512xi32, #tpu.memory_space<hbm>>
        %dma_start3A_82 = tpu.memref_slice %arg3[%min3A_74] : memref<320000xi32, #tpu.memory_space<hbm>> -> memref<512xi32, #tpu.memory_space<hbm>>
        tpu.enqueue_dma source(%dma_start3A_82 : memref<512xi32, #tpu.memory_space<hbm>>) target(%arg7 : memref<512xi32, #tpu.memory_space<vmem>>) target_semaphore(%run_scoped3A : memref<!tpu.dma_semaphore, #tpu.memory_space<semaphore_mem>>)
        %dma_wait3A = tpu.memref_slice %arg3[%min3A_74] : memref<320000xi32, #tpu.memory_space<hbm>> -> memref<512xi32, #tpu.memory_space<hbm>>
        %dma_wait3A_83 = tpu.memref_slice %arg3[%min3A_74] : memref<320000xi32, #tpu.memory_space<hbm>> -> memref<512xi32, #tpu.memory_space<hbm>>
        tpu.wait_dma2 semaphore(%run_scoped3A : memref<!tpu.dma_semaphore, #tpu.memory_space<semaphore_mem>>) src(%dma_wait3A_83 : memref<512xi32, #tpu.memory_space<hbm>>) dst(%arg7 : memref<512xi32, #tpu.memory_space<vmem>>)
        tpu.yield
      }) : () -> ()
      %scan3A_76 = arith.constant 0 : i32
      %scan3A_77 = arith.constant 0 : i32
      %scan3A_78 = arith.constant 32 : i32
      %scan3A_79 = arith.addi %scan3A_77, %scan3A_78 : i32
      %scan3A_80 = arith.constant 1 : i32
      scf.for %scan3A_82 = %scan3A_77 to %scan3A_79 step %scan3A_80  : i32 {
        %mul3A_83 = arith.constant 16 : i32
        %mul3A_84 = arith.muli %scan3A_82, %mul3A_83 : i32
        %get3A_85 = arith.index_cast %mul3A_84 : i32 to index
        %get3A_86 = tpu.vector_load %arg7[%get3A_85] {strides = array<i32>} : memref<512xi32, #tpu.memory_space<vmem>>, vector<16xi32>,
        %get3A_87 = vector.shape_cast %get3A_86 : vector<16xi32> to vector<16xi32>
        %mul3A_88 = arith.constant 16 : i32
        %mul3A_89 = arith.muli %scan3A_82, %mul3A_88 : i32
        %add3A_90 = vector.broadcast %mul3A_89 : i32 to vector<16xi32>
        %add3A_91 = arith.addi %iota3A, %add3A_90 : vector<16xi32>
        %sub3A_92 = vector.broadcast %sub3A_58 : i32 to vector<16xi32>
        %sub3A_93 = arith.subi %get3A_87, %sub3A_92 : vector<16xi32>
        %max3A = arith.constant 0 : i32
        %max3A_94 = vector.broadcast %max3A : i32 to vector<16xi32>
        %max3A_95 = arith.maxsi %sub3A_93, %max3A_94 : vector<16xi32>
        %min3A_96 = arith.constant 33 : i32
        %min3A_97 = vector.broadcast %min3A_96 : i32 to vector<16xi32>
        %min3A_98 = arith.minsi %max3A_95, %min3A_97 : vector<16xi32>
        %ge3A = vector.broadcast %sub3A_75 : i32 to vector<16xi32>
        %ge3A_99 = arith.cmpi sge, %add3A_91, %ge3A : vector<16xi32>
        %jit3A_100 = arith.constant 0 : i32
        %broadcast_in_dim3A = vector.broadcast %jit3A_100 : i32 to vector<16xi32>
        %select_n3A_101 = arith.select %ge3A_99, %min3A_98, %broadcast_in_dim3A : vector<16xi1>, vector<16xi32>
        %mul3A_102 = arith.constant 16 : i32
        %mul3A_103 = arith.muli %scan3A_82, %mul3A_102 : i32
        %slice3A_104 = vector.extract_strided_slice %select_n3A_101 {offsets = [0], sizes = [1], strides = [1]} : vector<16xi32> to vector<1xi32>
        %squeeze3A_105 = vector.extract %slice3A_104[0] : i32 from vector<1xi32>
        %add3A_106 = arith.constant 0 : i32
        %add3A_107 = arith.addi %mul3A_103, %add3A_106 : i32
        %get3A_108 = arith.index_cast %add3A_107 : i32 to index
        %get3A_109 = arith.constant 0 : index
        %get3A_110 = tpu.vector_load %arg6[%get3A_108, %get3A_109] {strides = array<i32>} : memref<512x128xf32, #tpu.memory_space<vmem>>, vector<1x16xf32>,
        %get3A_111 = vector.shape_cast %get3A_110 : vector<1x16xf32> to vector<16xf32>
        %swap3A = arith.index_cast %squeeze3A_105 : i32 to index
        %swap3A_112 = arith.constant 0 : index
        %swap3A_113 = tpu.vector_load %arg8[%swap3A, %swap3A_112] {strides = array<i32>} : memref<34x128xf32, #tpu.memory_space<vmem>>, vector<1x16xf32>,
        %swap3A_114 = vector.shape_cast %swap3A_113 : vector<1x16xf32> to vector<16xf32>
        %swap3A_115 = vector.shape_cast %get3A_111 : vector<16xf32> to vector<1x16xf32>
        tpu.vector_store %arg8[%swap3A, %swap3A_112], %swap3A_115 {add = true, strides = array<i32>} : memref<34x128xf32, #tpu.memory_space<vmem>>, vector<1x16xf32>,
        %get3A_116 = arith.index_cast %add3A_107 : i32 to index
        %get3A_117 = arith.constant 16 : index
        %get3A_118 = tpu.vector_load %arg6[%get3A_116, %get3A_117] {strides = array<i32>} : memref<512x128xf32, #tpu.memory_space<vmem>>, vector<1x16xf32>,
        %get3A_119 = vector.shape_cast %get3A_118 : vector<1x16xf32> to vector<16xf32>
        %swap3A_120 = arith.index_cast %squeeze3A_105 : i32 to index
        %swap3A_121 = arith.constant 16 : index
        %swap3A_122 = tpu.vector_load %arg8[%swap3A_120, %swap3A_121] {strides = array<i32>} : memref<34x128xf32, #tpu.memory_space<vmem>>, vector<1x16xf32>,
        %swap3A_123 = vector.shape_cast %swap3A_122 : vector<1x16xf32> to vector<16xf32>
        %swap3A_124 = vector.shape_cast %get3A_119 : vector<16xf32> to vector<1x16xf32>
        tpu.vector_store %arg8[%swap3A_120, %swap3A_121], %swap3A_124 {add = true, strides = array<i32>} : memref<34x128xf32, #tpu.memory_space<vmem>>, vector<1x16xf32>,
        %get3A_125 = arith.index_cast %add3A_107 : i32 to index
        %get3A_126 = arith.constant 32 : index
        %get3A_127 = tpu.vector_load %arg6[%get3A_125, %get3A_126] {strides = array<i32>} : memref<512x128xf32, #tpu.memory_space<vmem>>, vector<1x16xf32>,
        %get3A_128 = vector.shape_cast %get3A_127 : vector<1x16xf32> to vector<16xf32>
        %swap3A_129 = arith.index_cast %squeeze3A_105 : i32 to index
        %swap3A_130 = arith.constant 32 : index
        %swap3A_131 = tpu.vector_load %arg8[%swap3A_129, %swap3A_130] {strides = array<i32>} : memref<34x128xf32, #tpu.memory_space<vmem>>, vector<1x16xf32>,
        %swap3A_132 = vector.shape_cast %swap3A_131 : vector<1x16xf32> to vector<16xf32>
        %swap3A_133 = vector.shape_cast %get3A_128 : vector<16xf32> to vector<1x16xf32>
        tpu.vector_store %arg8[%swap3A_129, %swap3A_130], %swap3A_133 {add = true, strides = array<i32>} : memref<34x128xf32, #tpu.memory_space<vmem>>, vector<1x16xf32>,
        %get3A_134 = arith.index_cast %add3A_107 : i32 to index
        %get3A_135 = arith.constant 48 : index
        %get3A_136 = tpu.vector_load %arg6[%get3A_134, %get3A_135] {strides = array<i32>} : memref<512x128xf32, #tpu.memory_space<vmem>>, vector<1x16xf32>,
        %get3A_137 = vector.shape_cast %get3A_136 : vector<1x16xf32> to vector<16xf32>
        %swap3A_138 = arith.index_cast %squeeze3A_105 : i32 to index
        %swap3A_139 = arith.constant 48 : index
        %swap3A_140 = tpu.vector_load %arg8[%swap3A_138, %swap3A_139] {strides = array<i32>} : memref<34x128xf32, #tpu.memory_space<vmem>>, vector<1x16xf32>,
        %swap3A_141 = vector.shape_cast %swap3A_140 : vector<1x16xf32> to vector<16xf32>
        %swap3A_142 = vector.shape_cast %get3A_137 : vector<16xf32> to vector<1x16xf32>
        tpu.vector_store %arg8[%swap3A_138, %swap3A_139], %swap3A_142 {add = true, strides = array<i32>} : memref<34x128xf32, #tpu.memory_space<vmem>>, vector<1x16xf32>,
        %get3A_143 = arith.index_cast %add3A_107 : i32 to index
        %get3A_144 = arith.constant 64 : index
        %get3A_145 = tpu.vector_load %arg6[%get3A_143, %get3A_144] {strides = array<i32>} : memref<512x128xf32, #tpu.memory_space<vmem>>, vector<1x16xf32>,
        %get3A_146 = vector.shape_cast %get3A_145 : vector<1x16xf32> to vector<16xf32>
        %swap3A_147 = arith.index_cast %squeeze3A_105 : i32 to index
        %swap3A_148 = arith.constant 64 : index
        %swap3A_149 = tpu.vector_load %arg8[%swap3A_147, %swap3A_148] {strides = array<i32>} : memref<34x128xf32, #tpu.memory_space<vmem>>, vector<1x16xf32>,
        %swap3A_150 = vector.shape_cast %swap3A_149 : vector<1x16xf32> to vector<16xf32>
        %swap3A_151 = vector.shape_cast %get3A_146 : vector<16xf32> to vector<1x16xf32>
        tpu.vector_store %arg8[%swap3A_147, %swap3A_148], %swap3A_151 {add = true, strides = array<i32>} : memref<34x128xf32, #tpu.memory_space<vmem>>, vector<1x16xf32>,
        %get3A_152 = arith.index_cast %add3A_107 : i32 to index
        %get3A_153 = arith.constant 80 : index
        %get3A_154 = tpu.vector_load %arg6[%get3A_152, %get3A_153] {strides = array<i32>} : memref<512x128xf32, #tpu.memory_space<vmem>>, vector<1x16xf32>,
        %get3A_155 = vector.shape_cast %get3A_154 : vector<1x16xf32> to vector<16xf32>
        %swap3A_156 = arith.index_cast %squeeze3A_105 : i32 to index
        %swap3A_157 = arith.constant 80 : index
        %swap3A_158 = tpu.vector_load %arg8[%swap3A_156, %swap3A_157] {strides = array<i32>} : memref<34x128xf32, #tpu.memory_space<vmem>>, vector<1x16xf32>,
        %swap3A_159 = vector.shape_cast %swap3A_158 : vector<1x16xf32> to vector<16xf32>
        %swap3A_160 = vector.shape_cast %get3A_155 : vector<16xf32> to vector<1x16xf32>
        tpu.vector_store %arg8[%swap3A_156, %swap3A_157], %swap3A_160 {add = true, strides = array<i32>} : memref<34x128xf32, #tpu.memory_space<vmem>>, vector<1x16xf32>,
        %get3A_161 = arith.index_cast %add3A_107 : i32 to index
        %get3A_162 = arith.constant 96 : index
        %get3A_163 = tpu.vector_load %arg6[%get3A_161, %get3A_162] {strides = array<i32>} : memref<512x128xf32, #tpu.memory_space<vmem>>, vector<1x16xf32>,
        %get3A_164 = vector.shape_cast %get3A_163 : vector<1x16xf32> to vector<16xf32>
        %swap3A_165 = arith.index_cast %squeeze3A_105 : i32 to index
        %swap3A_166 = arith.constant 96 : index
        %swap3A_167 = tpu.vector_load %arg8[%swap3A_165, %swap3A_166] {strides = array<i32>} : memref<34x128xf32, #tpu.memory_space<vmem>>, vector<1x16xf32>,
        %swap3A_168 = vector.shape_cast %swap3A_167 : vector<1x16xf32> to vector<16xf32>
        %swap3A_169 = vector.shape_cast %get3A_164 : vector<16xf32> to vector<1x16xf32>
        tpu.vector_store %arg8[%swap3A_165, %swap3A_166], %swap3A_169 {add = true, strides = array<i32>} : memref<34x128xf32, #tpu.memory_space<vmem>>, vector<1x16xf32>,
        %get3A_170 = arith.index_cast %add3A_107 : i32 to index
        %get3A_171 = arith.constant 112 : index
        %get3A_172 = tpu.vector_load %arg6[%get3A_170, %get3A_171] {strides = array<i32>} : memref<512x128xf32, #tpu.memory_space<vmem>>, vector<1x16xf32>,
        %get3A_173 = vector.shape_cast %get3A_172 : vector<1x16xf32> to vector<16xf32>
        %swap3A_174 = arith.index_cast %squeeze3A_105 : i32 to index
        %swap3A_175 = arith.constant 112 : index
        %swap3A_176 = tpu.vector_load %arg8[%swap3A_174, %swap3A_175] {strides = array<i32>} : memref<34x128xf32, #tpu.memory_space<vmem>>, vector<1x16xf32>,
        %swap3A_177 = vector.shape_cast %swap3A_176 : vector<1x16xf32> to vector<16xf32>
        %swap3A_178 = vector.shape_cast %get3A_173 : vector<16xf32> to vector<1x16xf32>
        tpu.vector_store %arg8[%swap3A_174, %swap3A_175], %swap3A_178 {add = true, strides = array<i32>} : memref<34x128xf32, #tpu.memory_space<vmem>>, vector<1x16xf32>,
        %slice3A_179 = vector.extract_strided_slice %select_n3A_101 {offsets = [1], sizes = [1], strides = [1]} : vector<16xi32> to vector<1xi32>
        %squeeze3A_180 = vector.extract %slice3A_179[0] : i32 from vector<1xi32>
        %add3A_181 = arith.constant 1 : i32
        %add3A_182 = arith.addi %mul3A_103, %add3A_181 : i32
        %get3A_183 = arith.index_cast %add3A_182 : i32 to index
        %get3A_184 = arith.constant 0 : index
        %get3A_185 = tpu.vector_load %arg6[%get3A_183, %get3A_184] {strides = array<i32>} : memref<512x128xf32, #tpu.memory_space<vmem>>, vector<1x16xf32>,
        %get3A_186 = vector.shape_cast %get3A_185 : vector<1x16xf32> to vector<16xf32>
        %swap3A_187 = arith.index_cast %squeeze3A_180 : i32 to index
        %swap3A_188 = arith.constant 0 : index
        %swap3A_189 = tpu.vector_load %arg8[%swap3A_187, %swap3A_188] {strides = array<i32>} : memref<34x128xf32, #tpu.memory_space<vmem>>, vector<1x16xf32>,
        %swap3A_190 = vector.shape_cast %swap3A_189 : vector<1x16xf32> to vector<16xf32>
        %swap3A_191 = vector.shape_cast %get3A_186 : vector<16xf32> to vector<1x16xf32>
        tpu.vector_store %arg8[%swap3A_187, %swap3A_188], %swap3A_191 {add = true, strides = array<i32>} : memref<34x128xf32, #tpu.memory_space<vmem>>, vector<1x16xf32>,
        %get3A_192 = arith.index_cast %add3A_182 : i32 to index
        %get3A_193 = arith.constant 16 : index
        %get3A_194 = tpu.vector_load %arg6[%get3A_192, %get3A_193] {strides = array<i32>} : memref<512x128xf32, #tpu.memory_space<vmem>>, vector<1x16xf32>,
        %get3A_195 = vector.shape_cast %get3A_194 : vector<1x16xf32> to vector<16xf32>
        %swap3A_196 = arith.index_cast %squeeze3A_180 : i32 to index
        %swap3A_197 = arith.constant 16 : index
        %swap3A_198 = tpu.vector_load %arg8[%swap3A_196, %swap3A_197] {strides = array<i32>} : memref<34x128xf32, #tpu.memory_space<vmem>>, vector<1x16xf32>,
        %swap3A_199 = vector.shape_cast %swap3A_198 : vector<1x16xf32> to vector<16xf32>
        %swap3A_200 = vector.shape_cast %get3A_195 : vector<16xf32> to vector<1x16xf32>
        tpu.vector_store %arg8[%swap3A_196, %swap3A_197], %swap3A_200 {add = true, strides = array<i32>} : memref<34x128xf32, #tpu.memory_space<vmem>>, vector<1x16xf32>,
        %get3A_201 = arith.index_cast %add3A_182 : i32 to index
        %get3A_202 = arith.constant 32 : index
        %get3A_203 = tpu.vector_load %arg6[%get3A_201, %get3A_202] {strides = array<i32>} : memref<512x128xf32, #tpu.memory_space<vmem>>, vector<1x16xf32>,
        %get3A_204 = vector.shape_cast %get3A_203 : vector<1x16xf32> to vector<16xf32>
        %swap3A_205 = arith.index_cast %squeeze3A_180 : i32 to index
        %swap3A_206 = arith.constant 32 : index
        %swap3A_207 = tpu.vector_load %arg8[%swap3A_205, %swap3A_206] {strides = array<i32>} : memref<34x128xf32, #tpu.memory_space<vmem>>, vector<1x16xf32>,
        %swap3A_208 = vector.shape_cast %swap3A_207 : vector<1x16xf32> to vector<16xf32>
        %swap3A_209 = vector.shape_cast %get3A_204 : vector<16xf32> to vector<1x16xf32>
        tpu.vector_store %arg8[%swap3A_205, %swap3A_206], %swap3A_209 {add = true, strides = array<i32>} : memref<34x128xf32, #tpu.memory_space<vmem>>, vector<1x16xf32>,
        %get3A_210 = arith.index_cast %add3A_182 : i32 to index
        %get3A_211 = arith.constant 48 : index
        %get3A_212 = tpu.vector_load %arg6[%get3A_210, %get3A_211] {strides = array<i32>} : memref<512x128xf32, #tpu.memory_space<vmem>>, vector<1x16xf32>,
        %get3A_213 = vector.shape_cast %get3A_212 : vector<1x16xf32> to vector<16xf32>
        %swap3A_214 = arith.index_cast %squeeze3A_180 : i32 to index
        %swap3A_215 = arith.constant 48 : index
        %swap3A_216 = tpu.vector_load %arg8[%swap3A_214, %swap3A_215] {strides = array<i32>} : memref<34x128xf32, #tpu.memory_space<vmem>>, vector<1x16xf32>,
        %swap3A_217 = vector.shape_cast %swap3A_216 : vector<1x16xf32> to vector<16xf32>
        %swap3A_218 = vector.shape_cast %get3A_213 : vector<16xf32> to vector<1x16xf32>
        tpu.vector_store %arg8[%swap3A_214, %swap3A_215], %swap3A_218 {add = true, strides = array<i32>} : memref<34x128xf32, #tpu.memory_space<vmem>>, vector<1x16xf32>,
        %get3A_219 = arith.index_cast %add3A_182 : i32 to index
        %get3A_220 = arith.constant 64 : index
        %get3A_221 = tpu.vector_load %arg6[%get3A_219, %get3A_220] {strides = array<i32>} : memref<512x128xf32, #tpu.memory_space<vmem>>, vector<1x16xf32>,
        %get3A_222 = vector.shape_cast %get3A_221 : vector<1x16xf32> to vector<16xf32>
        %swap3A_223 = arith.index_cast %squeeze3A_180 : i32 to index
        %swap3A_224 = arith.constant 64 : index
        %swap3A_225 = tpu.vector_load %arg8[%swap3A_223, %swap3A_224] {strides = array<i32>} : memref<34x128xf32, #tpu.memory_space<vmem>>, vector<1x16xf32>,
        %swap3A_226 = vector.shape_cast %swap3A_225 : vector<1x16xf32> to vector<16xf32>
        %swap3A_227 = vector.shape_cast %get3A_222 : vector<16xf32> to vector<1x16xf32>
        tpu.vector_store %arg8[%swap3A_223, %swap3A_224], %swap3A_227 {add = true, strides = array<i32>} : memref<34x128xf32, #tpu.memory_space<vmem>>, vector<1x16xf32>,
        %get3A_228 = arith.index_cast %add3A_182 : i32 to index
        %get3A_229 = arith.constant 80 : index
        %get3A_230 = tpu.vector_load %arg6[%get3A_228, %get3A_229] {strides = array<i32>} : memref<512x128xf32, #tpu.memory_space<vmem>>, vector<1x16xf32>,
        %get3A_231 = vector.shape_cast %get3A_230 : vector<1x16xf32> to vector<16xf32>
        %swap3A_232 = arith.index_cast %squeeze3A_180 : i32 to index
        %swap3A_233 = arith.constant 80 : index
        %swap3A_234 = tpu.vector_load %arg8[%swap3A_232, %swap3A_233] {strides = array<i32>} : memref<34x128xf32, #tpu.memory_space<vmem>>, vector<1x16xf32>,
        %swap3A_235 = vector.shape_cast %swap3A_234 : vector<1x16xf32> to vector<16xf32>
        %swap3A_236 = vector.shape_cast %get3A_231 : vector<16xf32> to vector<1x16xf32>
        tpu.vector_store %arg8[%swap3A_232, %swap3A_233], %swap3A_236 {add = true, strides = array<i32>} : memref<34x128xf32, #tpu.memory_space<vmem>>, vector<1x16xf32>,
        %get3A_237 = arith.index_cast %add3A_182 : i32 to index
        %get3A_238 = arith.constant 96 : index
        %get3A_239 = tpu.vector_load %arg6[%get3A_237, %get3A_238] {strides = array<i32>} : memref<512x128xf32, #tpu.memory_space<vmem>>, vector<1x16xf32>,
        %get3A_240 = vector.shape_cast %get3A_239 : vector<1x16xf32> to vector<16xf32>
        %swap3A_241 = arith.index_cast %squeeze3A_180 : i32 to index
        %swap3A_242 = arith.constant 96 : index
        %swap3A_243 = tpu.vector_load %arg8[%swap3A_241, %swap3A_242] {strides = array<i32>} : memref<34x128xf32, #tpu.memory_space<vmem>>, vector<1x16xf32>,
        %swap3A_244 = vector.shape_cast %swap3A_243 : vector<1x16xf32> to vector<16xf32>
        %swap3A_245 = vector.shape_cast %get3A_240 : vector<16xf32> to vector<1x16xf32>
        tpu.vector_store %arg8[%swap3A_241, %swap3A_242], %swap3A_245 {add = true, strides = array<i32>} : memref<34x128xf32, #tpu.memory_space<vmem>>, vector<1x16xf32>,
        %get3A_246 = arith.index_cast %add3A_182 : i32 to index
        %get3A_247 = arith.constant 112 : index
        %get3A_248 = tpu.vector_load %arg6[%get3A_246, %get3A_247] {strides = array<i32>} : memref<512x128xf32, #tpu.memory_space<vmem>>, vector<1x16xf32>,
        %get3A_249 = vector.shape_cast %get3A_248 : vector<1x16xf32> to vector<16xf32>
        %swap3A_250 = arith.index_cast %squeeze3A_180 : i32 to index
        %swap3A_251 = arith.constant 112 : index
        %swap3A_252 = tpu.vector_load %arg8[%swap3A_250, %swap3A_251] {strides = array<i32>} : memref<34x128xf32, #tpu.memory_space<vmem>>, vector<1x16xf32>,
        %swap3A_253 = vector.shape_cast %swap3A_252 : vector<1x16xf32> to vector<16xf32>
        %swap3A_254 = vector.shape_cast %get3A_249 : vector<16xf32> to vector<1x16xf32>
        tpu.vector_store %arg8[%swap3A_250, %swap3A_251], %swap3A_254 {add = true, strides = array<i32>} : memref<34x128xf32, #tpu.memory_space<vmem>>, vector<1x16xf32>,
        %slice3A_255 = vector.extract_strided_slice %select_n3A_101 {offsets = [2], sizes = [1], strides = [1]} : vector<16xi32> to vector<1xi32>
        %squeeze3A_256 = vector.extract %slice3A_255[0] : i32 from vector<1xi32>
        %add3A_257 = arith.constant 2 : i32
        %add3A_258 = arith.addi %mul3A_103, %add3A_257 : i32
        %get3A_259 = arith.index_cast %add3A_258 : i32 to index
        %get3A_260 = arith.constant 0 : index
        %get3A_261 = tpu.vector_load %arg6[%get3A_259, %get3A_260] {strides = array<i32>} : memref<512x128xf32, #tpu.memory_space<vmem>>, vector<1x16xf32>,
        %get3A_262 = vector.shape_cast %get3A_261 : vector<1x16xf32> to vector<16xf32>
        %swap3A_263 = arith.index_cast %squeeze3A_256 : i32 to index
        %swap3A_264 = arith.constant 0 : index
        %swap3A_265 = tpu.vector_load %arg8[%swap3A_263, %swap3A_264] {strides = array<i32>} : memref<34x128xf32, #tpu.memory_space<vmem>>, vector<1x16xf32>,
        %swap3A_266 = vector.shape_cast %swap3A_265 : vector<1x16xf32> to vector<16xf32>
        %swap3A_267 = vector.shape_cast %get3A_262 : vector<16xf32> to vector<1x16xf32>
        tpu.vector_store %arg8[%swap3A_263, %swap3A_264], %swap3A_267 {add = true, strides = array<i32>} : memref<34x128xf32, #tpu.memory_space<vmem>>, vector<1x16xf32>,
        %get3A_268 = arith.index_cast %add3A_258 : i32 to index
        %get3A_269 = arith.constant 16 : index
        %get3A_270 = tpu.vector_load %arg6[%get3A_268, %get3A_269] {strides = array<i32>} : memref<512x128xf32, #tpu.memory_space<vmem>>, vector<1x16xf32>,
        %get3A_271 = vector.shape_cast %get3A_270 : vector<1x16xf32> to vector<16xf32>
        %swap3A_272 = arith.index_cast %squeeze3A_256 : i32 to index
        %swap3A_273 = arith.constant 16 : index
        %swap3A_274 = tpu.vector_load %arg8[%swap3A_272, %swap3A_273] {strides = array<i32>} : memref<34x128xf32, #tpu.memory_space<vmem>>, vector<1x16xf32>,
        %swap3A_275 = vector.shape_cast %swap3A_274 : vector<1x16xf32> to vector<16xf32>
        %swap3A_276 = vector.shape_cast %get3A_271 : vector<16xf32> to vector<1x16xf32>
        tpu.vector_store %arg8[%swap3A_272, %swap3A_273], %swap3A_276 {add = true, strides = array<i32>} : memref<34x128xf32, #tpu.memory_space<vmem>>, vector<1x16xf32>,
        %get3A_277 = arith.index_cast %add3A_258 : i32 to index
        %get3A_278 = arith.constant 32 : index
        %get3A_279 = tpu.vector_load %arg6[%get3A_277, %get3A_278] {strides = array<i32>} : memref<512x128xf32, #tpu.memory_space<vmem>>, vector<1x16xf32>,
        %get3A_280 = vector.shape_cast %get3A_279 : vector<1x16xf32> to vector<16xf32>
        %swap3A_281 = arith.index_cast %squeeze3A_256 : i32 to index
        %swap3A_282 = arith.constant 32 : index
        %swap3A_283 = tpu.vector_load %arg8[%swap3A_281, %swap3A_282] {strides = array<i32>} : memref<34x128xf32, #tpu.memory_space<vmem>>, vector<1x16xf32>,
        %swap3A_284 = vector.shape_cast %swap3A_283 : vector<1x16xf32> to vector<16xf32>
        %swap3A_285 = vector.shape_cast %get3A_280 : vector<16xf32> to vector<1x16xf32>
        tpu.vector_store %arg8[%swap3A_281, %swap3A_282], %swap3A_285 {add = true, strides = array<i32>} : memref<34x128xf32, #tpu.memory_space<vmem>>, vector<1x16xf32>,
        %get3A_286 = arith.index_cast %add3A_258 : i32 to index
        %get3A_287 = arith.constant 48 : index
        %get3A_288 = tpu.vector_load %arg6[%get3A_286, %get3A_287] {strides = array<i32>} : memref<512x128xf32, #tpu.memory_space<vmem>>, vector<1x16xf32>,
        %get3A_289 = vector.shape_cast %get3A_288 : vector<1x16xf32> to vector<16xf32>
        %swap3A_290 = arith.index_cast %squeeze3A_256 : i32 to index
        %swap3A_291 = arith.constant 48 : index
        %swap3A_292 = tpu.vector_load %arg8[%swap3A_290, %swap3A_291] {strides = array<i32>} : memref<34x128xf32, #tpu.memory_space<vmem>>, vector<1x16xf32>,
        %swap3A_293 = vector.shape_cast %swap3A_292 : vector<1x16xf32> to vector<16xf32>
        %swap3A_294 = vector.shape_cast %get3A_289 : vector<16xf32> to vector<1x16xf32>
        tpu.vector_store %arg8[%swap3A_290, %swap3A_291], %swap3A_294 {add = true, strides = array<i32>} : memref<34x128xf32, #tpu.memory_space<vmem>>, vector<1x16xf32>,
        %get3A_295 = arith.index_cast %add3A_258 : i32 to index
        %get3A_296 = arith.constant 64 : index
        %get3A_297 = tpu.vector_load %arg6[%get3A_295, %get3A_296] {strides = array<i32>} : memref<512x128xf32, #tpu.memory_space<vmem>>, vector<1x16xf32>,
        %get3A_298 = vector.shape_cast %get3A_297 : vector<1x16xf32> to vector<16xf32>
        %swap3A_299 = arith.index_cast %squeeze3A_256 : i32 to index
        %swap3A_300 = arith.constant 64 : index
        %swap3A_301 = tpu.vector_load %arg8[%swap3A_299, %swap3A_300] {strides = array<i32>} : memref<34x128xf32, #tpu.memory_space<vmem>>, vector<1x16xf32>,
        %swap3A_302 = vector.shape_cast %swap3A_301 : vector<1x16xf32> to vector<16xf32>
        %swap3A_303 = vector.shape_cast %get3A_298 : vector<16xf32> to vector<1x16xf32>
        tpu.vector_store %arg8[%swap3A_299, %swap3A_300], %swap3A_303 {add = true, strides = array<i32>} : memref<34x128xf32, #tpu.memory_space<vmem>>, vector<1x16xf32>,
        %get3A_304 = arith.index_cast %add3A_258 : i32 to index
        %get3A_305 = arith.constant 80 : index
        %get3A_306 = tpu.vector_load %arg6[%get3A_304, %get3A_305] {strides = array<i32>} : memref<512x128xf32, #tpu.memory_space<vmem>>, vector<1x16xf32>,
        %get3A_307 = vector.shape_cast %get3A_306 : vector<1x16xf32> to vector<16xf32>
        %swap3A_308 = arith.index_cast %squeeze3A_256 : i32 to index
        %swap3A_309 = arith.constant 80 : index
        %swap3A_310 = tpu.vector_load %arg8[%swap3A_308, %swap3A_309] {strides = array<i32>} : memref<34x128xf32, #tpu.memory_space<vmem>>, vector<1x16xf32>,
        %swap3A_311 = vector.shape_cast %swap3A_310 : vector<1x16xf32> to vector<16xf32>
        %swap3A_312 = vector.shape_cast %get3A_307 : vector<16xf32> to vector<1x16xf32>
        tpu.vector_store %arg8[%swap3A_308, %swap3A_309], %swap3A_312 {add = true, strides = array<i32>} : memref<34x128xf32, #tpu.memory_space<vmem>>, vector<1x16xf32>,
        %get3A_313 = arith.index_cast %add3A_258 : i32 to index
        %get3A_314 = arith.constant 96 : index
        %get3A_315 = tpu.vector_load %arg6[%get3A_313, %get3A_314] {strides = array<i32>} : memref<512x128xf32, #tpu.memory_space<vmem>>, vector<1x16xf32>,
        %get3A_316 = vector.shape_cast %get3A_315 : vector<1x16xf32> to vector<16xf32>
        %swap3A_317 = arith.index_cast %squeeze3A_256 : i32 to index
        %swap3A_318 = arith.constant 96 : index
        %swap3A_319 = tpu.vector_load %arg8[%swap3A_317, %swap3A_318] {strides = array<i32>} : memref<34x128xf32, #tpu.memory_space<vmem>>, vector<1x16xf32>,
        %swap3A_320 = vector.shape_cast %swap3A_319 : vector<1x16xf32> to vector<16xf32>
        %swap3A_321 = vector.shape_cast %get3A_316 : vector<16xf32> to vector<1x16xf32>
        tpu.vector_store %arg8[%swap3A_317, %swap3A_318], %swap3A_321 {add = true, strides = array<i32>} : memref<34x128xf32, #tpu.memory_space<vmem>>, vector<1x16xf32>,
        %get3A_322 = arith.index_cast %add3A_258 : i32 to index
        %get3A_323 = arith.constant 112 : index
        %get3A_324 = tpu.vector_load %arg6[%get3A_322, %get3A_323] {strides = array<i32>} : memref<512x128xf32, #tpu.memory_space<vmem>>, vector<1x16xf32>,
        %get3A_325 = vector.shape_cast %get3A_324 : vector<1x16xf32> to vector<16xf32>
        %swap3A_326 = arith.index_cast %squeeze3A_256 : i32 to index
        %swap3A_327 = arith.constant 112 : index
        %swap3A_328 = tpu.vector_load %arg8[%swap3A_326, %swap3A_327] {strides = array<i32>} : memref<34x128xf32, #tpu.memory_space<vmem>>, vector<1x16xf32>,
        %swap3A_329 = vector.shape_cast %swap3A_328 : vector<1x16xf32> to vector<16xf32>
        %swap3A_330 = vector.shape_cast %get3A_325 : vector<16xf32> to vector<1x16xf32>
        tpu.vector_store %arg8[%swap3A_326, %swap3A_327], %swap3A_330 {add = true, strides = array<i32>} : memref<34x128xf32, #tpu.memory_space<vmem>>, vector<1x16xf32>,
        %slice3A_331 = vector.extract_strided_slice %select_n3A_101 {offsets = [3], sizes = [1], strides = [1]} : vector<16xi32> to vector<1xi32>
        %squeeze3A_332 = vector.extract %slice3A_331[0] : i32 from vector<1xi32>
        %add3A_333 = arith.constant 3 : i32
        %add3A_334 = arith.addi %mul3A_103, %add3A_333 : i32
        %get3A_335 = arith.index_cast %add3A_334 : i32 to index
        %get3A_336 = arith.constant 0 : index
        %get3A_337 = tpu.vector_load %arg6[%get3A_335, %get3A_336] {strides = array<i32>} : memref<512x128xf32, #tpu.memory_space<vmem>>, vector<1x16xf32>,
        %get3A_338 = vector.shape_cast %get3A_337 : vector<1x16xf32> to vector<16xf32>
        %swap3A_339 = arith.index_cast %squeeze3A_332 : i32 to index
        %swap3A_340 = arith.constant 0 : index
        %swap3A_341 = tpu.vector_load %arg8[%swap3A_339, %swap3A_340] {strides = array<i32>} : memref<34x128xf32, #tpu.memory_space<vmem>>, vector<1x16xf32>,
        %swap3A_342 = vector.shape_cast %swap3A_341 : vector<1x16xf32> to vector<16xf32>
        %swap3A_343 = vector.shape_cast %get3A_338 : vector<16xf32> to vector<1x16xf32>
        tpu.vector_store %arg8[%swap3A_339, %swap3A_340], %swap3A_343 {add = true, strides = array<i32>} : memref<34x128xf32, #tpu.memory_space<vmem>>, vector<1x16xf32>,
        %get3A_344 = arith.index_cast %add3A_334 : i32 to index
        %get3A_345 = arith.constant 16 : index
        %get3A_346 = tpu.vector_load %arg6[%get3A_344, %get3A_345] {strides = array<i32>} : memref<512x128xf32, #tpu.memory_space<vmem>>, vector<1x16xf32>,
        %get3A_347 = vector.shape_cast %get3A_346 : vector<1x16xf32> to vector<16xf32>
        %swap3A_348 = arith.index_cast %squeeze3A_332 : i32 to index
        %swap3A_349 = arith.constant 16 : index
        %swap3A_350 = tpu.vector_load %arg8[%swap3A_348, %swap3A_349] {strides = array<i32>} : memref<34x128xf32, #tpu.memory_space<vmem>>, vector<1x16xf32>,
        %swap3A_351 = vector.shape_cast %swap3A_350 : vector<1x16xf32> to vector<16xf32>
        %swap3A_352 = vector.shape_cast %get3A_347 : vector<16xf32> to vector<1x16xf32>
        tpu.vector_store %arg8[%swap3A_348, %swap3A_349], %swap3A_352 {add = true, strides = array<i32>} : memref<34x128xf32, #tpu.memory_space<vmem>>, vector<1x16xf32>,
        %get3A_353 = arith.index_cast %add3A_334 : i32 to index
        %get3A_354 = arith.constant 32 : index
        %get3A_355 = tpu.vector_load %arg6[%get3A_353, %get3A_354] {strides = array<i32>} : memref<512x128xf32, #tpu.memory_space<vmem>>, vector<1x16xf32>,
        %get3A_356 = vector.shape_cast %get3A_355 : vector<1x16xf32> to vector<16xf32>
        %swap3A_357 = arith.index_cast %squeeze3A_332 : i32 to index
        %swap3A_358 = arith.constant 32 : index
        %swap3A_359 = tpu.vector_load %arg8[%swap3A_357, %swap3A_358] {strides = array<i32>} : memref<34x128xf32, #tpu.memory_space<vmem>>, vector<1x16xf32>,
        %swap3A_360 = vector.shape_cast %swap3A_359 : vector<1x16xf32> to vector<16xf32>
        %swap3A_361 = vector.shape_cast %get3A_356 : vector<16xf32> to vector<1x16xf32>
        tpu.vector_store %arg8[%swap3A_357, %swap3A_358], %swap3A_361 {add = true, strides = array<i32>} : memref<34x128xf32, #tpu.memory_space<vmem>>, vector<1x16xf32>,
        %get3A_362 = arith.index_cast %add3A_334 : i32 to index
        %get3A_363 = arith.constant 48 : index
        %get3A_364 = tpu.vector_load %arg6[%get3A_362, %get3A_363] {strides = array<i32>} : memref<512x128xf32, #tpu.memory_space<vmem>>, vector<1x16xf32>,
        %get3A_365 = vector.shape_cast %get3A_364 : vector<1x16xf32> to vector<16xf32>
        %swap3A_366 = arith.index_cast %squeeze3A_332 : i32 to index
        %swap3A_367 = arith.constant 48 : index
        %swap3A_368 = tpu.vector_load %arg8[%swap3A_366, %swap3A_367] {strides = array<i32>} : memref<34x128xf32, #tpu.memory_space<vmem>>, vector<1x16xf32>,
        %swap3A_369 = vector.shape_cast %swap3A_368 : vector<1x16xf32> to vector<16xf32>
        %swap3A_370 = vector.shape_cast %get3A_365 : vector<16xf32> to vector<1x16xf32>
        tpu.vector_store %arg8[%swap3A_366, %swap3A_367], %swap3A_370 {add = true, strides = array<i32>} : memref<34x128xf32, #tpu.memory_space<vmem>>, vector<1x16xf32>,
        %get3A_371 = arith.index_cast %add3A_334 : i32 to index
        %get3A_372 = arith.constant 64 : index
        %get3A_373 = tpu.vector_load %arg6[%get3A_371, %get3A_372] {strides = array<i32>} : memref<512x128xf32, #tpu.memory_space<vmem>>, vector<1x16xf32>,
        %get3A_374 = vector.shape_cast %get3A_373 : vector<1x16xf32> to vector<16xf32>
        %swap3A_375 = arith.index_cast %squeeze3A_332 : i32 to index
        %swap3A_376 = arith.constant 64 : index
        %swap3A_377 = tpu.vector_load %arg8[%swap3A_375, %swap3A_376] {strides = array<i32>} : memref<34x128xf32, #tpu.memory_space<vmem>>, vector<1x16xf32>,
        %swap3A_378 = vector.shape_cast %swap3A_377 : vector<1x16xf32> to vector<16xf32>
        %swap3A_379 = vector.shape_cast %get3A_374 : vector<16xf32> to vector<1x16xf32>
        tpu.vector_store %arg8[%swap3A_375, %swap3A_376], %swap3A_379 {add = true, strides = array<i32>} : memref<34x128xf32, #tpu.memory_space<vmem>>, vector<1x16xf32>,
        %get3A_380 = arith.index_cast %add3A_334 : i32 to index
        %get3A_381 = arith.constant 80 : index
        %get3A_382 = tpu.vector_load %arg6[%get3A_380, %get3A_381] {strides = array<i32>} : memref<512x128xf32, #tpu.memory_space<vmem>>, vector<1x16xf32>,
        %get3A_383 = vector.shape_cast %get3A_382 : vector<1x16xf32> to vector<16xf32>
        %swap3A_384 = arith.index_cast %squeeze3A_332 : i32 to index
        %swap3A_385 = arith.constant 80 : index
        %swap3A_386 = tpu.vector_load %arg8[%swap3A_384, %swap3A_385] {strides = array<i32>} : memref<34x128xf32, #tpu.memory_space<vmem>>, vector<1x16xf32>,
        %swap3A_387 = vector.shape_cast %swap3A_386 : vector<1x16xf32> to vector<16xf32>
        %swap3A_388 = vector.shape_cast %get3A_383 : vector<16xf32> to vector<1x16xf32>
        tpu.vector_store %arg8[%swap3A_384, %swap3A_385], %swap3A_388 {add = true, strides = array<i32>} : memref<34x128xf32, #tpu.memory_space<vmem>>, vector<1x16xf32>,
        %get3A_389 = arith.index_cast %add3A_334 : i32 to index
        %get3A_390 = arith.constant 96 : index
        %get3A_391 = tpu.vector_load %arg6[%get3A_389, %get3A_390] {strides = array<i32>} : memref<512x128xf32, #tpu.memory_space<vmem>>, vector<1x16xf32>,
        %get3A_392 = vector.shape_cast %get3A_391 : vector<1x16xf32> to vector<16xf32>
        %swap3A_393 = arith.index_cast %squeeze3A_332 : i32 to index
        %swap3A_394 = arith.constant 96 : index
        %swap3A_395 = tpu.vector_load %arg8[%swap3A_393, %swap3A_394] {strides = array<i32>} : memref<34x128xf32, #tpu.memory_space<vmem>>, vector<1x16xf32>,
        %swap3A_396 = vector.shape_cast %swap3A_395 : vector<1x16xf32> to vector<16xf32>
        %swap3A_397 = vector.shape_cast %get3A_392 : vector<16xf32> to vector<1x16xf32>
        tpu.vector_store %arg8[%swap3A_393, %swap3A_394], %swap3A_397 {add = true, strides = array<i32>} : memref<34x128xf32, #tpu.memory_space<vmem>>, vector<1x16xf32>,
        %get3A_398 = arith.index_cast %add3A_334 : i32 to index
        %get3A_399 = arith.constant 112 : index
        %get3A_400 = tpu.vector_load %arg6[%get3A_398, %get3A_399] {strides = array<i32>} : memref<512x128xf32, #tpu.memory_space<vmem>>, vector<1x16xf32>,
        %get3A_401 = vector.shape_cast %get3A_400 : vector<1x16xf32> to vector<16xf32>
        %swap3A_402 = arith.index_cast %squeeze3A_332 : i32 to index
        %swap3A_403 = arith.constant 112 : index
        %swap3A_404 = tpu.vector_load %arg8[%swap3A_402, %swap3A_403] {strides = array<i32>} : memref<34x128xf32, #tpu.memory_space<vmem>>, vector<1x16xf32>,
        %swap3A_405 = vector.shape_cast %swap3A_404 : vector<1x16xf32> to vector<16xf32>
        %swap3A_406 = vector.shape_cast %get3A_401 : vector<16xf32> to vector<1x16xf32>
        tpu.vector_store %arg8[%swap3A_402, %swap3A_403], %swap3A_406 {add = true, strides = array<i32>} : memref<34x128xf32, #tpu.memory_space<vmem>>, vector<1x16xf32>,
        %slice3A_407 = vector.extract_strided_slice %select_n3A_101 {offsets = [4], sizes = [1], strides = [1]} : vector<16xi32> to vector<1xi32>
        %squeeze3A_408 = vector.extract %slice3A_407[0] : i32 from vector<1xi32>
        %add3A_409 = arith.constant 4 : i32
        %add3A_410 = arith.addi %mul3A_103, %add3A_409 : i32
        %get3A_411 = arith.index_cast %add3A_410 : i32 to index
        %get3A_412 = arith.constant 0 : index
        %get3A_413 = tpu.vector_load %arg6[%get3A_411, %get3A_412] {strides = array<i32>} : memref<512x128xf32, #tpu.memory_space<vmem>>, vector<1x16xf32>,
        %get3A_414 = vector.shape_cast %get3A_413 : vector<1x16xf32> to vector<16xf32>
        %swap3A_415 = arith.index_cast %squeeze3A_408 : i32 to index
        %swap3A_416 = arith.constant 0 : index
        %swap3A_417 = tpu.vector_load %arg8[%swap3A_415, %swap3A_416] {strides = array<i32>} : memref<34x128xf32, #tpu.memory_space<vmem>>, vector<1x16xf32>,
        %swap3A_418 = vector.shape_cast %swap3A_417 : vector<1x16xf32> to vector<16xf32>
        %swap3A_419 = vector.shape_cast %get3A_414 : vector<16xf32> to vector<1x16xf32>
        tpu.vector_store %arg8[%swap3A_415, %swap3A_416], %swap3A_419 {add = true, strides = array<i32>} : memref<34x128xf32, #tpu.memory_space<vmem>>, vector<1x16xf32>,
        %get3A_420 = arith.index_cast %add3A_410 : i32 to index
        %get3A_421 = arith.constant 16 : index
        %get3A_422 = tpu.vector_load %arg6[%get3A_420, %get3A_421] {strides = array<i32>} : memref<512x128xf32, #tpu.memory_space<vmem>>, vector<1x16xf32>,
        %get3A_423 = vector.shape_cast %get3A_422 : vector<1x16xf32> to vector<16xf32>
        %swap3A_424 = arith.index_cast %squeeze3A_408 : i32 to index
        %swap3A_425 = arith.constant 16 : index
        %swap3A_426 = tpu.vector_load %arg8[%swap3A_424, %swap3A_425] {strides = array<i32>} : memref<34x128xf32, #tpu.memory_space<vmem>>, vector<1x16xf32>,
        %swap3A_427 = vector.shape_cast %swap3A_426 : vector<1x16xf32> to vector<16xf32>
        %swap3A_428 = vector.shape_cast %get3A_423 : vector<16xf32> to vector<1x16xf32>
        tpu.vector_store %arg8[%swap3A_424, %swap3A_425], %swap3A_428 {add = true, strides = array<i32>} : memref<34x128xf32, #tpu.memory_space<vmem>>, vector<1x16xf32>,
        %get3A_429 = arith.index_cast %add3A_410 : i32 to index
        %get3A_430 = arith.constant 32 : index
        %get3A_431 = tpu.vector_load %arg6[%get3A_429, %get3A_430] {strides = array<i32>} : memref<512x128xf32, #tpu.memory_space<vmem>>, vector<1x16xf32>,
        %get3A_432 = vector.shape_cast %get3A_431 : vector<1x16xf32> to vector<16xf32>
        %swap3A_433 = arith.index_cast %squeeze3A_408 : i32 to index
        %swap3A_434 = arith.constant 32 : index
        %swap3A_435 = tpu.vector_load %arg8[%swap3A_433, %swap3A_434] {strides = array<i32>} : memref<34x128xf32, #tpu.memory_space<vmem>>, vector<1x16xf32>,
        %swap3A_436 = vector.shape_cast %swap3A_435 : vector<1x16xf32> to vector<16xf32>
        %swap3A_437 = vector.shape_cast %get3A_432 : vector<16xf32> to vector<1x16xf32>
        tpu.vector_store %arg8[%swap3A_433, %swap3A_434], %swap3A_437 {add = true, strides = array<i32>} : memref<34x128xf32, #tpu.memory_space<vmem>>, vector<1x16xf32>,
        %get3A_438 = arith.index_cast %add3A_410 : i32 to index
        %get3A_439 = arith.constant 48 : index
        %get3A_440 = tpu.vector_load %arg6[%get3A_438, %get3A_439] {strides = array<i32>} : memref<512x128xf32, #tpu.memory_space<vmem>>, vector<1x16xf32>,
        %get3A_441 = vector.shape_cast %get3A_440 : vector<1x16xf32> to vector<16xf32>
        %swap3A_442 = arith.index_cast %squeeze3A_408 : i32 to index
        %swap3A_443 = arith.constant 48 : index
        %swap3A_444 = tpu.vector_load %arg8[%swap3A_442, %swap3A_443] {strides = array<i32>} : memref<34x128xf32, #tpu.memory_space<vmem>>, vector<1x16xf32>,
        %swap3A_445 = vector.shape_cast %swap3A_444 : vector<1x16xf32> to vector<16xf32>
        %swap3A_446 = vector.shape_cast %get3A_441 : vector<16xf32> to vector<1x16xf32>
        tpu.vector_store %arg8[%swap3A_442, %swap3A_443], %swap3A_446 {add = true, strides = array<i32>} : memref<34x128xf32, #tpu.memory_space<vmem>>, vector<1x16xf32>,
        %get3A_447 = arith.index_cast %add3A_410 : i32 to index
        %get3A_448 = arith.constant 64 : index
        %get3A_449 = tpu.vector_load %arg6[%get3A_447, %get3A_448] {strides = array<i32>} : memref<512x128xf32, #tpu.memory_space<vmem>>, vector<1x16xf32>,
        %get3A_450 = vector.shape_cast %get3A_449 : vector<1x16xf32> to vector<16xf32>
        %swap3A_451 = arith.index_cast %squeeze3A_408 : i32 to index
        %swap3A_452 = arith.constant 64 : index
        %swap3A_453 = tpu.vector_load %arg8[%swap3A_451, %swap3A_452] {strides = array<i32>} : memref<34x128xf32, #tpu.memory_space<vmem>>, vector<1x16xf32>,
        %swap3A_454 = vector.shape_cast %swap3A_453 : vector<1x16xf32> to vector<16xf32>
        %swap3A_455 = vector.shape_cast %get3A_450 : vector<16xf32> to vector<1x16xf32>
        tpu.vector_store %arg8[%swap3A_451, %swap3A_452], %swap3A_455 {add = true, strides = array<i32>} : memref<34x128xf32, #tpu.memory_space<vmem>>, vector<1x16xf32>,
        %get3A_456 = arith.index_cast %add3A_410 : i32 to index
        %get3A_457 = arith.constant 80 : index
        %get3A_458 = tpu.vector_load %arg6[%get3A_456, %get3A_457] {strides = array<i32>} : memref<512x128xf32, #tpu.memory_space<vmem>>, vector<1x16xf32>,
        %get3A_459 = vector.shape_cast %get3A_458 : vector<1x16xf32> to vector<16xf32>
        %swap3A_460 = arith.index_cast %squeeze3A_408 : i32 to index
        %swap3A_461 = arith.constant 80 : index
        %swap3A_462 = tpu.vector_load %arg8[%swap3A_460, %swap3A_461] {strides = array<i32>} : memref<34x128xf32, #tpu.memory_space<vmem>>, vector<1x16xf32>,
        %swap3A_463 = vector.shape_cast %swap3A_462 : vector<1x16xf32> to vector<16xf32>
        %swap3A_464 = vector.shape_cast %get3A_459 : vector<16xf32> to vector<1x16xf32>
        tpu.vector_store %arg8[%swap3A_460, %swap3A_461], %swap3A_464 {add = true, strides = array<i32>} : memref<34x128xf32, #tpu.memory_space<vmem>>, vector<1x16xf32>,
        %get3A_465 = arith.index_cast %add3A_410 : i32 to index
        %get3A_466 = arith.constant 96 : index
        %get3A_467 = tpu.vector_load %arg6[%get3A_465, %get3A_466] {strides = array<i32>} : memref<512x128xf32, #tpu.memory_space<vmem>>, vector<1x16xf32>,
        %get3A_468 = vector.shape_cast %get3A_467 : vector<1x16xf32> to vector<16xf32>
        %swap3A_469 = arith.index_cast %squeeze3A_408 : i32 to index
        %swap3A_470 = arith.constant 96 : index
        %swap3A_471 = tpu.vector_load %arg8[%swap3A_469, %swap3A_470] {strides = array<i32>} : memref<34x128xf32, #tpu.memory_space<vmem>>, vector<1x16xf32>,
        %swap3A_472 = vector.shape_cast %swap3A_471 : vector<1x16xf32> to vector<16xf32>
        %swap3A_473 = vector.shape_cast %get3A_468 : vector<16xf32> to vector<1x16xf32>
        tpu.vector_store %arg8[%swap3A_469, %swap3A_470], %swap3A_473 {add = true, strides = array<i32>} : memref<34x128xf32, #tpu.memory_space<vmem>>, vector<1x16xf32>,
        %get3A_474 = arith.index_cast %add3A_410 : i32 to index
        %get3A_475 = arith.constant 112 : index
        %get3A_476 = tpu.vector_load %arg6[%get3A_474, %get3A_475] {strides = array<i32>} : memref<512x128xf32, #tpu.memory_space<vmem>>, vector<1x16xf32>,
        %get3A_477 = vector.shape_cast %get3A_476 : vector<1x16xf32> to vector<16xf32>
        %swap3A_478 = arith.index_cast %squeeze3A_408 : i32 to index
        %swap3A_479 = arith.constant 112 : index
        %swap3A_480 = tpu.vector_load %arg8[%swap3A_478, %swap3A_479] {strides = array<i32>} : memref<34x128xf32, #tpu.memory_space<vmem>>, vector<1x16xf32>,
        %swap3A_481 = vector.shape_cast %swap3A_480 : vector<1x16xf32> to vector<16xf32>
        %swap3A_482 = vector.shape_cast %get3A_477 : vector<16xf32> to vector<1x16xf32>
        tpu.vector_store %arg8[%swap3A_478, %swap3A_479], %swap3A_482 {add = true, strides = array<i32>} : memref<34x128xf32, #tpu.memory_space<vmem>>, vector<1x16xf32>,
        %slice3A_483 = vector.extract_strided_slice %select_n3A_101 {offsets = [5], sizes = [1], strides = [1]} : vector<16xi32> to vector<1xi32>
        %squeeze3A_484 = vector.extract %slice3A_483[0] : i32 from vector<1xi32>
        %add3A_485 = arith.constant 5 : i32
        %add3A_486 = arith.addi %mul3A_103, %add3A_485 : i32
        %get3A_487 = arith.index_cast %add3A_486 : i32 to index
        %get3A_488 = arith.constant 0 : index
        %get3A_489 = tpu.vector_load %arg6[%get3A_487, %get3A_488] {strides = array<i32>} : memref<512x128xf32, #tpu.memory_space<vmem>>, vector<1x16xf32>,
        %get3A_490 = vector.shape_cast %get3A_489 : vector<1x16xf32> to vector<16xf32>
        %swap3A_491 = arith.index_cast %squeeze3A_484 : i32 to index
        %swap3A_492 = arith.constant 0 : index
        %swap3A_493 = tpu.vector_load %arg8[%swap3A_491, %swap3A_492] {strides = array<i32>} : memref<34x128xf32, #tpu.memory_space<vmem>>, vector<1x16xf32>,
        %swap3A_494 = vector.shape_cast %swap3A_493 : vector<1x16xf32> to vector<16xf32>
        %swap3A_495 = vector.shape_cast %get3A_490 : vector<16xf32> to vector<1x16xf32>
        tpu.vector_store %arg8[%swap3A_491, %swap3A_492], %swap3A_495 {add = true, strides = array<i32>} : memref<34x128xf32, #tpu.memory_space<vmem>>, vector<1x16xf32>,
        %get3A_496 = arith.index_cast %add3A_486 : i32 to index
        %get3A_497 = arith.constant 16 : index
        %get3A_498 = tpu.vector_load %arg6[%get3A_496, %get3A_497] {strides = array<i32>} : memref<512x128xf32, #tpu.memory_space<vmem>>, vector<1x16xf32>,
        %get3A_499 = vector.shape_cast %get3A_498 : vector<1x16xf32> to vector<16xf32>
        %swap3A_500 = arith.index_cast %squeeze3A_484 : i32 to index
        %swap3A_501 = arith.constant 16 : index
        %swap3A_502 = tpu.vector_load %arg8[%swap3A_500, %swap3A_501] {strides = array<i32>} : memref<34x128xf32, #tpu.memory_space<vmem>>, vector<1x16xf32>,
        %swap3A_503 = vector.shape_cast %swap3A_502 : vector<1x16xf32> to vector<16xf32>
        %swap3A_504 = vector.shape_cast %get3A_499 : vector<16xf32> to vector<1x16xf32>
        tpu.vector_store %arg8[%swap3A_500, %swap3A_501], %swap3A_504 {add = true, strides = array<i32>} : memref<34x128xf32, #tpu.memory_space<vmem>>, vector<1x16xf32>,
        %get3A_505 = arith.index_cast %add3A_486 : i32 to index
        %get3A_506 = arith.constant 32 : index
        %get3A_507 = tpu.vector_load %arg6[%get3A_505, %get3A_506] {strides = array<i32>} : memref<512x128xf32, #tpu.memory_space<vmem>>, vector<1x16xf32>,
        %get3A_508 = vector.shape_cast %get3A_507 : vector<1x16xf32> to vector<16xf32>
        %swap3A_509 = arith.index_cast %squeeze3A_484 : i32 to index
        %swap3A_510 = arith.constant 32 : index
        %swap3A_511 = tpu.vector_load %arg8[%swap3A_509, %swap3A_510] {strides = array<i32>} : memref<34x128xf32, #tpu.memory_space<vmem>>, vector<1x16xf32>,
        %swap3A_512 = vector.shape_cast %swap3A_511 : vector<1x16xf32> to vector<16xf32>
        %swap3A_513 = vector.shape_cast %get3A_508 : vector<16xf32> to vector<1x16xf32>
        tpu.vector_store %arg8[%swap3A_509, %swap3A_510], %swap3A_513 {add = true, strides = array<i32>} : memref<34x128xf32, #tpu.memory_space<vmem>>, vector<1x16xf32>,
        %get3A_514 = arith.index_cast %add3A_486 : i32 to index
        %get3A_515 = arith.constant 48 : index
        %get3A_516 = tpu.vector_load %arg6[%get3A_514, %get3A_515] {strides = array<i32>} : memref<512x128xf32, #tpu.memory_space<vmem>>, vector<1x16xf32>,
        %get3A_517 = vector.shape_cast %get3A_516 : vector<1x16xf32> to vector<16xf32>
        %swap3A_518 = arith.index_cast %squeeze3A_484 : i32 to index
        %swap3A_519 = arith.constant 48 : index
        %swap3A_520 = tpu.vector_load %arg8[%swap3A_518, %swap3A_519] {strides = array<i32>} : memref<34x128xf32, #tpu.memory_space<vmem>>, vector<1x16xf32>,
        %swap3A_521 = vector.shape_cast %swap3A_520 : vector<1x16xf32> to vector<16xf32>
        %swap3A_522 = vector.shape_cast %get3A_517 : vector<16xf32> to vector<1x16xf32>
        tpu.vector_store %arg8[%swap3A_518, %swap3A_519], %swap3A_522 {add = true, strides = array<i32>} : memref<34x128xf32, #tpu.memory_space<vmem>>, vector<1x16xf32>,
        %get3A_523 = arith.index_cast %add3A_486 : i32 to index
        %get3A_524 = arith.constant 64 : index
        %get3A_525 = tpu.vector_load %arg6[%get3A_523, %get3A_524] {strides = array<i32>} : memref<512x128xf32, #tpu.memory_space<vmem>>, vector<1x16xf32>,
        %get3A_526 = vector.shape_cast %get3A_525 : vector<1x16xf32> to vector<16xf32>
        %swap3A_527 = arith.index_cast %squeeze3A_484 : i32 to index
        %swap3A_528 = arith.constant 64 : index
        %swap3A_529 = tpu.vector_load %arg8[%swap3A_527, %swap3A_528] {strides = array<i32>} : memref<34x128xf32, #tpu.memory_space<vmem>>, vector<1x16xf32>,
        %swap3A_530 = vector.shape_cast %swap3A_529 : vector<1x16xf32> to vector<16xf32>
        %swap3A_531 = vector.shape_cast %get3A_526 : vector<16xf32> to vector<1x16xf32>
        tpu.vector_store %arg8[%swap3A_527, %swap3A_528], %swap3A_531 {add = true, strides = array<i32>} : memref<34x128xf32, #tpu.memory_space<vmem>>, vector<1x16xf32>,
        %get3A_532 = arith.index_cast %add3A_486 : i32 to index
        %get3A_533 = arith.constant 80 : index
        %get3A_534 = tpu.vector_load %arg6[%get3A_532, %get3A_533] {strides = array<i32>} : memref<512x128xf32, #tpu.memory_space<vmem>>, vector<1x16xf32>,
        %get3A_535 = vector.shape_cast %get3A_534 : vector<1x16xf32> to vector<16xf32>
        %swap3A_536 = arith.index_cast %squeeze3A_484 : i32 to index
        %swap3A_537 = arith.constant 80 : index
        %swap3A_538 = tpu.vector_load %arg8[%swap3A_536, %swap3A_537] {strides = array<i32>} : memref<34x128xf32, #tpu.memory_space<vmem>>, vector<1x16xf32>,
        %swap3A_539 = vector.shape_cast %swap3A_538 : vector<1x16xf32> to vector<16xf32>
        %swap3A_540 = vector.shape_cast %get3A_535 : vector<16xf32> to vector<1x16xf32>
        tpu.vector_store %arg8[%swap3A_536, %swap3A_537], %swap3A_540 {add = true, strides = array<i32>} : memref<34x128xf32, #tpu.memory_space<vmem>>, vector<1x16xf32>,
        %get3A_541 = arith.index_cast %add3A_486 : i32 to index
        %get3A_542 = arith.constant 96 : index
        %get3A_543 = tpu.vector_load %arg6[%get3A_541, %get3A_542] {strides = array<i32>} : memref<512x128xf32, #tpu.memory_space<vmem>>, vector<1x16xf32>,
        %get3A_544 = vector.shape_cast %get3A_543 : vector<1x16xf32> to vector<16xf32>
        %swap3A_545 = arith.index_cast %squeeze3A_484 : i32 to index
        %swap3A_546 = arith.constant 96 : index
        %swap3A_547 = tpu.vector_load %arg8[%swap3A_545, %swap3A_546] {strides = array<i32>} : memref<34x128xf32, #tpu.memory_space<vmem>>, vector<1x16xf32>,
        %swap3A_548 = vector.shape_cast %swap3A_547 : vector<1x16xf32> to vector<16xf32>
        %swap3A_549 = vector.shape_cast %get3A_544 : vector<16xf32> to vector<1x16xf32>
        tpu.vector_store %arg8[%swap3A_545, %swap3A_546], %swap3A_549 {add = true, strides = array<i32>} : memref<34x128xf32, #tpu.memory_space<vmem>>, vector<1x16xf32>,
        %get3A_550 = arith.index_cast %add3A_486 : i32 to index
        %get3A_551 = arith.constant 112 : index
        %get3A_552 = tpu.vector_load %arg6[%get3A_550, %get3A_551] {strides = array<i32>} : memref<512x128xf32, #tpu.memory_space<vmem>>, vector<1x16xf32>,
        %get3A_553 = vector.shape_cast %get3A_552 : vector<1x16xf32> to vector<16xf32>
        %swap3A_554 = arith.index_cast %squeeze3A_484 : i32 to index
        %swap3A_555 = arith.constant 112 : index
        %swap3A_556 = tpu.vector_load %arg8[%swap3A_554, %swap3A_555] {strides = array<i32>} : memref<34x128xf32, #tpu.memory_space<vmem>>, vector<1x16xf32>,
        %swap3A_557 = vector.shape_cast %swap3A_556 : vector<1x16xf32> to vector<16xf32>
        %swap3A_558 = vector.shape_cast %get3A_553 : vector<16xf32> to vector<1x16xf32>
        tpu.vector_store %arg8[%swap3A_554, %swap3A_555], %swap3A_558 {add = true, strides = array<i32>} : memref<34x128xf32, #tpu.memory_space<vmem>>, vector<1x16xf32>,
        %slice3A_559 = vector.extract_strided_slice %select_n3A_101 {offsets = [6], sizes = [1], strides = [1]} : vector<16xi32> to vector<1xi32>
        %squeeze3A_560 = vector.extract %slice3A_559[0] : i32 from vector<1xi32>
        %add3A_561 = arith.constant 6 : i32
        %add3A_562 = arith.addi %mul3A_103, %add3A_561 : i32
        %get3A_563 = arith.index_cast %add3A_562 : i32 to index
        %get3A_564 = arith.constant 0 : index
        %get3A_565 = tpu.vector_load %arg6[%get3A_563, %get3A_564] {strides = array<i32>} : memref<512x128xf32, #tpu.memory_space<vmem>>, vector<1x16xf32>,
        %get3A_566 = vector.shape_cast %get3A_565 : vector<1x16xf32> to vector<16xf32>
        %swap3A_567 = arith.index_cast %squeeze3A_560 : i32 to index
        %swap3A_568 = arith.constant 0 : index
        %swap3A_569 = tpu.vector_load %arg8[%swap3A_567, %swap3A_568] {strides = array<i32>} : memref<34x128xf32, #tpu.memory_space<vmem>>, vector<1x16xf32>,
        %swap3A_570 = vector.shape_cast %swap3A_569 : vector<1x16xf32> to vector<16xf32>
        %swap3A_571 = vector.shape_cast %get3A_566 : vector<16xf32> to vector<1x16xf32>
        tpu.vector_store %arg8[%swap3A_567, %swap3A_568], %swap3A_571 {add = true, strides = array<i32>} : memref<34x128xf32, #tpu.memory_space<vmem>>, vector<1x16xf32>,
        %get3A_572 = arith.index_cast %add3A_562 : i32 to index
        %get3A_573 = arith.constant 16 : index
        %get3A_574 = tpu.vector_load %arg6[%get3A_572, %get3A_573] {strides = array<i32>} : memref<512x128xf32, #tpu.memory_space<vmem>>, vector<1x16xf32>,
        %get3A_575 = vector.shape_cast %get3A_574 : vector<1x16xf32> to vector<16xf32>
        %swap3A_576 = arith.index_cast %squeeze3A_560 : i32 to index
        %swap3A_577 = arith.constant 16 : index
        %swap3A_578 = tpu.vector_load %arg8[%swap3A_576, %swap3A_577] {strides = array<i32>} : memref<34x128xf32, #tpu.memory_space<vmem>>, vector<1x16xf32>,
        %swap3A_579 = vector.shape_cast %swap3A_578 : vector<1x16xf32> to vector<16xf32>
        %swap3A_580 = vector.shape_cast %get3A_575 : vector<16xf32> to vector<1x16xf32>
        tpu.vector_store %arg8[%swap3A_576, %swap3A_577], %swap3A_580 {add = true, strides = array<i32>} : memref<34x128xf32, #tpu.memory_space<vmem>>, vector<1x16xf32>,
        %get3A_581 = arith.index_cast %add3A_562 : i32 to index
        %get3A_582 = arith.constant 32 : index
        %get3A_583 = tpu.vector_load %arg6[%get3A_581, %get3A_582] {strides = array<i32>} : memref<512x128xf32, #tpu.memory_space<vmem>>, vector<1x16xf32>,
        %get3A_584 = vector.shape_cast %get3A_583 : vector<1x16xf32> to vector<16xf32>
        %swap3A_585 = arith.index_cast %squeeze3A_560 : i32 to index
        %swap3A_586 = arith.constant 32 : index
        %swap3A_587 = tpu.vector_load %arg8[%swap3A_585, %swap3A_586] {strides = array<i32>} : memref<34x128xf32, #tpu.memory_space<vmem>>, vector<1x16xf32>,
        %swap3A_588 = vector.shape_cast %swap3A_587 : vector<1x16xf32> to vector<16xf32>
        %swap3A_589 = vector.shape_cast %get3A_584 : vector<16xf32> to vector<1x16xf32>
        tpu.vector_store %arg8[%swap3A_585, %swap3A_586], %swap3A_589 {add = true, strides = array<i32>} : memref<34x128xf32, #tpu.memory_space<vmem>>, vector<1x16xf32>,
        %get3A_590 = arith.index_cast %add3A_562 : i32 to index
        %get3A_591 = arith.constant 48 : index
        %get3A_592 = tpu.vector_load %arg6[%get3A_590, %get3A_591] {strides = array<i32>} : memref<512x128xf32, #tpu.memory_space<vmem>>, vector<1x16xf32>,
        %get3A_593 = vector.shape_cast %get3A_592 : vector<1x16xf32> to vector<16xf32>
        %swap3A_594 = arith.index_cast %squeeze3A_560 : i32 to index
        %swap3A_595 = arith.constant 48 : index
        %swap3A_596 = tpu.vector_load %arg8[%swap3A_594, %swap3A_595] {strides = array<i32>} : memref<34x128xf32, #tpu.memory_space<vmem>>, vector<1x16xf32>,
        %swap3A_597 = vector.shape_cast %swap3A_596 : vector<1x16xf32> to vector<16xf32>
        %swap3A_598 = vector.shape_cast %get3A_593 : vector<16xf32> to vector<1x16xf32>
        tpu.vector_store %arg8[%swap3A_594, %swap3A_595], %swap3A_598 {add = true, strides = array<i32>} : memref<34x128xf32, #tpu.memory_space<vmem>>, vector<1x16xf32>,
        %get3A_599 = arith.index_cast %add3A_562 : i32 to index
        %get3A_600 = arith.constant 64 : index
        %get3A_601 = tpu.vector_load %arg6[%get3A_599, %get3A_600] {strides = array<i32>} : memref<512x128xf32, #tpu.memory_space<vmem>>, vector<1x16xf32>,
        %get3A_602 = vector.shape_cast %get3A_601 : vector<1x16xf32> to vector<16xf32>
        %swap3A_603 = arith.index_cast %squeeze3A_560 : i32 to index
        %swap3A_604 = arith.constant 64 : index
        %swap3A_605 = tpu.vector_load %arg8[%swap3A_603, %swap3A_604] {strides = array<i32>} : memref<34x128xf32, #tpu.memory_space<vmem>>, vector<1x16xf32>,
        %swap3A_606 = vector.shape_cast %swap3A_605 : vector<1x16xf32> to vector<16xf32>
        %swap3A_607 = vector.shape_cast %get3A_602 : vector<16xf32> to vector<1x16xf32>
        tpu.vector_store %arg8[%swap3A_603, %swap3A_604], %swap3A_607 {add = true, strides = array<i32>} : memref<34x128xf32, #tpu.memory_space<vmem>>, vector<1x16xf32>,
        %get3A_608 = arith.index_cast %add3A_562 : i32 to index
        %get3A_609 = arith.constant 80 : index
        %get3A_610 = tpu.vector_load %arg6[%get3A_608, %get3A_609] {strides = array<i32>} : memref<512x128xf32, #tpu.memory_space<vmem>>, vector<1x16xf32>,
        %get3A_611 = vector.shape_cast %get3A_610 : vector<1x16xf32> to vector<16xf32>
        %swap3A_612 = arith.index_cast %squeeze3A_560 : i32 to index
        %swap3A_613 = arith.constant 80 : index
        %swap3A_614 = tpu.vector_load %arg8[%swap3A_612, %swap3A_613] {strides = array<i32>} : memref<34x128xf32, #tpu.memory_space<vmem>>, vector<1x16xf32>,
        %swap3A_615 = vector.shape_cast %swap3A_614 : vector<1x16xf32> to vector<16xf32>
        %swap3A_616 = vector.shape_cast %get3A_611 : vector<16xf32> to vector<1x16xf32>
        tpu.vector_store %arg8[%swap3A_612, %swap3A_613], %swap3A_616 {add = true, strides = array<i32>} : memref<34x128xf32, #tpu.memory_space<vmem>>, vector<1x16xf32>,
        %get3A_617 = arith.index_cast %add3A_562 : i32 to index
        %get3A_618 = arith.constant 96 : index
        %get3A_619 = tpu.vector_load %arg6[%get3A_617, %get3A_618] {strides = array<i32>} : memref<512x128xf32, #tpu.memory_space<vmem>>, vector<1x16xf32>,
        %get3A_620 = vector.shape_cast %get3A_619 : vector<1x16xf32> to vector<16xf32>
        %swap3A_621 = arith.index_cast %squeeze3A_560 : i32 to index
        %swap3A_622 = arith.constant 96 : index
        %swap3A_623 = tpu.vector_load %arg8[%swap3A_621, %swap3A_622] {strides = array<i32>} : memref<34x128xf32, #tpu.memory_space<vmem>>, vector<1x16xf32>,
        %swap3A_624 = vector.shape_cast %swap3A_623 : vector<1x16xf32> to vector<16xf32>
        %swap3A_625 = vector.shape_cast %get3A_620 : vector<16xf32> to vector<1x16xf32>
        tpu.vector_store %arg8[%swap3A_621, %swap3A_622], %swap3A_625 {add = true, strides = array<i32>} : memref<34x128xf32, #tpu.memory_space<vmem>>, vector<1x16xf32>,
        %get3A_626 = arith.index_cast %add3A_562 : i32 to index
        %get3A_627 = arith.constant 112 : index
        %get3A_628 = tpu.vector_load %arg6[%get3A_626, %get3A_627] {strides = array<i32>} : memref<512x128xf32, #tpu.memory_space<vmem>>, vector<1x16xf32>,
        %get3A_629 = vector.shape_cast %get3A_628 : vector<1x16xf32> to vector<16xf32>
        %swap3A_630 = arith.index_cast %squeeze3A_560 : i32 to index
        %swap3A_631 = arith.constant 112 : index
        %swap3A_632 = tpu.vector_load %arg8[%swap3A_630, %swap3A_631] {strides = array<i32>} : memref<34x128xf32, #tpu.memory_space<vmem>>, vector<1x16xf32>,
        %swap3A_633 = vector.shape_cast %swap3A_632 : vector<1x16xf32> to vector<16xf32>
        %swap3A_634 = vector.shape_cast %get3A_629 : vector<16xf32> to vector<1x16xf32>
        tpu.vector_store %arg8[%swap3A_630, %swap3A_631], %swap3A_634 {add = true, strides = array<i32>} : memref<34x128xf32, #tpu.memory_space<vmem>>, vector<1x16xf32>,
        %slice3A_635 = vector.extract_strided_slice %select_n3A_101 {offsets = [7], sizes = [1], strides = [1]} : vector<16xi32> to vector<1xi32>
        %squeeze3A_636 = vector.extract %slice3A_635[0] : i32 from vector<1xi32>
        %add3A_637 = arith.constant 7 : i32
        %add3A_638 = arith.addi %mul3A_103, %add3A_637 : i32
        %get3A_639 = arith.index_cast %add3A_638 : i32 to index
        %get3A_640 = arith.constant 0 : index
        %get3A_641 = tpu.vector_load %arg6[%get3A_639, %get3A_640] {strides = array<i32>} : memref<512x128xf32, #tpu.memory_space<vmem>>, vector<1x16xf32>,
        %get3A_642 = vector.shape_cast %get3A_641 : vector<1x16xf32> to vector<16xf32>
        %swap3A_643 = arith.index_cast %squeeze3A_636 : i32 to index
        %swap3A_644 = arith.constant 0 : index
        %swap3A_645 = tpu.vector_load %arg8[%swap3A_643, %swap3A_644] {strides = array<i32>} : memref<34x128xf32, #tpu.memory_space<vmem>>, vector<1x16xf32>,
        %swap3A_646 = vector.shape_cast %swap3A_645 : vector<1x16xf32> to vector<16xf32>
        %swap3A_647 = vector.shape_cast %get3A_642 : vector<16xf32> to vector<1x16xf32>
        tpu.vector_store %arg8[%swap3A_643, %swap3A_644], %swap3A_647 {add = true, strides = array<i32>} : memref<34x128xf32, #tpu.memory_space<vmem>>, vector<1x16xf32>,
        %get3A_648 = arith.index_cast %add3A_638 : i32 to index
        %get3A_649 = arith.constant 16 : index
        %get3A_650 = tpu.vector_load %arg6[%get3A_648, %get3A_649] {strides = array<i32>} : memref<512x128xf32, #tpu.memory_space<vmem>>, vector<1x16xf32>,
        %get3A_651 = vector.shape_cast %get3A_650 : vector<1x16xf32> to vector<16xf32>
        %swap3A_652 = arith.index_cast %squeeze3A_636 : i32 to index
        %swap3A_653 = arith.constant 16 : index
        %swap3A_654 = tpu.vector_load %arg8[%swap3A_652, %swap3A_653] {strides = array<i32>} : memref<34x128xf32, #tpu.memory_space<vmem>>, vector<1x16xf32>,
        %swap3A_655 = vector.shape_cast %swap3A_654 : vector<1x16xf32> to vector<16xf32>
        %swap3A_656 = vector.shape_cast %get3A_651 : vector<16xf32> to vector<1x16xf32>
        tpu.vector_store %arg8[%swap3A_652, %swap3A_653], %swap3A_656 {add = true, strides = array<i32>} : memref<34x128xf32, #tpu.memory_space<vmem>>, vector<1x16xf32>,
        %get3A_657 = arith.index_cast %add3A_638 : i32 to index
        %get3A_658 = arith.constant 32 : index
        %get3A_659 = tpu.vector_load %arg6[%get3A_657, %get3A_658] {strides = array<i32>} : memref<512x128xf32, #tpu.memory_space<vmem>>, vector<1x16xf32>,
        %get3A_660 = vector.shape_cast %get3A_659 : vector<1x16xf32> to vector<16xf32>
        %swap3A_661 = arith.index_cast %squeeze3A_636 : i32 to index
        %swap3A_662 = arith.constant 32 : index
        %swap3A_663 = tpu.vector_load %arg8[%swap3A_661, %swap3A_662] {strides = array<i32>} : memref<34x128xf32, #tpu.memory_space<vmem>>, vector<1x16xf32>,
        %swap3A_664 = vector.shape_cast %swap3A_663 : vector<1x16xf32> to vector<16xf32>
        %swap3A_665 = vector.shape_cast %get3A_660 : vector<16xf32> to vector<1x16xf32>
        tpu.vector_store %arg8[%swap3A_661, %swap3A_662], %swap3A_665 {add = true, strides = array<i32>} : memref<34x128xf32, #tpu.memory_space<vmem>>, vector<1x16xf32>,
        %get3A_666 = arith.index_cast %add3A_638 : i32 to index
        %get3A_667 = arith.constant 48 : index
        %get3A_668 = tpu.vector_load %arg6[%get3A_666, %get3A_667] {strides = array<i32>} : memref<512x128xf32, #tpu.memory_space<vmem>>, vector<1x16xf32>,
        %get3A_669 = vector.shape_cast %get3A_668 : vector<1x16xf32> to vector<16xf32>
        %swap3A_670 = arith.index_cast %squeeze3A_636 : i32 to index
        %swap3A_671 = arith.constant 48 : index
        %swap3A_672 = tpu.vector_load %arg8[%swap3A_670, %swap3A_671] {strides = array<i32>} : memref<34x128xf32, #tpu.memory_space<vmem>>, vector<1x16xf32>,
        %swap3A_673 = vector.shape_cast %swap3A_672 : vector<1x16xf32> to vector<16xf32>
        %swap3A_674 = vector.shape_cast %get3A_669 : vector<16xf32> to vector<1x16xf32>
        tpu.vector_store %arg8[%swap3A_670, %swap3A_671], %swap3A_674 {add = true, strides = array<i32>} : memref<34x128xf32, #tpu.memory_space<vmem>>, vector<1x16xf32>,
        %get3A_675 = arith.index_cast %add3A_638 : i32 to index
        %get3A_676 = arith.constant 64 : index
        %get3A_677 = tpu.vector_load %arg6[%get3A_675, %get3A_676] {strides = array<i32>} : memref<512x128xf32, #tpu.memory_space<vmem>>, vector<1x16xf32>,
        %get3A_678 = vector.shape_cast %get3A_677 : vector<1x16xf32> to vector<16xf32>
        %swap3A_679 = arith.index_cast %squeeze3A_636 : i32 to index
        %swap3A_680 = arith.constant 64 : index
        %swap3A_681 = tpu.vector_load %arg8[%swap3A_679, %swap3A_680] {strides = array<i32>} : memref<34x128xf32, #tpu.memory_space<vmem>>, vector<1x16xf32>,
        %swap3A_682 = vector.shape_cast %swap3A_681 : vector<1x16xf32> to vector<16xf32>
        %swap3A_683 = vector.shape_cast %get3A_678 : vector<16xf32> to vector<1x16xf32>
        tpu.vector_store %arg8[%swap3A_679, %swap3A_680], %swap3A_683 {add = true, strides = array<i32>} : memref<34x128xf32, #tpu.memory_space<vmem>>, vector<1x16xf32>,
        %get3A_684 = arith.index_cast %add3A_638 : i32 to index
        %get3A_685 = arith.constant 80 : index
        %get3A_686 = tpu.vector_load %arg6[%get3A_684, %get3A_685] {strides = array<i32>} : memref<512x128xf32, #tpu.memory_space<vmem>>, vector<1x16xf32>,
        %get3A_687 = vector.shape_cast %get3A_686 : vector<1x16xf32> to vector<16xf32>
        %swap3A_688 = arith.index_cast %squeeze3A_636 : i32 to index
        %swap3A_689 = arith.constant 80 : index
        %swap3A_690 = tpu.vector_load %arg8[%swap3A_688, %swap3A_689] {strides = array<i32>} : memref<34x128xf32, #tpu.memory_space<vmem>>, vector<1x16xf32>,
        %swap3A_691 = vector.shape_cast %swap3A_690 : vector<1x16xf32> to vector<16xf32>
        %swap3A_692 = vector.shape_cast %get3A_687 : vector<16xf32> to vector<1x16xf32>
        tpu.vector_store %arg8[%swap3A_688, %swap3A_689], %swap3A_692 {add = true, strides = array<i32>} : memref<34x128xf32, #tpu.memory_space<vmem>>, vector<1x16xf32>,
        %get3A_693 = arith.index_cast %add3A_638 : i32 to index
        %get3A_694 = arith.constant 96 : index
        %get3A_695 = tpu.vector_load %arg6[%get3A_693, %get3A_694] {strides = array<i32>} : memref<512x128xf32, #tpu.memory_space<vmem>>, vector<1x16xf32>,
        %get3A_696 = vector.shape_cast %get3A_695 : vector<1x16xf32> to vector<16xf32>
        %swap3A_697 = arith.index_cast %squeeze3A_636 : i32 to index
        %swap3A_698 = arith.constant 96 : index
        %swap3A_699 = tpu.vector_load %arg8[%swap3A_697, %swap3A_698] {strides = array<i32>} : memref<34x128xf32, #tpu.memory_space<vmem>>, vector<1x16xf32>,
        %swap3A_700 = vector.shape_cast %swap3A_699 : vector<1x16xf32> to vector<16xf32>
        %swap3A_701 = vector.shape_cast %get3A_696 : vector<16xf32> to vector<1x16xf32>
        tpu.vector_store %arg8[%swap3A_697, %swap3A_698], %swap3A_701 {add = true, strides = array<i32>} : memref<34x128xf32, #tpu.memory_space<vmem>>, vector<1x16xf32>,
        %get3A_702 = arith.index_cast %add3A_638 : i32 to index
        %get3A_703 = arith.constant 112 : index
        %get3A_704 = tpu.vector_load %arg6[%get3A_702, %get3A_703] {strides = array<i32>} : memref<512x128xf32, #tpu.memory_space<vmem>>, vector<1x16xf32>,
        %get3A_705 = vector.shape_cast %get3A_704 : vector<1x16xf32> to vector<16xf32>
        %swap3A_706 = arith.index_cast %squeeze3A_636 : i32 to index
        %swap3A_707 = arith.constant 112 : index
        %swap3A_708 = tpu.vector_load %arg8[%swap3A_706, %swap3A_707] {strides = array<i32>} : memref<34x128xf32, #tpu.memory_space<vmem>>, vector<1x16xf32>,
        %swap3A_709 = vector.shape_cast %swap3A_708 : vector<1x16xf32> to vector<16xf32>
        %swap3A_710 = vector.shape_cast %get3A_705 : vector<16xf32> to vector<1x16xf32>
        tpu.vector_store %arg8[%swap3A_706, %swap3A_707], %swap3A_710 {add = true, strides = array<i32>} : memref<34x128xf32, #tpu.memory_space<vmem>>, vector<1x16xf32>,
        %slice3A_711 = vector.extract_strided_slice %select_n3A_101 {offsets = [8], sizes = [1], strides = [1]} : vector<16xi32> to vector<1xi32>
        %squeeze3A_712 = vector.extract %slice3A_711[0] : i32 from vector<1xi32>
        %add3A_713 = arith.constant 8 : i32
        %add3A_714 = arith.addi %mul3A_103, %add3A_713 : i32
        %get3A_715 = arith.index_cast %add3A_714 : i32 to index
        %get3A_716 = arith.constant 0 : index
        %get3A_717 = tpu.vector_load %arg6[%get3A_715, %get3A_716] {strides = array<i32>} : memref<512x128xf32, #tpu.memory_space<vmem>>, vector<1x16xf32>,
        %get3A_718 = vector.shape_cast %get3A_717 : vector<1x16xf32> to vector<16xf32>
        %swap3A_719 = arith.index_cast %squeeze3A_712 : i32 to index
        %swap3A_720 = arith.constant 0 : index
        %swap3A_721 = tpu.vector_load %arg8[%swap3A_719, %swap3A_720] {strides = array<i32>} : memref<34x128xf32, #tpu.memory_space<vmem>>, vector<1x16xf32>,
        %swap3A_722 = vector.shape_cast %swap3A_721 : vector<1x16xf32> to vector<16xf32>
        %swap3A_723 = vector.shape_cast %get3A_718 : vector<16xf32> to vector<1x16xf32>
        tpu.vector_store %arg8[%swap3A_719, %swap3A_720], %swap3A_723 {add = true, strides = array<i32>} : memref<34x128xf32, #tpu.memory_space<vmem>>, vector<1x16xf32>,
        %get3A_724 = arith.index_cast %add3A_714 : i32 to index
        %get3A_725 = arith.constant 16 : index
        %get3A_726 = tpu.vector_load %arg6[%get3A_724, %get3A_725] {strides = array<i32>} : memref<512x128xf32, #tpu.memory_space<vmem>>, vector<1x16xf32>,
        %get3A_727 = vector.shape_cast %get3A_726 : vector<1x16xf32> to vector<16xf32>
        %swap3A_728 = arith.index_cast %squeeze3A_712 : i32 to index
        %swap3A_729 = arith.constant 16 : index
        %swap3A_730 = tpu.vector_load %arg8[%swap3A_728, %swap3A_729] {strides = array<i32>} : memref<34x128xf32, #tpu.memory_space<vmem>>, vector<1x16xf32>,
        %swap3A_731 = vector.shape_cast %swap3A_730 : vector<1x16xf32> to vector<16xf32>
        %swap3A_732 = vector.shape_cast %get3A_727 : vector<16xf32> to vector<1x16xf32>
        tpu.vector_store %arg8[%swap3A_728, %swap3A_729], %swap3A_732 {add = true, strides = array<i32>} : memref<34x128xf32, #tpu.memory_space<vmem>>, vector<1x16xf32>,
        %get3A_733 = arith.index_cast %add3A_714 : i32 to index
        %get3A_734 = arith.constant 32 : index
        %get3A_735 = tpu.vector_load %arg6[%get3A_733, %get3A_734] {strides = array<i32>} : memref<512x128xf32, #tpu.memory_space<vmem>>, vector<1x16xf32>,
        %get3A_736 = vector.shape_cast %get3A_735 : vector<1x16xf32> to vector<16xf32>
        %swap3A_737 = arith.index_cast %squeeze3A_712 : i32 to index
        %swap3A_738 = arith.constant 32 : index
        %swap3A_739 = tpu.vector_load %arg8[%swap3A_737, %swap3A_738] {strides = array<i32>} : memref<34x128xf32, #tpu.memory_space<vmem>>, vector<1x16xf32>,
        %swap3A_740 = vector.shape_cast %swap3A_739 : vector<1x16xf32> to vector<16xf32>
        %swap3A_741 = vector.shape_cast %get3A_736 : vector<16xf32> to vector<1x16xf32>
        tpu.vector_store %arg8[%swap3A_737, %swap3A_738], %swap3A_741 {add = true, strides = array<i32>} : memref<34x128xf32, #tpu.memory_space<vmem>>, vector<1x16xf32>,
        %get3A_742 = arith.index_cast %add3A_714 : i32 to index
        %get3A_743 = arith.constant 48 : index
        %get3A_744 = tpu.vector_load %arg6[%get3A_742, %get3A_743] {strides = array<i32>} : memref<512x128xf32, #tpu.memory_space<vmem>>, vector<1x16xf32>,
        %get3A_745 = vector.shape_cast %get3A_744 : vector<1x16xf32> to vector<16xf32>
        %swap3A_746 = arith.index_cast %squeeze3A_712 : i32 to index
        %swap3A_747 = arith.constant 48 : index
        %swap3A_748 = tpu.vector_load %arg8[%swap3A_746, %swap3A_747] {strides = array<i32>} : memref<34x128xf32, #tpu.memory_space<vmem>>, vector<1x16xf32>,
        %swap3A_749 = vector.shape_cast %swap3A_748 : vector<1x16xf32> to vector<16xf32>
        %swap3A_750 = vector.shape_cast %get3A_745 : vector<16xf32> to vector<1x16xf32>
        tpu.vector_store %arg8[%swap3A_746, %swap3A_747], %swap3A_750 {add = true, strides = array<i32>} : memref<34x128xf32, #tpu.memory_space<vmem>>, vector<1x16xf32>,
        %get3A_751 = arith.index_cast %add3A_714 : i32 to index
        %get3A_752 = arith.constant 64 : index
        %get3A_753 = tpu.vector_load %arg6[%get3A_751, %get3A_752] {strides = array<i32>} : memref<512x128xf32, #tpu.memory_space<vmem>>, vector<1x16xf32>,
        %get3A_754 = vector.shape_cast %get3A_753 : vector<1x16xf32> to vector<16xf32>
        %swap3A_755 = arith.index_cast %squeeze3A_712 : i32 to index
        %swap3A_756 = arith.constant 64 : index
        %swap3A_757 = tpu.vector_load %arg8[%swap3A_755, %swap3A_756] {strides = array<i32>} : memref<34x128xf32, #tpu.memory_space<vmem>>, vector<1x16xf32>,
        %swap3A_758 = vector.shape_cast %swap3A_757 : vector<1x16xf32> to vector<16xf32>
        %swap3A_759 = vector.shape_cast %get3A_754 : vector<16xf32> to vector<1x16xf32>
        tpu.vector_store %arg8[%swap3A_755, %swap3A_756], %swap3A_759 {add = true, strides = array<i32>} : memref<34x128xf32, #tpu.memory_space<vmem>>, vector<1x16xf32>,
        %get3A_760 = arith.index_cast %add3A_714 : i32 to index
        %get3A_761 = arith.constant 80 : index
        %get3A_762 = tpu.vector_load %arg6[%get3A_760, %get3A_761] {strides = array<i32>} : memref<512x128xf32, #tpu.memory_space<vmem>>, vector<1x16xf32>,
        %get3A_763 = vector.shape_cast %get3A_762 : vector<1x16xf32> to vector<16xf32>
        %swap3A_764 = arith.index_cast %squeeze3A_712 : i32 to index
        %swap3A_765 = arith.constant 80 : index
        %swap3A_766 = tpu.vector_load %arg8[%swap3A_764, %swap3A_765] {strides = array<i32>} : memref<34x128xf32, #tpu.memory_space<vmem>>, vector<1x16xf32>,
        %swap3A_767 = vector.shape_cast %swap3A_766 : vector<1x16xf32> to vector<16xf32>
        %swap3A_768 = vector.shape_cast %get3A_763 : vector<16xf32> to vector<1x16xf32>
        tpu.vector_store %arg8[%swap3A_764, %swap3A_765], %swap3A_768 {add = true, strides = array<i32>} : memref<34x128xf32, #tpu.memory_space<vmem>>, vector<1x16xf32>,
        %get3A_769 = arith.index_cast %add3A_714 : i32 to index
        %get3A_770 = arith.constant 96 : index
        %get3A_771 = tpu.vector_load %arg6[%get3A_769, %get3A_770] {strides = array<i32>} : memref<512x128xf32, #tpu.memory_space<vmem>>, vector<1x16xf32>,
        %get3A_772 = vector.shape_cast %get3A_771 : vector<1x16xf32> to vector<16xf32>
        %swap3A_773 = arith.index_cast %squeeze3A_712 : i32 to index
        %swap3A_774 = arith.constant 96 : index
        %swap3A_775 = tpu.vector_load %arg8[%swap3A_773, %swap3A_774] {strides = array<i32>} : memref<34x128xf32, #tpu.memory_space<vmem>>, vector<1x16xf32>,
        %swap3A_776 = vector.shape_cast %swap3A_775 : vector<1x16xf32> to vector<16xf32>
        %swap3A_777 = vector.shape_cast %get3A_772 : vector<16xf32> to vector<1x16xf32>
        tpu.vector_store %arg8[%swap3A_773, %swap3A_774], %swap3A_777 {add = true, strides = array<i32>} : memref<34x128xf32, #tpu.memory_space<vmem>>, vector<1x16xf32>,
        %get3A_778 = arith.index_cast %add3A_714 : i32 to index
        %get3A_779 = arith.constant 112 : index
        %get3A_780 = tpu.vector_load %arg6[%get3A_778, %get3A_779] {strides = array<i32>} : memref<512x128xf32, #tpu.memory_space<vmem>>, vector<1x16xf32>,
        %get3A_781 = vector.shape_cast %get3A_780 : vector<1x16xf32> to vector<16xf32>
        %swap3A_782 = arith.index_cast %squeeze3A_712 : i32 to index
        %swap3A_783 = arith.constant 112 : index
        %swap3A_784 = tpu.vector_load %arg8[%swap3A_782, %swap3A_783] {strides = array<i32>} : memref<34x128xf32, #tpu.memory_space<vmem>>, vector<1x16xf32>,
        %swap3A_785 = vector.shape_cast %swap3A_784 : vector<1x16xf32> to vector<16xf32>
        %swap3A_786 = vector.shape_cast %get3A_781 : vector<16xf32> to vector<1x16xf32>
        tpu.vector_store %arg8[%swap3A_782, %swap3A_783], %swap3A_786 {add = true, strides = array<i32>} : memref<34x128xf32, #tpu.memory_space<vmem>>, vector<1x16xf32>,
        %slice3A_787 = vector.extract_strided_slice %select_n3A_101 {offsets = [9], sizes = [1], strides = [1]} : vector<16xi32> to vector<1xi32>
        %squeeze3A_788 = vector.extract %slice3A_787[0] : i32 from vector<1xi32>
        %add3A_789 = arith.constant 9 : i32
        %add3A_790 = arith.addi %mul3A_103, %add3A_789 : i32
        %get3A_791 = arith.index_cast %add3A_790 : i32 to index
        %get3A_792 = arith.constant 0 : index
        %get3A_793 = tpu.vector_load %arg6[%get3A_791, %get3A_792] {strides = array<i32>} : memref<512x128xf32, #tpu.memory_space<vmem>>, vector<1x16xf32>,
        %get3A_794 = vector.shape_cast %get3A_793 : vector<1x16xf32> to vector<16xf32>
        %swap3A_795 = arith.index_cast %squeeze3A_788 : i32 to index
        %swap3A_796 = arith.constant 0 : index
        %swap3A_797 = tpu.vector_load %arg8[%swap3A_795, %swap3A_796] {strides = array<i32>} : memref<34x128xf32, #tpu.memory_space<vmem>>, vector<1x16xf32>,
        %swap3A_798 = vector.shape_cast %swap3A_797 : vector<1x16xf32> to vector<16xf32>
        %swap3A_799 = vector.shape_cast %get3A_794 : vector<16xf32> to vector<1x16xf32>
        tpu.vector_store %arg8[%swap3A_795, %swap3A_796], %swap3A_799 {add = true, strides = array<i32>} : memref<34x128xf32, #tpu.memory_space<vmem>>, vector<1x16xf32>,
        %get3A_800 = arith.index_cast %add3A_790 : i32 to index
        %get3A_801 = arith.constant 16 : index
        %get3A_802 = tpu.vector_load %arg6[%get3A_800, %get3A_801] {strides = array<i32>} : memref<512x128xf32, #tpu.memory_space<vmem>>, vector<1x16xf32>,
        %get3A_803 = vector.shape_cast %get3A_802 : vector<1x16xf32> to vector<16xf32>
        %swap3A_804 = arith.index_cast %squeeze3A_788 : i32 to index
        %swap3A_805 = arith.constant 16 : index
        %swap3A_806 = tpu.vector_load %arg8[%swap3A_804, %swap3A_805] {strides = array<i32>} : memref<34x128xf32, #tpu.memory_space<vmem>>, vector<1x16xf32>,
        %swap3A_807 = vector.shape_cast %swap3A_806 : vector<1x16xf32> to vector<16xf32>
        %swap3A_808 = vector.shape_cast %get3A_803 : vector<16xf32> to vector<1x16xf32>
        tpu.vector_store %arg8[%swap3A_804, %swap3A_805], %swap3A_808 {add = true, strides = array<i32>} : memref<34x128xf32, #tpu.memory_space<vmem>>, vector<1x16xf32>,
        %get3A_809 = arith.index_cast %add3A_790 : i32 to index
        %get3A_810 = arith.constant 32 : index
        %get3A_811 = tpu.vector_load %arg6[%get3A_809, %get3A_810] {strides = array<i32>} : memref<512x128xf32, #tpu.memory_space<vmem>>, vector<1x16xf32>,
        %get3A_812 = vector.shape_cast %get3A_811 : vector<1x16xf32> to vector<16xf32>
        %swap3A_813 = arith.index_cast %squeeze3A_788 : i32 to index
        %swap3A_814 = arith.constant 32 : index
        %swap3A_815 = tpu.vector_load %arg8[%swap3A_813, %swap3A_814] {strides = array<i32>} : memref<34x128xf32, #tpu.memory_space<vmem>>, vector<1x16xf32>,
        %swap3A_816 = vector.shape_cast %swap3A_815 : vector<1x16xf32> to vector<16xf32>
        %swap3A_817 = vector.shape_cast %get3A_812 : vector<16xf32> to vector<1x16xf32>
        tpu.vector_store %arg8[%swap3A_813, %swap3A_814], %swap3A_817 {add = true, strides = array<i32>} : memref<34x128xf32, #tpu.memory_space<vmem>>, vector<1x16xf32>,
        %get3A_818 = arith.index_cast %add3A_790 : i32 to index
        %get3A_819 = arith.constant 48 : index
        %get3A_820 = tpu.vector_load %arg6[%get3A_818, %get3A_819] {strides = array<i32>} : memref<512x128xf32, #tpu.memory_space<vmem>>, vector<1x16xf32>,
        %get3A_821 = vector.shape_cast %get3A_820 : vector<1x16xf32> to vector<16xf32>
        %swap3A_822 = arith.index_cast %squeeze3A_788 : i32 to index
        %swap3A_823 = arith.constant 48 : index
        %swap3A_824 = tpu.vector_load %arg8[%swap3A_822, %swap3A_823] {strides = array<i32>} : memref<34x128xf32, #tpu.memory_space<vmem>>, vector<1x16xf32>,
        %swap3A_825 = vector.shape_cast %swap3A_824 : vector<1x16xf32> to vector<16xf32>
        %swap3A_826 = vector.shape_cast %get3A_821 : vector<16xf32> to vector<1x16xf32>
        tpu.vector_store %arg8[%swap3A_822, %swap3A_823], %swap3A_826 {add = true, strides = array<i32>} : memref<34x128xf32, #tpu.memory_space<vmem>>, vector<1x16xf32>,
        %get3A_827 = arith.index_cast %add3A_790 : i32 to index
        %get3A_828 = arith.constant 64 : index
        %get3A_829 = tpu.vector_load %arg6[%get3A_827, %get3A_828] {strides = array<i32>} : memref<512x128xf32, #tpu.memory_space<vmem>>, vector<1x16xf32>,
        %get3A_830 = vector.shape_cast %get3A_829 : vector<1x16xf32> to vector<16xf32>
        %swap3A_831 = arith.index_cast %squeeze3A_788 : i32 to index
        %swap3A_832 = arith.constant 64 : index
        %swap3A_833 = tpu.vector_load %arg8[%swap3A_831, %swap3A_832] {strides = array<i32>} : memref<34x128xf32, #tpu.memory_space<vmem>>, vector<1x16xf32>,
        %swap3A_834 = vector.shape_cast %swap3A_833 : vector<1x16xf32> to vector<16xf32>
        %swap3A_835 = vector.shape_cast %get3A_830 : vector<16xf32> to vector<1x16xf32>
        tpu.vector_store %arg8[%swap3A_831, %swap3A_832], %swap3A_835 {add = true, strides = array<i32>} : memref<34x128xf32, #tpu.memory_space<vmem>>, vector<1x16xf32>,
        %get3A_836 = arith.index_cast %add3A_790 : i32 to index
        %get3A_837 = arith.constant 80 : index
        %get3A_838 = tpu.vector_load %arg6[%get3A_836, %get3A_837] {strides = array<i32>} : memref<512x128xf32, #tpu.memory_space<vmem>>, vector<1x16xf32>,
        %get3A_839 = vector.shape_cast %get3A_838 : vector<1x16xf32> to vector<16xf32>
        %swap3A_840 = arith.index_cast %squeeze3A_788 : i32 to index
        %swap3A_841 = arith.constant 80 : index
        %swap3A_842 = tpu.vector_load %arg8[%swap3A_840, %swap3A_841] {strides = array<i32>} : memref<34x128xf32, #tpu.memory_space<vmem>>, vector<1x16xf32>,
        %swap3A_843 = vector.shape_cast %swap3A_842 : vector<1x16xf32> to vector<16xf32>
        %swap3A_844 = vector.shape_cast %get3A_839 : vector<16xf32> to vector<1x16xf32>
        tpu.vector_store %arg8[%swap3A_840, %swap3A_841], %swap3A_844 {add = true, strides = array<i32>} : memref<34x128xf32, #tpu.memory_space<vmem>>, vector<1x16xf32>,
        %get3A_845 = arith.index_cast %add3A_790 : i32 to index
        %get3A_846 = arith.constant 96 : index
        %get3A_847 = tpu.vector_load %arg6[%get3A_845, %get3A_846] {strides = array<i32>} : memref<512x128xf32, #tpu.memory_space<vmem>>, vector<1x16xf32>,
        %get3A_848 = vector.shape_cast %get3A_847 : vector<1x16xf32> to vector<16xf32>
        %swap3A_849 = arith.index_cast %squeeze3A_788 : i32 to index
        %swap3A_850 = arith.constant 96 : index
        %swap3A_851 = tpu.vector_load %arg8[%swap3A_849, %swap3A_850] {strides = array<i32>} : memref<34x128xf32, #tpu.memory_space<vmem>>, vector<1x16xf32>,
        %swap3A_852 = vector.shape_cast %swap3A_851 : vector<1x16xf32> to vector<16xf32>
        %swap3A_853 = vector.shape_cast %get3A_848 : vector<16xf32> to vector<1x16xf32>
        tpu.vector_store %arg8[%swap3A_849, %swap3A_850], %swap3A_853 {add = true, strides = array<i32>} : memref<34x128xf32, #tpu.memory_space<vmem>>, vector<1x16xf32>,
        %get3A_854 = arith.index_cast %add3A_790 : i32 to index
        %get3A_855 = arith.constant 112 : index
        %get3A_856 = tpu.vector_load %arg6[%get3A_854, %get3A_855] {strides = array<i32>} : memref<512x128xf32, #tpu.memory_space<vmem>>, vector<1x16xf32>,
        %get3A_857 = vector.shape_cast %get3A_856 : vector<1x16xf32> to vector<16xf32>
        %swap3A_858 = arith.index_cast %squeeze3A_788 : i32 to index
        %swap3A_859 = arith.constant 112 : index
        %swap3A_860 = tpu.vector_load %arg8[%swap3A_858, %swap3A_859] {strides = array<i32>} : memref<34x128xf32, #tpu.memory_space<vmem>>, vector<1x16xf32>,
        %swap3A_861 = vector.shape_cast %swap3A_860 : vector<1x16xf32> to vector<16xf32>
        %swap3A_862 = vector.shape_cast %get3A_857 : vector<16xf32> to vector<1x16xf32>
        tpu.vector_store %arg8[%swap3A_858, %swap3A_859], %swap3A_862 {add = true, strides = array<i32>} : memref<34x128xf32, #tpu.memory_space<vmem>>, vector<1x16xf32>,
        %slice3A_863 = vector.extract_strided_slice %select_n3A_101 {offsets = [10], sizes = [1], strides = [1]} : vector<16xi32> to vector<1xi32>
        %squeeze3A_864 = vector.extract %slice3A_863[0] : i32 from vector<1xi32>
        %add3A_865 = arith.constant 10 : i32
        %add3A_866 = arith.addi %mul3A_103, %add3A_865 : i32
        %get3A_867 = arith.index_cast %add3A_866 : i32 to index
        %get3A_868 = arith.constant 0 : index
        %get3A_869 = tpu.vector_load %arg6[%get3A_867, %get3A_868] {strides = array<i32>} : memref<512x128xf32, #tpu.memory_space<vmem>>, vector<1x16xf32>,
        %get3A_870 = vector.shape_cast %get3A_869 : vector<1x16xf32> to vector<16xf32>
        %swap3A_871 = arith.index_cast %squeeze3A_864 : i32 to index
        %swap3A_872 = arith.constant 0 : index
        %swap3A_873 = tpu.vector_load %arg8[%swap3A_871, %swap3A_872] {strides = array<i32>} : memref<34x128xf32, #tpu.memory_space<vmem>>, vector<1x16xf32>,
        %swap3A_874 = vector.shape_cast %swap3A_873 : vector<1x16xf32> to vector<16xf32>
        %swap3A_875 = vector.shape_cast %get3A_870 : vector<16xf32> to vector<1x16xf32>
        tpu.vector_store %arg8[%swap3A_871, %swap3A_872], %swap3A_875 {add = true, strides = array<i32>} : memref<34x128xf32, #tpu.memory_space<vmem>>, vector<1x16xf32>,
        %get3A_876 = arith.index_cast %add3A_866 : i32 to index
        %get3A_877 = arith.constant 16 : index
        %get3A_878 = tpu.vector_load %arg6[%get3A_876, %get3A_877] {strides = array<i32>} : memref<512x128xf32, #tpu.memory_space<vmem>>, vector<1x16xf32>,
        %get3A_879 = vector.shape_cast %get3A_878 : vector<1x16xf32> to vector<16xf32>
        %swap3A_880 = arith.index_cast %squeeze3A_864 : i32 to index
        %swap3A_881 = arith.constant 16 : index
        %swap3A_882 = tpu.vector_load %arg8[%swap3A_880, %swap3A_881] {strides = array<i32>} : memref<34x128xf32, #tpu.memory_space<vmem>>, vector<1x16xf32>,
        %swap3A_883 = vector.shape_cast %swap3A_882 : vector<1x16xf32> to vector<16xf32>
        %swap3A_884 = vector.shape_cast %get3A_879 : vector<16xf32> to vector<1x16xf32>
        tpu.vector_store %arg8[%swap3A_880, %swap3A_881], %swap3A_884 {add = true, strides = array<i32>} : memref<34x128xf32, #tpu.memory_space<vmem>>, vector<1x16xf32>,
        %get3A_885 = arith.index_cast %add3A_866 : i32 to index
        %get3A_886 = arith.constant 32 : index
        %get3A_887 = tpu.vector_load %arg6[%get3A_885, %get3A_886] {strides = array<i32>} : memref<512x128xf32, #tpu.memory_space<vmem>>, vector<1x16xf32>,
        %get3A_888 = vector.shape_cast %get3A_887 : vector<1x16xf32> to vector<16xf32>
        %swap3A_889 = arith.index_cast %squeeze3A_864 : i32 to index
        %swap3A_890 = arith.constant 32 : index
        %swap3A_891 = tpu.vector_load %arg8[%swap3A_889, %swap3A_890] {strides = array<i32>} : memref<34x128xf32, #tpu.memory_space<vmem>>, vector<1x16xf32>,
        %swap3A_892 = vector.shape_cast %swap3A_891 : vector<1x16xf32> to vector<16xf32>
        %swap3A_893 = vector.shape_cast %get3A_888 : vector<16xf32> to vector<1x16xf32>
        tpu.vector_store %arg8[%swap3A_889, %swap3A_890], %swap3A_893 {add = true, strides = array<i32>} : memref<34x128xf32, #tpu.memory_space<vmem>>, vector<1x16xf32>,
        %get3A_894 = arith.index_cast %add3A_866 : i32 to index
        %get3A_895 = arith.constant 48 : index
        %get3A_896 = tpu.vector_load %arg6[%get3A_894, %get3A_895] {strides = array<i32>} : memref<512x128xf32, #tpu.memory_space<vmem>>, vector<1x16xf32>,
        %get3A_897 = vector.shape_cast %get3A_896 : vector<1x16xf32> to vector<16xf32>
        %swap3A_898 = arith.index_cast %squeeze3A_864 : i32 to index
        %swap3A_899 = arith.constant 48 : index
        %swap3A_900 = tpu.vector_load %arg8[%swap3A_898, %swap3A_899] {strides = array<i32>} : memref<34x128xf32, #tpu.memory_space<vmem>>, vector<1x16xf32>,
        %swap3A_901 = vector.shape_cast %swap3A_900 : vector<1x16xf32> to vector<16xf32>
        %swap3A_902 = vector.shape_cast %get3A_897 : vector<16xf32> to vector<1x16xf32>
        tpu.vector_store %arg8[%swap3A_898, %swap3A_899], %swap3A_902 {add = true, strides = array<i32>} : memref<34x128xf32, #tpu.memory_space<vmem>>, vector<1x16xf32>,
        %get3A_903 = arith.index_cast %add3A_866 : i32 to index
        %get3A_904 = arith.constant 64 : index
        %get3A_905 = tpu.vector_load %arg6[%get3A_903, %get3A_904] {strides = array<i32>} : memref<512x128xf32, #tpu.memory_space<vmem>>, vector<1x16xf32>,
        %get3A_906 = vector.shape_cast %get3A_905 : vector<1x16xf32> to vector<16xf32>
        %swap3A_907 = arith.index_cast %squeeze3A_864 : i32 to index
        %swap3A_908 = arith.constant 64 : index
        %swap3A_909 = tpu.vector_load %arg8[%swap3A_907, %swap3A_908] {strides = array<i32>} : memref<34x128xf32, #tpu.memory_space<vmem>>, vector<1x16xf32>,
        %swap3A_910 = vector.shape_cast %swap3A_909 : vector<1x16xf32> to vector<16xf32>
        %swap3A_911 = vector.shape_cast %get3A_906 : vector<16xf32> to vector<1x16xf32>
        tpu.vector_store %arg8[%swap3A_907, %swap3A_908], %swap3A_911 {add = true, strides = array<i32>} : memref<34x128xf32, #tpu.memory_space<vmem>>, vector<1x16xf32>,
        %get3A_912 = arith.index_cast %add3A_866 : i32 to index
        %get3A_913 = arith.constant 80 : index
        %get3A_914 = tpu.vector_load %arg6[%get3A_912, %get3A_913] {strides = array<i32>} : memref<512x128xf32, #tpu.memory_space<vmem>>, vector<1x16xf32>,
        %get3A_915 = vector.shape_cast %get3A_914 : vector<1x16xf32> to vector<16xf32>
        %swap3A_916 = arith.index_cast %squeeze3A_864 : i32 to index
        %swap3A_917 = arith.constant 80 : index
        %swap3A_918 = tpu.vector_load %arg8[%swap3A_916, %swap3A_917] {strides = array<i32>} : memref<34x128xf32, #tpu.memory_space<vmem>>, vector<1x16xf32>,
        %swap3A_919 = vector.shape_cast %swap3A_918 : vector<1x16xf32> to vector<16xf32>
        %swap3A_920 = vector.shape_cast %get3A_915 : vector<16xf32> to vector<1x16xf32>
        tpu.vector_store %arg8[%swap3A_916, %swap3A_917], %swap3A_920 {add = true, strides = array<i32>} : memref<34x128xf32, #tpu.memory_space<vmem>>, vector<1x16xf32>,
        %get3A_921 = arith.index_cast %add3A_866 : i32 to index
        %get3A_922 = arith.constant 96 : index
        %get3A_923 = tpu.vector_load %arg6[%get3A_921, %get3A_922] {strides = array<i32>} : memref<512x128xf32, #tpu.memory_space<vmem>>, vector<1x16xf32>,
        %get3A_924 = vector.shape_cast %get3A_923 : vector<1x16xf32> to vector<16xf32>
        %swap3A_925 = arith.index_cast %squeeze3A_864 : i32 to index
        %swap3A_926 = arith.constant 96 : index
        %swap3A_927 = tpu.vector_load %arg8[%swap3A_925, %swap3A_926] {strides = array<i32>} : memref<34x128xf32, #tpu.memory_space<vmem>>, vector<1x16xf32>,
        %swap3A_928 = vector.shape_cast %swap3A_927 : vector<1x16xf32> to vector<16xf32>
        %swap3A_929 = vector.shape_cast %get3A_924 : vector<16xf32> to vector<1x16xf32>
        tpu.vector_store %arg8[%swap3A_925, %swap3A_926], %swap3A_929 {add = true, strides = array<i32>} : memref<34x128xf32, #tpu.memory_space<vmem>>, vector<1x16xf32>,
        %get3A_930 = arith.index_cast %add3A_866 : i32 to index
        %get3A_931 = arith.constant 112 : index
        %get3A_932 = tpu.vector_load %arg6[%get3A_930, %get3A_931] {strides = array<i32>} : memref<512x128xf32, #tpu.memory_space<vmem>>, vector<1x16xf32>,
        %get3A_933 = vector.shape_cast %get3A_932 : vector<1x16xf32> to vector<16xf32>
        %swap3A_934 = arith.index_cast %squeeze3A_864 : i32 to index
        %swap3A_935 = arith.constant 112 : index
        %swap3A_936 = tpu.vector_load %arg8[%swap3A_934, %swap3A_935] {strides = array<i32>} : memref<34x128xf32, #tpu.memory_space<vmem>>, vector<1x16xf32>,
        %swap3A_937 = vector.shape_cast %swap3A_936 : vector<1x16xf32> to vector<16xf32>
        %swap3A_938 = vector.shape_cast %get3A_933 : vector<16xf32> to vector<1x16xf32>
        tpu.vector_store %arg8[%swap3A_934, %swap3A_935], %swap3A_938 {add = true, strides = array<i32>} : memref<34x128xf32, #tpu.memory_space<vmem>>, vector<1x16xf32>,
        %slice3A_939 = vector.extract_strided_slice %select_n3A_101 {offsets = [11], sizes = [1], strides = [1]} : vector<16xi32> to vector<1xi32>
        %squeeze3A_940 = vector.extract %slice3A_939[0] : i32 from vector<1xi32>
        %add3A_941 = arith.constant 11 : i32
        %add3A_942 = arith.addi %mul3A_103, %add3A_941 : i32
        %get3A_943 = arith.index_cast %add3A_942 : i32 to index
        %get3A_944 = arith.constant 0 : index
        %get3A_945 = tpu.vector_load %arg6[%get3A_943, %get3A_944] {strides = array<i32>} : memref<512x128xf32, #tpu.memory_space<vmem>>, vector<1x16xf32>,
        %get3A_946 = vector.shape_cast %get3A_945 : vector<1x16xf32> to vector<16xf32>
        %swap3A_947 = arith.index_cast %squeeze3A_940 : i32 to index
        %swap3A_948 = arith.constant 0 : index
        %swap3A_949 = tpu.vector_load %arg8[%swap3A_947, %swap3A_948] {strides = array<i32>} : memref<34x128xf32, #tpu.memory_space<vmem>>, vector<1x16xf32>,
        %swap3A_950 = vector.shape_cast %swap3A_949 : vector<1x16xf32> to vector<16xf32>
        %swap3A_951 = vector.shape_cast %get3A_946 : vector<16xf32> to vector<1x16xf32>
        tpu.vector_store %arg8[%swap3A_947, %swap3A_948], %swap3A_951 {add = true, strides = array<i32>} : memref<34x128xf32, #tpu.memory_space<vmem>>, vector<1x16xf32>,
        %get3A_952 = arith.index_cast %add3A_942 : i32 to index
        %get3A_953 = arith.constant 16 : index
        %get3A_954 = tpu.vector_load %arg6[%get3A_952, %get3A_953] {strides = array<i32>} : memref<512x128xf32, #tpu.memory_space<vmem>>, vector<1x16xf32>,
        %get3A_955 = vector.shape_cast %get3A_954 : vector<1x16xf32> to vector<16xf32>
        %swap3A_956 = arith.index_cast %squeeze3A_940 : i32 to index
        %swap3A_957 = arith.constant 16 : index
        %swap3A_958 = tpu.vector_load %arg8[%swap3A_956, %swap3A_957] {strides = array<i32>} : memref<34x128xf32, #tpu.memory_space<vmem>>, vector<1x16xf32>,
        %swap3A_959 = vector.shape_cast %swap3A_958 : vector<1x16xf32> to vector<16xf32>
        %swap3A_960 = vector.shape_cast %get3A_955 : vector<16xf32> to vector<1x16xf32>
        tpu.vector_store %arg8[%swap3A_956, %swap3A_957], %swap3A_960 {add = true, strides = array<i32>} : memref<34x128xf32, #tpu.memory_space<vmem>>, vector<1x16xf32>,
        %get3A_961 = arith.index_cast %add3A_942 : i32 to index
        %get3A_962 = arith.constant 32 : index
        %get3A_963 = tpu.vector_load %arg6[%get3A_961, %get3A_962] {strides = array<i32>} : memref<512x128xf32, #tpu.memory_space<vmem>>, vector<1x16xf32>,
        %get3A_964 = vector.shape_cast %get3A_963 : vector<1x16xf32> to vector<16xf32>
        %swap3A_965 = arith.index_cast %squeeze3A_940 : i32 to index
        %swap3A_966 = arith.constant 32 : index
        %swap3A_967 = tpu.vector_load %arg8[%swap3A_965, %swap3A_966] {strides = array<i32>} : memref<34x128xf32, #tpu.memory_space<vmem>>, vector<1x16xf32>,
        %swap3A_968 = vector.shape_cast %swap3A_967 : vector<1x16xf32> to vector<16xf32>
        %swap3A_969 = vector.shape_cast %get3A_964 : vector<16xf32> to vector<1x16xf32>
        tpu.vector_store %arg8[%swap3A_965, %swap3A_966], %swap3A_969 {add = true, strides = array<i32>} : memref<34x128xf32, #tpu.memory_space<vmem>>, vector<1x16xf32>,
        %get3A_970 = arith.index_cast %add3A_942 : i32 to index
        %get3A_971 = arith.constant 48 : index
        %get3A_972 = tpu.vector_load %arg6[%get3A_970, %get3A_971] {strides = array<i32>} : memref<512x128xf32, #tpu.memory_space<vmem>>, vector<1x16xf32>,
        %get3A_973 = vector.shape_cast %get3A_972 : vector<1x16xf32> to vector<16xf32>
        %swap3A_974 = arith.index_cast %squeeze3A_940 : i32 to index
        %swap3A_975 = arith.constant 48 : index
        %swap3A_976 = tpu.vector_load %arg8[%swap3A_974, %swap3A_975] {strides = array<i32>} : memref<34x128xf32, #tpu.memory_space<vmem>>, vector<1x16xf32>,
        %swap3A_977 = vector.shape_cast %swap3A_976 : vector<1x16xf32> to vector<16xf32>
        %swap3A_978 = vector.shape_cast %get3A_973 : vector<16xf32> to vector<1x16xf32>
        tpu.vector_store %arg8[%swap3A_974, %swap3A_975], %swap3A_978 {add = true, strides = array<i32>} : memref<34x128xf32, #tpu.memory_space<vmem>>, vector<1x16xf32>,
        %get3A_979 = arith.index_cast %add3A_942 : i32 to index
        %get3A_980 = arith.constant 64 : index
        %get3A_981 = tpu.vector_load %arg6[%get3A_979, %get3A_980] {strides = array<i32>} : memref<512x128xf32, #tpu.memory_space<vmem>>, vector<1x16xf32>,
        %get3A_982 = vector.shape_cast %get3A_981 : vector<1x16xf32> to vector<16xf32>
        %swap3A_983 = arith.index_cast %squeeze3A_940 : i32 to index
        %swap3A_984 = arith.constant 64 : index
        %swap3A_985 = tpu.vector_load %arg8[%swap3A_983, %swap3A_984] {strides = array<i32>} : memref<34x128xf32, #tpu.memory_space<vmem>>, vector<1x16xf32>,
        %swap3A_986 = vector.shape_cast %swap3A_985 : vector<1x16xf32> to vector<16xf32>
        %swap3A_987 = vector.shape_cast %get3A_982 : vector<16xf32> to vector<1x16xf32>
        tpu.vector_store %arg8[%swap3A_983, %swap3A_984], %swap3A_987 {add = true, strides = array<i32>} : memref<34x128xf32, #tpu.memory_space<vmem>>, vector<1x16xf32>,
        %get3A_988 = arith.index_cast %add3A_942 : i32 to index
        %get3A_989 = arith.constant 80 : index
        %get3A_990 = tpu.vector_load %arg6[%get3A_988, %get3A_989] {strides = array<i32>} : memref<512x128xf32, #tpu.memory_space<vmem>>, vector<1x16xf32>,
        %get3A_991 = vector.shape_cast %get3A_990 : vector<1x16xf32> to vector<16xf32>
        %swap3A_992 = arith.index_cast %squeeze3A_940 : i32 to index
        %swap3A_993 = arith.constant 80 : index
        %swap3A_994 = tpu.vector_load %arg8[%swap3A_992, %swap3A_993] {strides = array<i32>} : memref<34x128xf32, #tpu.memory_space<vmem>>, vector<1x16xf32>,
        %swap3A_995 = vector.shape_cast %swap3A_994 : vector<1x16xf32> to vector<16xf32>
        %swap3A_996 = vector.shape_cast %get3A_991 : vector<16xf32> to vector<1x16xf32>
        tpu.vector_store %arg8[%swap3A_992, %swap3A_993], %swap3A_996 {add = true, strides = array<i32>} : memref<34x128xf32, #tpu.memory_space<vmem>>, vector<1x16xf32>,
        %get3A_997 = arith.index_cast %add3A_942 : i32 to index
        %get3A_998 = arith.constant 96 : index
        %get3A_999 = tpu.vector_load %arg6[%get3A_997, %get3A_998] {strides = array<i32>} : memref<512x128xf32, #tpu.memory_space<vmem>>, vector<1x16xf32>,
        %get3A_1000 = vector.shape_cast %get3A_999 : vector<1x16xf32> to vector<16xf32>
        %swap3A_1001 = arith.index_cast %squeeze3A_940 : i32 to index
        %swap3A_1002 = arith.constant 96 : index
        %swap3A_1003 = tpu.vector_load %arg8[%swap3A_1001, %swap3A_1002] {strides = array<i32>} : memref<34x128xf32, #tpu.memory_space<vmem>>, vector<1x16xf32>,
        %swap3A_1004 = vector.shape_cast %swap3A_1003 : vector<1x16xf32> to vector<16xf32>
        %swap3A_1005 = vector.shape_cast %get3A_1000 : vector<16xf32> to vector<1x16xf32>
        tpu.vector_store %arg8[%swap3A_1001, %swap3A_1002], %swap3A_1005 {add = true, strides = array<i32>} : memref<34x128xf32, #tpu.memory_space<vmem>>, vector<1x16xf32>,
        %get3A_1006 = arith.index_cast %add3A_942 : i32 to index
        %get3A_1007 = arith.constant 112 : index
        %get3A_1008 = tpu.vector_load %arg6[%get3A_1006, %get3A_1007] {strides = array<i32>} : memref<512x128xf32, #tpu.memory_space<vmem>>, vector<1x16xf32>,
        %get3A_1009 = vector.shape_cast %get3A_1008 : vector<1x16xf32> to vector<16xf32>
        %swap3A_1010 = arith.index_cast %squeeze3A_940 : i32 to index
        %swap3A_1011 = arith.constant 112 : index
        %swap3A_1012 = tpu.vector_load %arg8[%swap3A_1010, %swap3A_1011] {strides = array<i32>} : memref<34x128xf32, #tpu.memory_space<vmem>>, vector<1x16xf32>,
        %swap3A_1013 = vector.shape_cast %swap3A_1012 : vector<1x16xf32> to vector<16xf32>
        %swap3A_1014 = vector.shape_cast %get3A_1009 : vector<16xf32> to vector<1x16xf32>
        tpu.vector_store %arg8[%swap3A_1010, %swap3A_1011], %swap3A_1014 {add = true, strides = array<i32>} : memref<34x128xf32, #tpu.memory_space<vmem>>, vector<1x16xf32>,
        %slice3A_1015 = vector.extract_strided_slice %select_n3A_101 {offsets = [12], sizes = [1], strides = [1]} : vector<16xi32> to vector<1xi32>
        %squeeze3A_1016 = vector.extract %slice3A_1015[0] : i32 from vector<1xi32>
        %add3A_1017 = arith.constant 12 : i32
        %add3A_1018 = arith.addi %mul3A_103, %add3A_1017 : i32
        %get3A_1019 = arith.index_cast %add3A_1018 : i32 to index
        %get3A_1020 = arith.constant 0 : index
        %get3A_1021 = tpu.vector_load %arg6[%get3A_1019, %get3A_1020] {strides = array<i32>} : memref<512x128xf32, #tpu.memory_space<vmem>>, vector<1x16xf32>,
        %get3A_1022 = vector.shape_cast %get3A_1021 : vector<1x16xf32> to vector<16xf32>
        %swap3A_1023 = arith.index_cast %squeeze3A_1016 : i32 to index
        %swap3A_1024 = arith.constant 0 : index
        %swap3A_1025 = tpu.vector_load %arg8[%swap3A_1023, %swap3A_1024] {strides = array<i32>} : memref<34x128xf32, #tpu.memory_space<vmem>>, vector<1x16xf32>,
        %swap3A_1026 = vector.shape_cast %swap3A_1025 : vector<1x16xf32> to vector<16xf32>
        %swap3A_1027 = vector.shape_cast %get3A_1022 : vector<16xf32> to vector<1x16xf32>
        tpu.vector_store %arg8[%swap3A_1023, %swap3A_1024], %swap3A_1027 {add = true, strides = array<i32>} : memref<34x128xf32, #tpu.memory_space<vmem>>, vector<1x16xf32>,
        %get3A_1028 = arith.index_cast %add3A_1018 : i32 to index
        %get3A_1029 = arith.constant 16 : index
        %get3A_1030 = tpu.vector_load %arg6[%get3A_1028, %get3A_1029] {strides = array<i32>} : memref<512x128xf32, #tpu.memory_space<vmem>>, vector<1x16xf32>,
        %get3A_1031 = vector.shape_cast %get3A_1030 : vector<1x16xf32> to vector<16xf32>
        %swap3A_1032 = arith.index_cast %squeeze3A_1016 : i32 to index
        %swap3A_1033 = arith.constant 16 : index
        %swap3A_1034 = tpu.vector_load %arg8[%swap3A_1032, %swap3A_1033] {strides = array<i32>} : memref<34x128xf32, #tpu.memory_space<vmem>>, vector<1x16xf32>,
        %swap3A_1035 = vector.shape_cast %swap3A_1034 : vector<1x16xf32> to vector<16xf32>
        %swap3A_1036 = vector.shape_cast %get3A_1031 : vector<16xf32> to vector<1x16xf32>
        tpu.vector_store %arg8[%swap3A_1032, %swap3A_1033], %swap3A_1036 {add = true, strides = array<i32>} : memref<34x128xf32, #tpu.memory_space<vmem>>, vector<1x16xf32>,
        %get3A_1037 = arith.index_cast %add3A_1018 : i32 to index
        %get3A_1038 = arith.constant 32 : index
        %get3A_1039 = tpu.vector_load %arg6[%get3A_1037, %get3A_1038] {strides = array<i32>} : memref<512x128xf32, #tpu.memory_space<vmem>>, vector<1x16xf32>,
        %get3A_1040 = vector.shape_cast %get3A_1039 : vector<1x16xf32> to vector<16xf32>
        %swap3A_1041 = arith.index_cast %squeeze3A_1016 : i32 to index
        %swap3A_1042 = arith.constant 32 : index
        %swap3A_1043 = tpu.vector_load %arg8[%swap3A_1041, %swap3A_1042] {strides = array<i32>} : memref<34x128xf32, #tpu.memory_space<vmem>>, vector<1x16xf32>,
        %swap3A_1044 = vector.shape_cast %swap3A_1043 : vector<1x16xf32> to vector<16xf32>
        %swap3A_1045 = vector.shape_cast %get3A_1040 : vector<16xf32> to vector<1x16xf32>
        tpu.vector_store %arg8[%swap3A_1041, %swap3A_1042], %swap3A_1045 {add = true, strides = array<i32>} : memref<34x128xf32, #tpu.memory_space<vmem>>, vector<1x16xf32>,
        %get3A_1046 = arith.index_cast %add3A_1018 : i32 to index
        %get3A_1047 = arith.constant 48 : index
        %get3A_1048 = tpu.vector_load %arg6[%get3A_1046, %get3A_1047] {strides = array<i32>} : memref<512x128xf32, #tpu.memory_space<vmem>>, vector<1x16xf32>,
        %get3A_1049 = vector.shape_cast %get3A_1048 : vector<1x16xf32> to vector<16xf32>
        %swap3A_1050 = arith.index_cast %squeeze3A_1016 : i32 to index
        %swap3A_1051 = arith.constant 48 : index
        %swap3A_1052 = tpu.vector_load %arg8[%swap3A_1050, %swap3A_1051] {strides = array<i32>} : memref<34x128xf32, #tpu.memory_space<vmem>>, vector<1x16xf32>,
        %swap3A_1053 = vector.shape_cast %swap3A_1052 : vector<1x16xf32> to vector<16xf32>
        %swap3A_1054 = vector.shape_cast %get3A_1049 : vector<16xf32> to vector<1x16xf32>
        tpu.vector_store %arg8[%swap3A_1050, %swap3A_1051], %swap3A_1054 {add = true, strides = array<i32>} : memref<34x128xf32, #tpu.memory_space<vmem>>, vector<1x16xf32>,
        %get3A_1055 = arith.index_cast %add3A_1018 : i32 to index
        %get3A_1056 = arith.constant 64 : index
        %get3A_1057 = tpu.vector_load %arg6[%get3A_1055, %get3A_1056] {strides = array<i32>} : memref<512x128xf32, #tpu.memory_space<vmem>>, vector<1x16xf32>,
        %get3A_1058 = vector.shape_cast %get3A_1057 : vector<1x16xf32> to vector<16xf32>
        %swap3A_1059 = arith.index_cast %squeeze3A_1016 : i32 to index
        %swap3A_1060 = arith.constant 64 : index
        %swap3A_1061 = tpu.vector_load %arg8[%swap3A_1059, %swap3A_1060] {strides = array<i32>} : memref<34x128xf32, #tpu.memory_space<vmem>>, vector<1x16xf32>,
        %swap3A_1062 = vector.shape_cast %swap3A_1061 : vector<1x16xf32> to vector<16xf32>
        %swap3A_1063 = vector.shape_cast %get3A_1058 : vector<16xf32> to vector<1x16xf32>
        tpu.vector_store %arg8[%swap3A_1059, %swap3A_1060], %swap3A_1063 {add = true, strides = array<i32>} : memref<34x128xf32, #tpu.memory_space<vmem>>, vector<1x16xf32>,
        %get3A_1064 = arith.index_cast %add3A_1018 : i32 to index
        %get3A_1065 = arith.constant 80 : index
        %get3A_1066 = tpu.vector_load %arg6[%get3A_1064, %get3A_1065] {strides = array<i32>} : memref<512x128xf32, #tpu.memory_space<vmem>>, vector<1x16xf32>,
        %get3A_1067 = vector.shape_cast %get3A_1066 : vector<1x16xf32> to vector<16xf32>
        %swap3A_1068 = arith.index_cast %squeeze3A_1016 : i32 to index
        %swap3A_1069 = arith.constant 80 : index
        %swap3A_1070 = tpu.vector_load %arg8[%swap3A_1068, %swap3A_1069] {strides = array<i32>} : memref<34x128xf32, #tpu.memory_space<vmem>>, vector<1x16xf32>,
        %swap3A_1071 = vector.shape_cast %swap3A_1070 : vector<1x16xf32> to vector<16xf32>
        %swap3A_1072 = vector.shape_cast %get3A_1067 : vector<16xf32> to vector<1x16xf32>
        tpu.vector_store %arg8[%swap3A_1068, %swap3A_1069], %swap3A_1072 {add = true, strides = array<i32>} : memref<34x128xf32, #tpu.memory_space<vmem>>, vector<1x16xf32>,
        %get3A_1073 = arith.index_cast %add3A_1018 : i32 to index
        %get3A_1074 = arith.constant 96 : index
        %get3A_1075 = tpu.vector_load %arg6[%get3A_1073, %get3A_1074] {strides = array<i32>} : memref<512x128xf32, #tpu.memory_space<vmem>>, vector<1x16xf32>,
        %get3A_1076 = vector.shape_cast %get3A_1075 : vector<1x16xf32> to vector<16xf32>
        %swap3A_1077 = arith.index_cast %squeeze3A_1016 : i32 to index
        %swap3A_1078 = arith.constant 96 : index
        %swap3A_1079 = tpu.vector_load %arg8[%swap3A_1077, %swap3A_1078] {strides = array<i32>} : memref<34x128xf32, #tpu.memory_space<vmem>>, vector<1x16xf32>,
        %swap3A_1080 = vector.shape_cast %swap3A_1079 : vector<1x16xf32> to vector<16xf32>
        %swap3A_1081 = vector.shape_cast %get3A_1076 : vector<16xf32> to vector<1x16xf32>
        tpu.vector_store %arg8[%swap3A_1077, %swap3A_1078], %swap3A_1081 {add = true, strides = array<i32>} : memref<34x128xf32, #tpu.memory_space<vmem>>, vector<1x16xf32>,
        %get3A_1082 = arith.index_cast %add3A_1018 : i32 to index
        %get3A_1083 = arith.constant 112 : index
        %get3A_1084 = tpu.vector_load %arg6[%get3A_1082, %get3A_1083] {strides = array<i32>} : memref<512x128xf32, #tpu.memory_space<vmem>>, vector<1x16xf32>,
        %get3A_1085 = vector.shape_cast %get3A_1084 : vector<1x16xf32> to vector<16xf32>
        %swap3A_1086 = arith.index_cast %squeeze3A_1016 : i32 to index
        %swap3A_1087 = arith.constant 112 : index
        %swap3A_1088 = tpu.vector_load %arg8[%swap3A_1086, %swap3A_1087] {strides = array<i32>} : memref<34x128xf32, #tpu.memory_space<vmem>>, vector<1x16xf32>,
        %swap3A_1089 = vector.shape_cast %swap3A_1088 : vector<1x16xf32> to vector<16xf32>
        %swap3A_1090 = vector.shape_cast %get3A_1085 : vector<16xf32> to vector<1x16xf32>
        tpu.vector_store %arg8[%swap3A_1086, %swap3A_1087], %swap3A_1090 {add = true, strides = array<i32>} : memref<34x128xf32, #tpu.memory_space<vmem>>, vector<1x16xf32>,
        %slice3A_1091 = vector.extract_strided_slice %select_n3A_101 {offsets = [13], sizes = [1], strides = [1]} : vector<16xi32> to vector<1xi32>
        %squeeze3A_1092 = vector.extract %slice3A_1091[0] : i32 from vector<1xi32>
        %add3A_1093 = arith.constant 13 : i32
        %add3A_1094 = arith.addi %mul3A_103, %add3A_1093 : i32
        %get3A_1095 = arith.index_cast %add3A_1094 : i32 to index
        %get3A_1096 = arith.constant 0 : index
        %get3A_1097 = tpu.vector_load %arg6[%get3A_1095, %get3A_1096] {strides = array<i32>} : memref<512x128xf32, #tpu.memory_space<vmem>>, vector<1x16xf32>,
        %get3A_1098 = vector.shape_cast %get3A_1097 : vector<1x16xf32> to vector<16xf32>
        %swap3A_1099 = arith.index_cast %squeeze3A_1092 : i32 to index
        %swap3A_1100 = arith.constant 0 : index
        %swap3A_1101 = tpu.vector_load %arg8[%swap3A_1099, %swap3A_1100] {strides = array<i32>} : memref<34x128xf32, #tpu.memory_space<vmem>>, vector<1x16xf32>,
        %swap3A_1102 = vector.shape_cast %swap3A_1101 : vector<1x16xf32> to vector<16xf32>
        %swap3A_1103 = vector.shape_cast %get3A_1098 : vector<16xf32> to vector<1x16xf32>
        tpu.vector_store %arg8[%swap3A_1099, %swap3A_1100], %swap3A_1103 {add = true, strides = array<i32>} : memref<34x128xf32, #tpu.memory_space<vmem>>, vector<1x16xf32>,
        %get3A_1104 = arith.index_cast %add3A_1094 : i32 to index
        %get3A_1105 = arith.constant 16 : index
        %get3A_1106 = tpu.vector_load %arg6[%get3A_1104, %get3A_1105] {strides = array<i32>} : memref<512x128xf32, #tpu.memory_space<vmem>>, vector<1x16xf32>,
        %get3A_1107 = vector.shape_cast %get3A_1106 : vector<1x16xf32> to vector<16xf32>
        %swap3A_1108 = arith.index_cast %squeeze3A_1092 : i32 to index
        %swap3A_1109 = arith.constant 16 : index
        %swap3A_1110 = tpu.vector_load %arg8[%swap3A_1108, %swap3A_1109] {strides = array<i32>} : memref<34x128xf32, #tpu.memory_space<vmem>>, vector<1x16xf32>,
        %swap3A_1111 = vector.shape_cast %swap3A_1110 : vector<1x16xf32> to vector<16xf32>
        %swap3A_1112 = vector.shape_cast %get3A_1107 : vector<16xf32> to vector<1x16xf32>
        tpu.vector_store %arg8[%swap3A_1108, %swap3A_1109], %swap3A_1112 {add = true, strides = array<i32>} : memref<34x128xf32, #tpu.memory_space<vmem>>, vector<1x16xf32>,
        %get3A_1113 = arith.index_cast %add3A_1094 : i32 to index
        %get3A_1114 = arith.constant 32 : index
        %get3A_1115 = tpu.vector_load %arg6[%get3A_1113, %get3A_1114] {strides = array<i32>} : memref<512x128xf32, #tpu.memory_space<vmem>>, vector<1x16xf32>,
        %get3A_1116 = vector.shape_cast %get3A_1115 : vector<1x16xf32> to vector<16xf32>
        %swap3A_1117 = arith.index_cast %squeeze3A_1092 : i32 to index
        %swap3A_1118 = arith.constant 32 : index
        %swap3A_1119 = tpu.vector_load %arg8[%swap3A_1117, %swap3A_1118] {strides = array<i32>} : memref<34x128xf32, #tpu.memory_space<vmem>>, vector<1x16xf32>,
        %swap3A_1120 = vector.shape_cast %swap3A_1119 : vector<1x16xf32> to vector<16xf32>
        %swap3A_1121 = vector.shape_cast %get3A_1116 : vector<16xf32> to vector<1x16xf32>
        tpu.vector_store %arg8[%swap3A_1117, %swap3A_1118], %swap3A_1121 {add = true, strides = array<i32>} : memref<34x128xf32, #tpu.memory_space<vmem>>, vector<1x16xf32>,
        %get3A_1122 = arith.index_cast %add3A_1094 : i32 to index
        %get3A_1123 = arith.constant 48 : index
        %get3A_1124 = tpu.vector_load %arg6[%get3A_1122, %get3A_1123] {strides = array<i32>} : memref<512x128xf32, #tpu.memory_space<vmem>>, vector<1x16xf32>,
        %get3A_1125 = vector.shape_cast %get3A_1124 : vector<1x16xf32> to vector<16xf32>
        %swap3A_1126 = arith.index_cast %squeeze3A_1092 : i32 to index
        %swap3A_1127 = arith.constant 48 : index
        %swap3A_1128 = tpu.vector_load %arg8[%swap3A_1126, %swap3A_1127] {strides = array<i32>} : memref<34x128xf32, #tpu.memory_space<vmem>>, vector<1x16xf32>,
        %swap3A_1129 = vector.shape_cast %swap3A_1128 : vector<1x16xf32> to vector<16xf32>
        %swap3A_1130 = vector.shape_cast %get3A_1125 : vector<16xf32> to vector<1x16xf32>
        tpu.vector_store %arg8[%swap3A_1126, %swap3A_1127], %swap3A_1130 {add = true, strides = array<i32>} : memref<34x128xf32, #tpu.memory_space<vmem>>, vector<1x16xf32>,
        %get3A_1131 = arith.index_cast %add3A_1094 : i32 to index
        %get3A_1132 = arith.constant 64 : index
        %get3A_1133 = tpu.vector_load %arg6[%get3A_1131, %get3A_1132] {strides = array<i32>} : memref<512x128xf32, #tpu.memory_space<vmem>>, vector<1x16xf32>,
        %get3A_1134 = vector.shape_cast %get3A_1133 : vector<1x16xf32> to vector<16xf32>
        %swap3A_1135 = arith.index_cast %squeeze3A_1092 : i32 to index
        %swap3A_1136 = arith.constant 64 : index
        %swap3A_1137 = tpu.vector_load %arg8[%swap3A_1135, %swap3A_1136] {strides = array<i32>} : memref<34x128xf32, #tpu.memory_space<vmem>>, vector<1x16xf32>,
        %swap3A_1138 = vector.shape_cast %swap3A_1137 : vector<1x16xf32> to vector<16xf32>
        %swap3A_1139 = vector.shape_cast %get3A_1134 : vector<16xf32> to vector<1x16xf32>
        tpu.vector_store %arg8[%swap3A_1135, %swap3A_1136], %swap3A_1139 {add = true, strides = array<i32>} : memref<34x128xf32, #tpu.memory_space<vmem>>, vector<1x16xf32>,
        %get3A_1140 = arith.index_cast %add3A_1094 : i32 to index
        %get3A_1141 = arith.constant 80 : index
        %get3A_1142 = tpu.vector_load %arg6[%get3A_1140, %get3A_1141] {strides = array<i32>} : memref<512x128xf32, #tpu.memory_space<vmem>>, vector<1x16xf32>,
        %get3A_1143 = vector.shape_cast %get3A_1142 : vector<1x16xf32> to vector<16xf32>
        %swap3A_1144 = arith.index_cast %squeeze3A_1092 : i32 to index
        %swap3A_1145 = arith.constant 80 : index
        %swap3A_1146 = tpu.vector_load %arg8[%swap3A_1144, %swap3A_1145] {strides = array<i32>} : memref<34x128xf32, #tpu.memory_space<vmem>>, vector<1x16xf32>,
        %swap3A_1147 = vector.shape_cast %swap3A_1146 : vector<1x16xf32> to vector<16xf32>
        %swap3A_1148 = vector.shape_cast %get3A_1143 : vector<16xf32> to vector<1x16xf32>
        tpu.vector_store %arg8[%swap3A_1144, %swap3A_1145], %swap3A_1148 {add = true, strides = array<i32>} : memref<34x128xf32, #tpu.memory_space<vmem>>, vector<1x16xf32>,
        %get3A_1149 = arith.index_cast %add3A_1094 : i32 to index
        %get3A_1150 = arith.constant 96 : index
        %get3A_1151 = tpu.vector_load %arg6[%get3A_1149, %get3A_1150] {strides = array<i32>} : memref<512x128xf32, #tpu.memory_space<vmem>>, vector<1x16xf32>,
        %get3A_1152 = vector.shape_cast %get3A_1151 : vector<1x16xf32> to vector<16xf32>
        %swap3A_1153 = arith.index_cast %squeeze3A_1092 : i32 to index
        %swap3A_1154 = arith.constant 96 : index
        %swap3A_1155 = tpu.vector_load %arg8[%swap3A_1153, %swap3A_1154] {strides = array<i32>} : memref<34x128xf32, #tpu.memory_space<vmem>>, vector<1x16xf32>,
        %swap3A_1156 = vector.shape_cast %swap3A_1155 : vector<1x16xf32> to vector<16xf32>
        %swap3A_1157 = vector.shape_cast %get3A_1152 : vector<16xf32> to vector<1x16xf32>
        tpu.vector_store %arg8[%swap3A_1153, %swap3A_1154], %swap3A_1157 {add = true, strides = array<i32>} : memref<34x128xf32, #tpu.memory_space<vmem>>, vector<1x16xf32>,
        %get3A_1158 = arith.index_cast %add3A_1094 : i32 to index
        %get3A_1159 = arith.constant 112 : index
        %get3A_1160 = tpu.vector_load %arg6[%get3A_1158, %get3A_1159] {strides = array<i32>} : memref<512x128xf32, #tpu.memory_space<vmem>>, vector<1x16xf32>,
        %get3A_1161 = vector.shape_cast %get3A_1160 : vector<1x16xf32> to vector<16xf32>
        %swap3A_1162 = arith.index_cast %squeeze3A_1092 : i32 to index
        %swap3A_1163 = arith.constant 112 : index
        %swap3A_1164 = tpu.vector_load %arg8[%swap3A_1162, %swap3A_1163] {strides = array<i32>} : memref<34x128xf32, #tpu.memory_space<vmem>>, vector<1x16xf32>,
        %swap3A_1165 = vector.shape_cast %swap3A_1164 : vector<1x16xf32> to vector<16xf32>
        %swap3A_1166 = vector.shape_cast %get3A_1161 : vector<16xf32> to vector<1x16xf32>
        tpu.vector_store %arg8[%swap3A_1162, %swap3A_1163], %swap3A_1166 {add = true, strides = array<i32>} : memref<34x128xf32, #tpu.memory_space<vmem>>, vector<1x16xf32>,
        %slice3A_1167 = vector.extract_strided_slice %select_n3A_101 {offsets = [14], sizes = [1], strides = [1]} : vector<16xi32> to vector<1xi32>
        %squeeze3A_1168 = vector.extract %slice3A_1167[0] : i32 from vector<1xi32>
        %add3A_1169 = arith.constant 14 : i32
        %add3A_1170 = arith.addi %mul3A_103, %add3A_1169 : i32
        %get3A_1171 = arith.index_cast %add3A_1170 : i32 to index
        %get3A_1172 = arith.constant 0 : index
        %get3A_1173 = tpu.vector_load %arg6[%get3A_1171, %get3A_1172] {strides = array<i32>} : memref<512x128xf32, #tpu.memory_space<vmem>>, vector<1x16xf32>,
        %get3A_1174 = vector.shape_cast %get3A_1173 : vector<1x16xf32> to vector<16xf32>
        %swap3A_1175 = arith.index_cast %squeeze3A_1168 : i32 to index
        %swap3A_1176 = arith.constant 0 : index
        %swap3A_1177 = tpu.vector_load %arg8[%swap3A_1175, %swap3A_1176] {strides = array<i32>} : memref<34x128xf32, #tpu.memory_space<vmem>>, vector<1x16xf32>,
        %swap3A_1178 = vector.shape_cast %swap3A_1177 : vector<1x16xf32> to vector<16xf32>
        %swap3A_1179 = vector.shape_cast %get3A_1174 : vector<16xf32> to vector<1x16xf32>
        tpu.vector_store %arg8[%swap3A_1175, %swap3A_1176], %swap3A_1179 {add = true, strides = array<i32>} : memref<34x128xf32, #tpu.memory_space<vmem>>, vector<1x16xf32>,
        %get3A_1180 = arith.index_cast %add3A_1170 : i32 to index
        %get3A_1181 = arith.constant 16 : index
        %get3A_1182 = tpu.vector_load %arg6[%get3A_1180, %get3A_1181] {strides = array<i32>} : memref<512x128xf32, #tpu.memory_space<vmem>>, vector<1x16xf32>,
        %get3A_1183 = vector.shape_cast %get3A_1182 : vector<1x16xf32> to vector<16xf32>
        %swap3A_1184 = arith.index_cast %squeeze3A_1168 : i32 to index
        %swap3A_1185 = arith.constant 16 : index
        %swap3A_1186 = tpu.vector_load %arg8[%swap3A_1184, %swap3A_1185] {strides = array<i32>} : memref<34x128xf32, #tpu.memory_space<vmem>>, vector<1x16xf32>,
        %swap3A_1187 = vector.shape_cast %swap3A_1186 : vector<1x16xf32> to vector<16xf32>
        %swap3A_1188 = vector.shape_cast %get3A_1183 : vector<16xf32> to vector<1x16xf32>
        tpu.vector_store %arg8[%swap3A_1184, %swap3A_1185], %swap3A_1188 {add = true, strides = array<i32>} : memref<34x128xf32, #tpu.memory_space<vmem>>, vector<1x16xf32>,
        %get3A_1189 = arith.index_cast %add3A_1170 : i32 to index
        %get3A_1190 = arith.constant 32 : index
        %get3A_1191 = tpu.vector_load %arg6[%get3A_1189, %get3A_1190] {strides = array<i32>} : memref<512x128xf32, #tpu.memory_space<vmem>>, vector<1x16xf32>,
        %get3A_1192 = vector.shape_cast %get3A_1191 : vector<1x16xf32> to vector<16xf32>
        %swap3A_1193 = arith.index_cast %squeeze3A_1168 : i32 to index
        %swap3A_1194 = arith.constant 32 : index
        %swap3A_1195 = tpu.vector_load %arg8[%swap3A_1193, %swap3A_1194] {strides = array<i32>} : memref<34x128xf32, #tpu.memory_space<vmem>>, vector<1x16xf32>,
        %swap3A_1196 = vector.shape_cast %swap3A_1195 : vector<1x16xf32> to vector<16xf32>
        %swap3A_1197 = vector.shape_cast %get3A_1192 : vector<16xf32> to vector<1x16xf32>
        tpu.vector_store %arg8[%swap3A_1193, %swap3A_1194], %swap3A_1197 {add = true, strides = array<i32>} : memref<34x128xf32, #tpu.memory_space<vmem>>, vector<1x16xf32>,
        %get3A_1198 = arith.index_cast %add3A_1170 : i32 to index
        %get3A_1199 = arith.constant 48 : index
        %get3A_1200 = tpu.vector_load %arg6[%get3A_1198, %get3A_1199] {strides = array<i32>} : memref<512x128xf32, #tpu.memory_space<vmem>>, vector<1x16xf32>,
        %get3A_1201 = vector.shape_cast %get3A_1200 : vector<1x16xf32> to vector<16xf32>
        %swap3A_1202 = arith.index_cast %squeeze3A_1168 : i32 to index
        %swap3A_1203 = arith.constant 48 : index
        %swap3A_1204 = tpu.vector_load %arg8[%swap3A_1202, %swap3A_1203] {strides = array<i32>} : memref<34x128xf32, #tpu.memory_space<vmem>>, vector<1x16xf32>,
        %swap3A_1205 = vector.shape_cast %swap3A_1204 : vector<1x16xf32> to vector<16xf32>
        %swap3A_1206 = vector.shape_cast %get3A_1201 : vector<16xf32> to vector<1x16xf32>
        tpu.vector_store %arg8[%swap3A_1202, %swap3A_1203], %swap3A_1206 {add = true, strides = array<i32>} : memref<34x128xf32, #tpu.memory_space<vmem>>, vector<1x16xf32>,
        %get3A_1207 = arith.index_cast %add3A_1170 : i32 to index
        %get3A_1208 = arith.constant 64 : index
        %get3A_1209 = tpu.vector_load %arg6[%get3A_1207, %get3A_1208] {strides = array<i32>} : memref<512x128xf32, #tpu.memory_space<vmem>>, vector<1x16xf32>,
        %get3A_1210 = vector.shape_cast %get3A_1209 : vector<1x16xf32> to vector<16xf32>
        %swap3A_1211 = arith.index_cast %squeeze3A_1168 : i32 to index
        %swap3A_1212 = arith.constant 64 : index
        %swap3A_1213 = tpu.vector_load %arg8[%swap3A_1211, %swap3A_1212] {strides = array<i32>} : memref<34x128xf32, #tpu.memory_space<vmem>>, vector<1x16xf32>,
        %swap3A_1214 = vector.shape_cast %swap3A_1213 : vector<1x16xf32> to vector<16xf32>
        %swap3A_1215 = vector.shape_cast %get3A_1210 : vector<16xf32> to vector<1x16xf32>
        tpu.vector_store %arg8[%swap3A_1211, %swap3A_1212], %swap3A_1215 {add = true, strides = array<i32>} : memref<34x128xf32, #tpu.memory_space<vmem>>, vector<1x16xf32>,
        %get3A_1216 = arith.index_cast %add3A_1170 : i32 to index
        %get3A_1217 = arith.constant 80 : index
        %get3A_1218 = tpu.vector_load %arg6[%get3A_1216, %get3A_1217] {strides = array<i32>} : memref<512x128xf32, #tpu.memory_space<vmem>>, vector<1x16xf32>,
        %get3A_1219 = vector.shape_cast %get3A_1218 : vector<1x16xf32> to vector<16xf32>
        %swap3A_1220 = arith.index_cast %squeeze3A_1168 : i32 to index
        %swap3A_1221 = arith.constant 80 : index
        %swap3A_1222 = tpu.vector_load %arg8[%swap3A_1220, %swap3A_1221] {strides = array<i32>} : memref<34x128xf32, #tpu.memory_space<vmem>>, vector<1x16xf32>,
        %swap3A_1223 = vector.shape_cast %swap3A_1222 : vector<1x16xf32> to vector<16xf32>
        %swap3A_1224 = vector.shape_cast %get3A_1219 : vector<16xf32> to vector<1x16xf32>
        tpu.vector_store %arg8[%swap3A_1220, %swap3A_1221], %swap3A_1224 {add = true, strides = array<i32>} : memref<34x128xf32, #tpu.memory_space<vmem>>, vector<1x16xf32>,
        %get3A_1225 = arith.index_cast %add3A_1170 : i32 to index
        %get3A_1226 = arith.constant 96 : index
        %get3A_1227 = tpu.vector_load %arg6[%get3A_1225, %get3A_1226] {strides = array<i32>} : memref<512x128xf32, #tpu.memory_space<vmem>>, vector<1x16xf32>,
        %get3A_1228 = vector.shape_cast %get3A_1227 : vector<1x16xf32> to vector<16xf32>
        %swap3A_1229 = arith.index_cast %squeeze3A_1168 : i32 to index
        %swap3A_1230 = arith.constant 96 : index
        %swap3A_1231 = tpu.vector_load %arg8[%swap3A_1229, %swap3A_1230] {strides = array<i32>} : memref<34x128xf32, #tpu.memory_space<vmem>>, vector<1x16xf32>,
        %swap3A_1232 = vector.shape_cast %swap3A_1231 : vector<1x16xf32> to vector<16xf32>
        %swap3A_1233 = vector.shape_cast %get3A_1228 : vector<16xf32> to vector<1x16xf32>
        tpu.vector_store %arg8[%swap3A_1229, %swap3A_1230], %swap3A_1233 {add = true, strides = array<i32>} : memref<34x128xf32, #tpu.memory_space<vmem>>, vector<1x16xf32>,
        %get3A_1234 = arith.index_cast %add3A_1170 : i32 to index
        %get3A_1235 = arith.constant 112 : index
        %get3A_1236 = tpu.vector_load %arg6[%get3A_1234, %get3A_1235] {strides = array<i32>} : memref<512x128xf32, #tpu.memory_space<vmem>>, vector<1x16xf32>,
        %get3A_1237 = vector.shape_cast %get3A_1236 : vector<1x16xf32> to vector<16xf32>
        %swap3A_1238 = arith.index_cast %squeeze3A_1168 : i32 to index
        %swap3A_1239 = arith.constant 112 : index
        %swap3A_1240 = tpu.vector_load %arg8[%swap3A_1238, %swap3A_1239] {strides = array<i32>} : memref<34x128xf32, #tpu.memory_space<vmem>>, vector<1x16xf32>,
        %swap3A_1241 = vector.shape_cast %swap3A_1240 : vector<1x16xf32> to vector<16xf32>
        %swap3A_1242 = vector.shape_cast %get3A_1237 : vector<16xf32> to vector<1x16xf32>
        tpu.vector_store %arg8[%swap3A_1238, %swap3A_1239], %swap3A_1242 {add = true, strides = array<i32>} : memref<34x128xf32, #tpu.memory_space<vmem>>, vector<1x16xf32>,
        %slice3A_1243 = vector.extract_strided_slice %select_n3A_101 {offsets = [15], sizes = [1], strides = [1]} : vector<16xi32> to vector<1xi32>
        %squeeze3A_1244 = vector.extract %slice3A_1243[0] : i32 from vector<1xi32>
        %add3A_1245 = arith.constant 15 : i32
        %add3A_1246 = arith.addi %mul3A_103, %add3A_1245 : i32
        %get3A_1247 = arith.index_cast %add3A_1246 : i32 to index
        %get3A_1248 = arith.constant 0 : index
        %get3A_1249 = tpu.vector_load %arg6[%get3A_1247, %get3A_1248] {strides = array<i32>} : memref<512x128xf32, #tpu.memory_space<vmem>>, vector<1x16xf32>,
        %get3A_1250 = vector.shape_cast %get3A_1249 : vector<1x16xf32> to vector<16xf32>
        %swap3A_1251 = arith.index_cast %squeeze3A_1244 : i32 to index
        %swap3A_1252 = arith.constant 0 : index
        %swap3A_1253 = tpu.vector_load %arg8[%swap3A_1251, %swap3A_1252] {strides = array<i32>} : memref<34x128xf32, #tpu.memory_space<vmem>>, vector<1x16xf32>,
        %swap3A_1254 = vector.shape_cast %swap3A_1253 : vector<1x16xf32> to vector<16xf32>
        %swap3A_1255 = vector.shape_cast %get3A_1250 : vector<16xf32> to vector<1x16xf32>
        tpu.vector_store %arg8[%swap3A_1251, %swap3A_1252], %swap3A_1255 {add = true, strides = array<i32>} : memref<34x128xf32, #tpu.memory_space<vmem>>, vector<1x16xf32>,
        %get3A_1256 = arith.index_cast %add3A_1246 : i32 to index
        %get3A_1257 = arith.constant 16 : index
        %get3A_1258 = tpu.vector_load %arg6[%get3A_1256, %get3A_1257] {strides = array<i32>} : memref<512x128xf32, #tpu.memory_space<vmem>>, vector<1x16xf32>,
        %get3A_1259 = vector.shape_cast %get3A_1258 : vector<1x16xf32> to vector<16xf32>
        %swap3A_1260 = arith.index_cast %squeeze3A_1244 : i32 to index
        %swap3A_1261 = arith.constant 16 : index
        %swap3A_1262 = tpu.vector_load %arg8[%swap3A_1260, %swap3A_1261] {strides = array<i32>} : memref<34x128xf32, #tpu.memory_space<vmem>>, vector<1x16xf32>,
        %swap3A_1263 = vector.shape_cast %swap3A_1262 : vector<1x16xf32> to vector<16xf32>
        %swap3A_1264 = vector.shape_cast %get3A_1259 : vector<16xf32> to vector<1x16xf32>
        tpu.vector_store %arg8[%swap3A_1260, %swap3A_1261], %swap3A_1264 {add = true, strides = array<i32>} : memref<34x128xf32, #tpu.memory_space<vmem>>, vector<1x16xf32>,
        %get3A_1265 = arith.index_cast %add3A_1246 : i32 to index
        %get3A_1266 = arith.constant 32 : index
        %get3A_1267 = tpu.vector_load %arg6[%get3A_1265, %get3A_1266] {strides = array<i32>} : memref<512x128xf32, #tpu.memory_space<vmem>>, vector<1x16xf32>,
        %get3A_1268 = vector.shape_cast %get3A_1267 : vector<1x16xf32> to vector<16xf32>
        %swap3A_1269 = arith.index_cast %squeeze3A_1244 : i32 to index
        %swap3A_1270 = arith.constant 32 : index
        %swap3A_1271 = tpu.vector_load %arg8[%swap3A_1269, %swap3A_1270] {strides = array<i32>} : memref<34x128xf32, #tpu.memory_space<vmem>>, vector<1x16xf32>,
        %swap3A_1272 = vector.shape_cast %swap3A_1271 : vector<1x16xf32> to vector<16xf32>
        %swap3A_1273 = vector.shape_cast %get3A_1268 : vector<16xf32> to vector<1x16xf32>
        tpu.vector_store %arg8[%swap3A_1269, %swap3A_1270], %swap3A_1273 {add = true, strides = array<i32>} : memref<34x128xf32, #tpu.memory_space<vmem>>, vector<1x16xf32>,
        %get3A_1274 = arith.index_cast %add3A_1246 : i32 to index
        %get3A_1275 = arith.constant 48 : index
        %get3A_1276 = tpu.vector_load %arg6[%get3A_1274, %get3A_1275] {strides = array<i32>} : memref<512x128xf32, #tpu.memory_space<vmem>>, vector<1x16xf32>,
        %get3A_1277 = vector.shape_cast %get3A_1276 : vector<1x16xf32> to vector<16xf32>
        %swap3A_1278 = arith.index_cast %squeeze3A_1244 : i32 to index
        %swap3A_1279 = arith.constant 48 : index
        %swap3A_1280 = tpu.vector_load %arg8[%swap3A_1278, %swap3A_1279] {strides = array<i32>} : memref<34x128xf32, #tpu.memory_space<vmem>>, vector<1x16xf32>,
        %swap3A_1281 = vector.shape_cast %swap3A_1280 : vector<1x16xf32> to vector<16xf32>
        %swap3A_1282 = vector.shape_cast %get3A_1277 : vector<16xf32> to vector<1x16xf32>
        tpu.vector_store %arg8[%swap3A_1278, %swap3A_1279], %swap3A_1282 {add = true, strides = array<i32>} : memref<34x128xf32, #tpu.memory_space<vmem>>, vector<1x16xf32>,
        %get3A_1283 = arith.index_cast %add3A_1246 : i32 to index
        %get3A_1284 = arith.constant 64 : index
        %get3A_1285 = tpu.vector_load %arg6[%get3A_1283, %get3A_1284] {strides = array<i32>} : memref<512x128xf32, #tpu.memory_space<vmem>>, vector<1x16xf32>,
        %get3A_1286 = vector.shape_cast %get3A_1285 : vector<1x16xf32> to vector<16xf32>
        %swap3A_1287 = arith.index_cast %squeeze3A_1244 : i32 to index
        %swap3A_1288 = arith.constant 64 : index
        %swap3A_1289 = tpu.vector_load %arg8[%swap3A_1287, %swap3A_1288] {strides = array<i32>} : memref<34x128xf32, #tpu.memory_space<vmem>>, vector<1x16xf32>,
        %swap3A_1290 = vector.shape_cast %swap3A_1289 : vector<1x16xf32> to vector<16xf32>
        %swap3A_1291 = vector.shape_cast %get3A_1286 : vector<16xf32> to vector<1x16xf32>
        tpu.vector_store %arg8[%swap3A_1287, %swap3A_1288], %swap3A_1291 {add = true, strides = array<i32>} : memref<34x128xf32, #tpu.memory_space<vmem>>, vector<1x16xf32>,
        %get3A_1292 = arith.index_cast %add3A_1246 : i32 to index
        %get3A_1293 = arith.constant 80 : index
        %get3A_1294 = tpu.vector_load %arg6[%get3A_1292, %get3A_1293] {strides = array<i32>} : memref<512x128xf32, #tpu.memory_space<vmem>>, vector<1x16xf32>,
        %get3A_1295 = vector.shape_cast %get3A_1294 : vector<1x16xf32> to vector<16xf32>
        %swap3A_1296 = arith.index_cast %squeeze3A_1244 : i32 to index
        %swap3A_1297 = arith.constant 80 : index
        %swap3A_1298 = tpu.vector_load %arg8[%swap3A_1296, %swap3A_1297] {strides = array<i32>} : memref<34x128xf32, #tpu.memory_space<vmem>>, vector<1x16xf32>,
        %swap3A_1299 = vector.shape_cast %swap3A_1298 : vector<1x16xf32> to vector<16xf32>
        %swap3A_1300 = vector.shape_cast %get3A_1295 : vector<16xf32> to vector<1x16xf32>
        tpu.vector_store %arg8[%swap3A_1296, %swap3A_1297], %swap3A_1300 {add = true, strides = array<i32>} : memref<34x128xf32, #tpu.memory_space<vmem>>, vector<1x16xf32>,
        %get3A_1301 = arith.index_cast %add3A_1246 : i32 to index
        %get3A_1302 = arith.constant 96 : index
        %get3A_1303 = tpu.vector_load %arg6[%get3A_1301, %get3A_1302] {strides = array<i32>} : memref<512x128xf32, #tpu.memory_space<vmem>>, vector<1x16xf32>,
        %get3A_1304 = vector.shape_cast %get3A_1303 : vector<1x16xf32> to vector<16xf32>
        %swap3A_1305 = arith.index_cast %squeeze3A_1244 : i32 to index
        %swap3A_1306 = arith.constant 96 : index
        %swap3A_1307 = tpu.vector_load %arg8[%swap3A_1305, %swap3A_1306] {strides = array<i32>} : memref<34x128xf32, #tpu.memory_space<vmem>>, vector<1x16xf32>,
        %swap3A_1308 = vector.shape_cast %swap3A_1307 : vector<1x16xf32> to vector<16xf32>
        %swap3A_1309 = vector.shape_cast %get3A_1304 : vector<16xf32> to vector<1x16xf32>
        tpu.vector_store %arg8[%swap3A_1305, %swap3A_1306], %swap3A_1309 {add = true, strides = array<i32>} : memref<34x128xf32, #tpu.memory_space<vmem>>, vector<1x16xf32>,
        %get3A_1310 = arith.index_cast %add3A_1246 : i32 to index
        %get3A_1311 = arith.constant 112 : index
        %get3A_1312 = tpu.vector_load %arg6[%get3A_1310, %get3A_1311] {strides = array<i32>} : memref<512x128xf32, #tpu.memory_space<vmem>>, vector<1x16xf32>,
        %get3A_1313 = vector.shape_cast %get3A_1312 : vector<1x16xf32> to vector<16xf32>
        %swap3A_1314 = arith.index_cast %squeeze3A_1244 : i32 to index
        %swap3A_1315 = arith.constant 112 : index
        %swap3A_1316 = tpu.vector_load %arg8[%swap3A_1314, %swap3A_1315] {strides = array<i32>} : memref<34x128xf32, #tpu.memory_space<vmem>>, vector<1x16xf32>,
        %swap3A_1317 = vector.shape_cast %swap3A_1316 : vector<1x16xf32> to vector<16xf32>
        %swap3A_1318 = vector.shape_cast %get3A_1313 : vector<16xf32> to vector<1x16xf32>
        tpu.vector_store %arg8[%swap3A_1314, %swap3A_1315], %swap3A_1318 {add = true, strides = array<i32>} : memref<34x128xf32, #tpu.memory_space<vmem>>, vector<1x16xf32>,
      }
      %scan3A_81 = arith.constant 32 : i32
    }
    %while3A_67 = arith.constant 1 : i32
    scf.for %while3A_70 = %while3A_65 to %while3A_61 step %while3A_67  : i32 {
      %mul3A_71 = arith.constant 512 : i32
      %mul3A_72 = arith.muli %while3A_70, %mul3A_71 : i32
      %add3A_73 = arith.addi %mul3A_22, %mul3A_72 : i32
      %min3A = arith.constant 319488 : i32
      %min3A_74 = arith.minsi %add3A_73, %min3A : i32
      %sub3A_75 = arith.subi %add3A_73, %min3A_74 : i32
      "tpu.region"() ({
        %run_scoped3A = tpu.sem_alloc : memref<!tpu.dma_semaphore, #tpu.memory_space<semaphore_mem>>
        %dma_start3A = arith.constant 0 : i32
        %dma_start3A_82 = tpu.memref_slice %arg2[%min3A_74, %dma_start3A] : memref<320000x128xf32, #tpu.memory_space<hbm>> -> memref<512x128xf32, #tpu.memory_space<hbm>>
        %dma_start3A_83 = arith.constant 0 : i32
        %dma_start3A_84 = tpu.memref_slice %arg2[%min3A_74, %dma_start3A_83] : memref<320000x128xf32, #tpu.memory_space<hbm>> -> memref<512x128xf32, #tpu.memory_space<hbm>>
        tpu.enqueue_dma source(%dma_start3A_84 : memref<512x128xf32, #tpu.memory_space<hbm>>) target(%arg6 : memref<512x128xf32, #tpu.memory_space<vmem>>) target_semaphore(%run_scoped3A : memref<!tpu.dma_semaphore, #tpu.memory_space<semaphore_mem>>)
        %dma_wait3A = arith.constant 0 : i32
        %dma_wait3A_85 = tpu.memref_slice %arg2[%min3A_74, %dma_wait3A] : memref<320000x128xf32, #tpu.memory_space<hbm>> -> memref<512x128xf32, #tpu.memory_space<hbm>>
        %dma_wait3A_86 = arith.constant 0 : i32
        %dma_wait3A_87 = tpu.memref_slice %arg2[%min3A_74, %dma_wait3A_86] : memref<320000x128xf32, #tpu.memory_space<hbm>> -> memref<512x128xf32, #tpu.memory_space<hbm>>
        tpu.wait_dma2 semaphore(%run_scoped3A : memref<!tpu.dma_semaphore, #tpu.memory_space<semaphore_mem>>) src(%dma_wait3A_87 : memref<512x128xf32, #tpu.memory_space<hbm>>) dst(%arg6 : memref<512x128xf32, #tpu.memory_space<vmem>>)
        tpu.yield
      }) : () -> ()
      "tpu.region"() ({
        %run_scoped3A = tpu.sem_alloc : memref<!tpu.dma_semaphore, #tpu.memory_space<semaphore_mem>>
        %dma_start3A = tpu.memref_slice %arg3[%min3A_74] : memref<320000xi32, #tpu.memory_space<hbm>> -> memref<512xi32, #tpu.memory_space<hbm>>
        %dma_start3A_82 = tpu.memref_slice %arg3[%min3A_74] : memref<320000xi32, #tpu.memory_space<hbm>> -> memref<512xi32, #tpu.memory_space<hbm>>
        tpu.enqueue_dma source(%dma_start3A_82 : memref<512xi32, #tpu.memory_space<hbm>>) target(%arg7 : memref<512xi32, #tpu.memory_space<vmem>>) target_semaphore(%run_scoped3A : memref<!tpu.dma_semaphore, #tpu.memory_space<semaphore_mem>>)
        %dma_wait3A = tpu.memref_slice %arg3[%min3A_74] : memref<320000xi32, #tpu.memory_space<hbm>> -> memref<512xi32, #tpu.memory_space<hbm>>
        %dma_wait3A_83 = tpu.memref_slice %arg3[%min3A_74] : memref<320000xi32, #tpu.memory_space<hbm>> -> memref<512xi32, #tpu.memory_space<hbm>>
        tpu.wait_dma2 semaphore(%run_scoped3A : memref<!tpu.dma_semaphore, #tpu.memory_space<semaphore_mem>>) src(%dma_wait3A_83 : memref<512xi32, #tpu.memory_space<hbm>>) dst(%arg7 : memref<512xi32, #tpu.memory_space<vmem>>)
        tpu.yield
      }) : () -> ()
      %scan3A_76 = arith.constant 0 : i32
      %scan3A_77 = arith.constant 0 : i32
      %scan3A_78 = arith.constant 32 : i32
      %scan3A_79 = arith.addi %scan3A_77, %scan3A_78 : i32
      %scan3A_80 = arith.constant 1 : i32
      scf.for %scan3A_82 = %scan3A_77 to %scan3A_79 step %scan3A_80  : i32 {
        %mul3A_83 = arith.constant 16 : i32
        %mul3A_84 = arith.muli %scan3A_82, %mul3A_83 : i32
        %get3A_85 = arith.index_cast %mul3A_84 : i32 to index
        %get3A_86 = tpu.vector_load %arg7[%get3A_85] {strides = array<i32>} : memref<512xi32, #tpu.memory_space<vmem>>, vector<16xi32>,
        %get3A_87 = vector.shape_cast %get3A_86 : vector<16xi32> to vector<16xi32>
        %mul3A_88 = arith.constant 16 : i32
        %mul3A_89 = arith.muli %scan3A_82, %mul3A_88 : i32
        %add3A_90 = vector.broadcast %mul3A_89 : i32 to vector<16xi32>
        %add3A_91 = arith.addi %iota3A, %add3A_90 : vector<16xi32>
        %sub3A_92 = vector.broadcast %sub3A_58 : i32 to vector<16xi32>
        %sub3A_93 = arith.subi %get3A_87, %sub3A_92 : vector<16xi32>
        %max3A = arith.constant 0 : i32
        %max3A_94 = vector.broadcast %max3A : i32 to vector<16xi32>
        %max3A_95 = arith.maxsi %sub3A_93, %max3A_94 : vector<16xi32>
        %min3A_96 = arith.constant 33 : i32
        %min3A_97 = vector.broadcast %min3A_96 : i32 to vector<16xi32>
        %min3A_98 = arith.minsi %max3A_95, %min3A_97 : vector<16xi32>
        %ge3A = vector.broadcast %sub3A_75 : i32 to vector<16xi32>
        %ge3A_99 = arith.cmpi sge, %add3A_91, %ge3A : vector<16xi32>
        %jit3A_100 = arith.constant 0 : i32
        %broadcast_in_dim3A = vector.broadcast %jit3A_100 : i32 to vector<16xi32>
        %select_n3A_101 = arith.select %ge3A_99, %min3A_98, %broadcast_in_dim3A : vector<16xi1>, vector<16xi32>
        %mul3A_102 = arith.constant 16 : i32
        %mul3A_103 = arith.muli %scan3A_82, %mul3A_102 : i32
        %slice3A_104 = vector.extract_strided_slice %select_n3A_101 {offsets = [0], sizes = [1], strides = [1]} : vector<16xi32> to vector<1xi32>
        %squeeze3A_105 = vector.extract %slice3A_104[0] : i32 from vector<1xi32>
        %add3A_106 = arith.constant 0 : i32
        %add3A_107 = arith.addi %mul3A_103, %add3A_106 : i32
        %get3A_108 = arith.index_cast %add3A_107 : i32 to index
        %get3A_109 = arith.constant 0 : index
        %get3A_110 = tpu.vector_load %arg6[%get3A_108, %get3A_109] {strides = array<i32>} : memref<512x128xf32, #tpu.memory_space<vmem>>, vector<1x16xf32>,
        %get3A_111 = vector.shape_cast %get3A_110 : vector<1x16xf32> to vector<16xf32>
        %swap3A = arith.index_cast %squeeze3A_105 : i32 to index
        %swap3A_112 = arith.constant 0 : index
        %swap3A_113 = tpu.vector_load %arg8[%swap3A, %swap3A_112] {strides = array<i32>} : memref<34x128xf32, #tpu.memory_space<vmem>>, vector<1x16xf32>,
        %swap3A_114 = vector.shape_cast %swap3A_113 : vector<1x16xf32> to vector<16xf32>
        %swap3A_115 = vector.shape_cast %get3A_111 : vector<16xf32> to vector<1x16xf32>
        tpu.vector_store %arg8[%swap3A, %swap3A_112], %swap3A_115 {add = true, strides = array<i32>} : memref<34x128xf32, #tpu.memory_space<vmem>>, vector<1x16xf32>,
        %get3A_116 = arith.index_cast %add3A_107 : i32 to index
        %get3A_117 = arith.constant 16 : index
        %get3A_118 = tpu.vector_load %arg6[%get3A_116, %get3A_117] {strides = array<i32>} : memref<512x128xf32, #tpu.memory_space<vmem>>, vector<1x16xf32>,
        %get3A_119 = vector.shape_cast %get3A_118 : vector<1x16xf32> to vector<16xf32>
        %swap3A_120 = arith.index_cast %squeeze3A_105 : i32 to index
        %swap3A_121 = arith.constant 16 : index
        %swap3A_122 = tpu.vector_load %arg8[%swap3A_120, %swap3A_121] {strides = array<i32>} : memref<34x128xf32, #tpu.memory_space<vmem>>, vector<1x16xf32>,
        %swap3A_123 = vector.shape_cast %swap3A_122 : vector<1x16xf32> to vector<16xf32>
        %swap3A_124 = vector.shape_cast %get3A_119 : vector<16xf32> to vector<1x16xf32>
        tpu.vector_store %arg8[%swap3A_120, %swap3A_121], %swap3A_124 {add = true, strides = array<i32>} : memref<34x128xf32, #tpu.memory_space<vmem>>, vector<1x16xf32>,
        %get3A_125 = arith.index_cast %add3A_107 : i32 to index
        %get3A_126 = arith.constant 32 : index
        %get3A_127 = tpu.vector_load %arg6[%get3A_125, %get3A_126] {strides = array<i32>} : memref<512x128xf32, #tpu.memory_space<vmem>>, vector<1x16xf32>,
        %get3A_128 = vector.shape_cast %get3A_127 : vector<1x16xf32> to vector<16xf32>
        %swap3A_129 = arith.index_cast %squeeze3A_105 : i32 to index
        %swap3A_130 = arith.constant 32 : index
        %swap3A_131 = tpu.vector_load %arg8[%swap3A_129, %swap3A_130] {strides = array<i32>} : memref<34x128xf32, #tpu.memory_space<vmem>>, vector<1x16xf32>,
        %swap3A_132 = vector.shape_cast %swap3A_131 : vector<1x16xf32> to vector<16xf32>
        %swap3A_133 = vector.shape_cast %get3A_128 : vector<16xf32> to vector<1x16xf32>
        tpu.vector_store %arg8[%swap3A_129, %swap3A_130], %swap3A_133 {add = true, strides = array<i32>} : memref<34x128xf32, #tpu.memory_space<vmem>>, vector<1x16xf32>,
        %get3A_134 = arith.index_cast %add3A_107 : i32 to index
        %get3A_135 = arith.constant 48 : index
        %get3A_136 = tpu.vector_load %arg6[%get3A_134, %get3A_135] {strides = array<i32>} : memref<512x128xf32, #tpu.memory_space<vmem>>, vector<1x16xf32>,
        %get3A_137 = vector.shape_cast %get3A_136 : vector<1x16xf32> to vector<16xf32>
        %swap3A_138 = arith.index_cast %squeeze3A_105 : i32 to index
        %swap3A_139 = arith.constant 48 : index
        %swap3A_140 = tpu.vector_load %arg8[%swap3A_138, %swap3A_139] {strides = array<i32>} : memref<34x128xf32, #tpu.memory_space<vmem>>, vector<1x16xf32>,
        %swap3A_141 = vector.shape_cast %swap3A_140 : vector<1x16xf32> to vector<16xf32>
        %swap3A_142 = vector.shape_cast %get3A_137 : vector<16xf32> to vector<1x16xf32>
        tpu.vector_store %arg8[%swap3A_138, %swap3A_139], %swap3A_142 {add = true, strides = array<i32>} : memref<34x128xf32, #tpu.memory_space<vmem>>, vector<1x16xf32>,
        %get3A_143 = arith.index_cast %add3A_107 : i32 to index
        %get3A_144 = arith.constant 64 : index
        %get3A_145 = tpu.vector_load %arg6[%get3A_143, %get3A_144] {strides = array<i32>} : memref<512x128xf32, #tpu.memory_space<vmem>>, vector<1x16xf32>,
        %get3A_146 = vector.shape_cast %get3A_145 : vector<1x16xf32> to vector<16xf32>
        %swap3A_147 = arith.index_cast %squeeze3A_105 : i32 to index
        %swap3A_148 = arith.constant 64 : index
        %swap3A_149 = tpu.vector_load %arg8[%swap3A_147, %swap3A_148] {strides = array<i32>} : memref<34x128xf32, #tpu.memory_space<vmem>>, vector<1x16xf32>,
        %swap3A_150 = vector.shape_cast %swap3A_149 : vector<1x16xf32> to vector<16xf32>
        %swap3A_151 = vector.shape_cast %get3A_146 : vector<16xf32> to vector<1x16xf32>
        tpu.vector_store %arg8[%swap3A_147, %swap3A_148], %swap3A_151 {add = true, strides = array<i32>} : memref<34x128xf32, #tpu.memory_space<vmem>>, vector<1x16xf32>,
        %get3A_152 = arith.index_cast %add3A_107 : i32 to index
        %get3A_153 = arith.constant 80 : index
        %get3A_154 = tpu.vector_load %arg6[%get3A_152, %get3A_153] {strides = array<i32>} : memref<512x128xf32, #tpu.memory_space<vmem>>, vector<1x16xf32>,
        %get3A_155 = vector.shape_cast %get3A_154 : vector<1x16xf32> to vector<16xf32>
        %swap3A_156 = arith.index_cast %squeeze3A_105 : i32 to index
        %swap3A_157 = arith.constant 80 : index
        %swap3A_158 = tpu.vector_load %arg8[%swap3A_156, %swap3A_157] {strides = array<i32>} : memref<34x128xf32, #tpu.memory_space<vmem>>, vector<1x16xf32>,
        %swap3A_159 = vector.shape_cast %swap3A_158 : vector<1x16xf32> to vector<16xf32>
        %swap3A_160 = vector.shape_cast %get3A_155 : vector<16xf32> to vector<1x16xf32>
        tpu.vector_store %arg8[%swap3A_156, %swap3A_157], %swap3A_160 {add = true, strides = array<i32>} : memref<34x128xf32, #tpu.memory_space<vmem>>, vector<1x16xf32>,
        %get3A_161 = arith.index_cast %add3A_107 : i32 to index
        %get3A_162 = arith.constant 96 : index
        %get3A_163 = tpu.vector_load %arg6[%get3A_161, %get3A_162] {strides = array<i32>} : memref<512x128xf32, #tpu.memory_space<vmem>>, vector<1x16xf32>,
        %get3A_164 = vector.shape_cast %get3A_163 : vector<1x16xf32> to vector<16xf32>
        %swap3A_165 = arith.index_cast %squeeze3A_105 : i32 to index
        %swap3A_166 = arith.constant 96 : index
        %swap3A_167 = tpu.vector_load %arg8[%swap3A_165, %swap3A_166] {strides = array<i32>} : memref<34x128xf32, #tpu.memory_space<vmem>>, vector<1x16xf32>,
        %swap3A_168 = vector.shape_cast %swap3A_167 : vector<1x16xf32> to vector<16xf32>
        %swap3A_169 = vector.shape_cast %get3A_164 : vector<16xf32> to vector<1x16xf32>
        tpu.vector_store %arg8[%swap3A_165, %swap3A_166], %swap3A_169 {add = true, strides = array<i32>} : memref<34x128xf32, #tpu.memory_space<vmem>>, vector<1x16xf32>,
        %get3A_170 = arith.index_cast %add3A_107 : i32 to index
        %get3A_171 = arith.constant 112 : index
        %get3A_172 = tpu.vector_load %arg6[%get3A_170, %get3A_171] {strides = array<i32>} : memref<512x128xf32, #tpu.memory_space<vmem>>, vector<1x16xf32>,
        %get3A_173 = vector.shape_cast %get3A_172 : vector<1x16xf32> to vector<16xf32>
        %swap3A_174 = arith.index_cast %squeeze3A_105 : i32 to index
        %swap3A_175 = arith.constant 112 : index
        %swap3A_176 = tpu.vector_load %arg8[%swap3A_174, %swap3A_175] {strides = array<i32>} : memref<34x128xf32, #tpu.memory_space<vmem>>, vector<1x16xf32>,
        %swap3A_177 = vector.shape_cast %swap3A_176 : vector<1x16xf32> to vector<16xf32>
        %swap3A_178 = vector.shape_cast %get3A_173 : vector<16xf32> to vector<1x16xf32>
        tpu.vector_store %arg8[%swap3A_174, %swap3A_175], %swap3A_178 {add = true, strides = array<i32>} : memref<34x128xf32, #tpu.memory_space<vmem>>, vector<1x16xf32>,
        %slice3A_179 = vector.extract_strided_slice %select_n3A_101 {offsets = [1], sizes = [1], strides = [1]} : vector<16xi32> to vector<1xi32>
        %squeeze3A_180 = vector.extract %slice3A_179[0] : i32 from vector<1xi32>
        %add3A_181 = arith.constant 1 : i32
        %add3A_182 = arith.addi %mul3A_103, %add3A_181 : i32
        %get3A_183 = arith.index_cast %add3A_182 : i32 to index
        %get3A_184 = arith.constant 0 : index
        %get3A_185 = tpu.vector_load %arg6[%get3A_183, %get3A_184] {strides = array<i32>} : memref<512x128xf32, #tpu.memory_space<vmem>>, vector<1x16xf32>,
        %get3A_186 = vector.shape_cast %get3A_185 : vector<1x16xf32> to vector<16xf32>
        %swap3A_187 = arith.index_cast %squeeze3A_180 : i32 to index
        %swap3A_188 = arith.constant 0 : index
        %swap3A_189 = tpu.vector_load %arg8[%swap3A_187, %swap3A_188] {strides = array<i32>} : memref<34x128xf32, #tpu.memory_space<vmem>>, vector<1x16xf32>,
        %swap3A_190 = vector.shape_cast %swap3A_189 : vector<1x16xf32> to vector<16xf32>
        %swap3A_191 = vector.shape_cast %get3A_186 : vector<16xf32> to vector<1x16xf32>
        tpu.vector_store %arg8[%swap3A_187, %swap3A_188], %swap3A_191 {add = true, strides = array<i32>} : memref<34x128xf32, #tpu.memory_space<vmem>>, vector<1x16xf32>,
        %get3A_192 = arith.index_cast %add3A_182 : i32 to index
        %get3A_193 = arith.constant 16 : index
        %get3A_194 = tpu.vector_load %arg6[%get3A_192, %get3A_193] {strides = array<i32>} : memref<512x128xf32, #tpu.memory_space<vmem>>, vector<1x16xf32>,
        %get3A_195 = vector.shape_cast %get3A_194 : vector<1x16xf32> to vector<16xf32>
        %swap3A_196 = arith.index_cast %squeeze3A_180 : i32 to index
        %swap3A_197 = arith.constant 16 : index
        %swap3A_198 = tpu.vector_load %arg8[%swap3A_196, %swap3A_197] {strides = array<i32>} : memref<34x128xf32, #tpu.memory_space<vmem>>, vector<1x16xf32>,
        %swap3A_199 = vector.shape_cast %swap3A_198 : vector<1x16xf32> to vector<16xf32>
        %swap3A_200 = vector.shape_cast %get3A_195 : vector<16xf32> to vector<1x16xf32>
        tpu.vector_store %arg8[%swap3A_196, %swap3A_197], %swap3A_200 {add = true, strides = array<i32>} : memref<34x128xf32, #tpu.memory_space<vmem>>, vector<1x16xf32>,
        %get3A_201 = arith.index_cast %add3A_182 : i32 to index
        %get3A_202 = arith.constant 32 : index
        %get3A_203 = tpu.vector_load %arg6[%get3A_201, %get3A_202] {strides = array<i32>} : memref<512x128xf32, #tpu.memory_space<vmem>>, vector<1x16xf32>,
        %get3A_204 = vector.shape_cast %get3A_203 : vector<1x16xf32> to vector<16xf32>
        %swap3A_205 = arith.index_cast %squeeze3A_180 : i32 to index
        %swap3A_206 = arith.constant 32 : index
        %swap3A_207 = tpu.vector_load %arg8[%swap3A_205, %swap3A_206] {strides = array<i32>} : memref<34x128xf32, #tpu.memory_space<vmem>>, vector<1x16xf32>,
        %swap3A_208 = vector.shape_cast %swap3A_207 : vector<1x16xf32> to vector<16xf32>
        %swap3A_209 = vector.shape_cast %get3A_204 : vector<16xf32> to vector<1x16xf32>
        tpu.vector_store %arg8[%swap3A_205, %swap3A_206], %swap3A_209 {add = true, strides = array<i32>} : memref<34x128xf32, #tpu.memory_space<vmem>>, vector<1x16xf32>,
        %get3A_210 = arith.index_cast %add3A_182 : i32 to index
        %get3A_211 = arith.constant 48 : index
        %get3A_212 = tpu.vector_load %arg6[%get3A_210, %get3A_211] {strides = array<i32>} : memref<512x128xf32, #tpu.memory_space<vmem>>, vector<1x16xf32>,
        %get3A_213 = vector.shape_cast %get3A_212 : vector<1x16xf32> to vector<16xf32>
        %swap3A_214 = arith.index_cast %squeeze3A_180 : i32 to index
        %swap3A_215 = arith.constant 48 : index
        %swap3A_216 = tpu.vector_load %arg8[%swap3A_214, %swap3A_215] {strides = array<i32>} : memref<34x128xf32, #tpu.memory_space<vmem>>, vector<1x16xf32>,
        %swap3A_217 = vector.shape_cast %swap3A_216 : vector<1x16xf32> to vector<16xf32>
        %swap3A_218 = vector.shape_cast %get3A_213 : vector<16xf32> to vector<1x16xf32>
        tpu.vector_store %arg8[%swap3A_214, %swap3A_215], %swap3A_218 {add = true, strides = array<i32>} : memref<34x128xf32, #tpu.memory_space<vmem>>, vector<1x16xf32>,
        %get3A_219 = arith.index_cast %add3A_182 : i32 to index
        %get3A_220 = arith.constant 64 : index
        %get3A_221 = tpu.vector_load %arg6[%get3A_219, %get3A_220] {strides = array<i32>} : memref<512x128xf32, #tpu.memory_space<vmem>>, vector<1x16xf32>,
        %get3A_222 = vector.shape_cast %get3A_221 : vector<1x16xf32> to vector<16xf32>
        %swap3A_223 = arith.index_cast %squeeze3A_180 : i32 to index
        %swap3A_224 = arith.constant 64 : index
        %swap3A_225 = tpu.vector_load %arg8[%swap3A_223, %swap3A_224] {strides = array<i32>} : memref<34x128xf32, #tpu.memory_space<vmem>>, vector<1x16xf32>,
        %swap3A_226 = vector.shape_cast %swap3A_225 : vector<1x16xf32> to vector<16xf32>
        %swap3A_227 = vector.shape_cast %get3A_222 : vector<16xf32> to vector<1x16xf32>
        tpu.vector_store %arg8[%swap3A_223, %swap3A_224], %swap3A_227 {add = true, strides = array<i32>} : memref<34x128xf32, #tpu.memory_space<vmem>>, vector<1x16xf32>,
        %get3A_228 = arith.index_cast %add3A_182 : i32 to index
        %get3A_229 = arith.constant 80 : index
        %get3A_230 = tpu.vector_load %arg6[%get3A_228, %get3A_229] {strides = array<i32>} : memref<512x128xf32, #tpu.memory_space<vmem>>, vector<1x16xf32>,
        %get3A_231 = vector.shape_cast %get3A_230 : vector<1x16xf32> to vector<16xf32>
        %swap3A_232 = arith.index_cast %squeeze3A_180 : i32 to index
        %swap3A_233 = arith.constant 80 : index
        %swap3A_234 = tpu.vector_load %arg8[%swap3A_232, %swap3A_233] {strides = array<i32>} : memref<34x128xf32, #tpu.memory_space<vmem>>, vector<1x16xf32>,
        %swap3A_235 = vector.shape_cast %swap3A_234 : vector<1x16xf32> to vector<16xf32>
        %swap3A_236 = vector.shape_cast %get3A_231 : vector<16xf32> to vector<1x16xf32>
        tpu.vector_store %arg8[%swap3A_232, %swap3A_233], %swap3A_236 {add = true, strides = array<i32>} : memref<34x128xf32, #tpu.memory_space<vmem>>, vector<1x16xf32>,
        %get3A_237 = arith.index_cast %add3A_182 : i32 to index
        %get3A_238 = arith.constant 96 : index
        %get3A_239 = tpu.vector_load %arg6[%get3A_237, %get3A_238] {strides = array<i32>} : memref<512x128xf32, #tpu.memory_space<vmem>>, vector<1x16xf32>,
        %get3A_240 = vector.shape_cast %get3A_239 : vector<1x16xf32> to vector<16xf32>
        %swap3A_241 = arith.index_cast %squeeze3A_180 : i32 to index
        %swap3A_242 = arith.constant 96 : index
        %swap3A_243 = tpu.vector_load %arg8[%swap3A_241, %swap3A_242] {strides = array<i32>} : memref<34x128xf32, #tpu.memory_space<vmem>>, vector<1x16xf32>,
        %swap3A_244 = vector.shape_cast %swap3A_243 : vector<1x16xf32> to vector<16xf32>
        %swap3A_245 = vector.shape_cast %get3A_240 : vector<16xf32> to vector<1x16xf32>
        tpu.vector_store %arg8[%swap3A_241, %swap3A_242], %swap3A_245 {add = true, strides = array<i32>} : memref<34x128xf32, #tpu.memory_space<vmem>>, vector<1x16xf32>,
        %get3A_246 = arith.index_cast %add3A_182 : i32 to index
        %get3A_247 = arith.constant 112 : index
        %get3A_248 = tpu.vector_load %arg6[%get3A_246, %get3A_247] {strides = array<i32>} : memref<512x128xf32, #tpu.memory_space<vmem>>, vector<1x16xf32>,
        %get3A_249 = vector.shape_cast %get3A_248 : vector<1x16xf32> to vector<16xf32>
        %swap3A_250 = arith.index_cast %squeeze3A_180 : i32 to index
        %swap3A_251 = arith.constant 112 : index
        %swap3A_252 = tpu.vector_load %arg8[%swap3A_250, %swap3A_251] {strides = array<i32>} : memref<34x128xf32, #tpu.memory_space<vmem>>, vector<1x16xf32>,
        %swap3A_253 = vector.shape_cast %swap3A_252 : vector<1x16xf32> to vector<16xf32>
        %swap3A_254 = vector.shape_cast %get3A_249 : vector<16xf32> to vector<1x16xf32>
        tpu.vector_store %arg8[%swap3A_250, %swap3A_251], %swap3A_254 {add = true, strides = array<i32>} : memref<34x128xf32, #tpu.memory_space<vmem>>, vector<1x16xf32>,
        %slice3A_255 = vector.extract_strided_slice %select_n3A_101 {offsets = [2], sizes = [1], strides = [1]} : vector<16xi32> to vector<1xi32>
        %squeeze3A_256 = vector.extract %slice3A_255[0] : i32 from vector<1xi32>
        %add3A_257 = arith.constant 2 : i32
        %add3A_258 = arith.addi %mul3A_103, %add3A_257 : i32
        %get3A_259 = arith.index_cast %add3A_258 : i32 to index
        %get3A_260 = arith.constant 0 : index
        %get3A_261 = tpu.vector_load %arg6[%get3A_259, %get3A_260] {strides = array<i32>} : memref<512x128xf32, #tpu.memory_space<vmem>>, vector<1x16xf32>,
        %get3A_262 = vector.shape_cast %get3A_261 : vector<1x16xf32> to vector<16xf32>
        %swap3A_263 = arith.index_cast %squeeze3A_256 : i32 to index
        %swap3A_264 = arith.constant 0 : index
        %swap3A_265 = tpu.vector_load %arg8[%swap3A_263, %swap3A_264] {strides = array<i32>} : memref<34x128xf32, #tpu.memory_space<vmem>>, vector<1x16xf32>,
        %swap3A_266 = vector.shape_cast %swap3A_265 : vector<1x16xf32> to vector<16xf32>
        %swap3A_267 = vector.shape_cast %get3A_262 : vector<16xf32> to vector<1x16xf32>
        tpu.vector_store %arg8[%swap3A_263, %swap3A_264], %swap3A_267 {add = true, strides = array<i32>} : memref<34x128xf32, #tpu.memory_space<vmem>>, vector<1x16xf32>,
        %get3A_268 = arith.index_cast %add3A_258 : i32 to index
        %get3A_269 = arith.constant 16 : index
        %get3A_270 = tpu.vector_load %arg6[%get3A_268, %get3A_269] {strides = array<i32>} : memref<512x128xf32, #tpu.memory_space<vmem>>, vector<1x16xf32>,
        %get3A_271 = vector.shape_cast %get3A_270 : vector<1x16xf32> to vector<16xf32>
        %swap3A_272 = arith.index_cast %squeeze3A_256 : i32 to index
        %swap3A_273 = arith.constant 16 : index
        %swap3A_274 = tpu.vector_load %arg8[%swap3A_272, %swap3A_273] {strides = array<i32>} : memref<34x128xf32, #tpu.memory_space<vmem>>, vector<1x16xf32>,
        %swap3A_275 = vector.shape_cast %swap3A_274 : vector<1x16xf32> to vector<16xf32>
        %swap3A_276 = vector.shape_cast %get3A_271 : vector<16xf32> to vector<1x16xf32>
        tpu.vector_store %arg8[%swap3A_272, %swap3A_273], %swap3A_276 {add = true, strides = array<i32>} : memref<34x128xf32, #tpu.memory_space<vmem>>, vector<1x16xf32>,
        %get3A_277 = arith.index_cast %add3A_258 : i32 to index
        %get3A_278 = arith.constant 32 : index
        %get3A_279 = tpu.vector_load %arg6[%get3A_277, %get3A_278] {strides = array<i32>} : memref<512x128xf32, #tpu.memory_space<vmem>>, vector<1x16xf32>,
        %get3A_280 = vector.shape_cast %get3A_279 : vector<1x16xf32> to vector<16xf32>
        %swap3A_281 = arith.index_cast %squeeze3A_256 : i32 to index
        %swap3A_282 = arith.constant 32 : index
        %swap3A_283 = tpu.vector_load %arg8[%swap3A_281, %swap3A_282] {strides = array<i32>} : memref<34x128xf32, #tpu.memory_space<vmem>>, vector<1x16xf32>,
        %swap3A_284 = vector.shape_cast %swap3A_283 : vector<1x16xf32> to vector<16xf32>
        %swap3A_285 = vector.shape_cast %get3A_280 : vector<16xf32> to vector<1x16xf32>
        tpu.vector_store %arg8[%swap3A_281, %swap3A_282], %swap3A_285 {add = true, strides = array<i32>} : memref<34x128xf32, #tpu.memory_space<vmem>>, vector<1x16xf32>,
        %get3A_286 = arith.index_cast %add3A_258 : i32 to index
        %get3A_287 = arith.constant 48 : index
        %get3A_288 = tpu.vector_load %arg6[%get3A_286, %get3A_287] {strides = array<i32>} : memref<512x128xf32, #tpu.memory_space<vmem>>, vector<1x16xf32>,
        %get3A_289 = vector.shape_cast %get3A_288 : vector<1x16xf32> to vector<16xf32>
        %swap3A_290 = arith.index_cast %squeeze3A_256 : i32 to index
        %swap3A_291 = arith.constant 48 : index
        %swap3A_292 = tpu.vector_load %arg8[%swap3A_290, %swap3A_291] {strides = array<i32>} : memref<34x128xf32, #tpu.memory_space<vmem>>, vector<1x16xf32>,
        %swap3A_293 = vector.shape_cast %swap3A_292 : vector<1x16xf32> to vector<16xf32>
        %swap3A_294 = vector.shape_cast %get3A_289 : vector<16xf32> to vector<1x16xf32>
        tpu.vector_store %arg8[%swap3A_290, %swap3A_291], %swap3A_294 {add = true, strides = array<i32>} : memref<34x128xf32, #tpu.memory_space<vmem>>, vector<1x16xf32>,
        %get3A_295 = arith.index_cast %add3A_258 : i32 to index
        %get3A_296 = arith.constant 64 : index
        %get3A_297 = tpu.vector_load %arg6[%get3A_295, %get3A_296] {strides = array<i32>} : memref<512x128xf32, #tpu.memory_space<vmem>>, vector<1x16xf32>,
        %get3A_298 = vector.shape_cast %get3A_297 : vector<1x16xf32> to vector<16xf32>
        %swap3A_299 = arith.index_cast %squeeze3A_256 : i32 to index
        %swap3A_300 = arith.constant 64 : index
        %swap3A_301 = tpu.vector_load %arg8[%swap3A_299, %swap3A_300] {strides = array<i32>} : memref<34x128xf32, #tpu.memory_space<vmem>>, vector<1x16xf32>,
        %swap3A_302 = vector.shape_cast %swap3A_301 : vector<1x16xf32> to vector<16xf32>
        %swap3A_303 = vector.shape_cast %get3A_298 : vector<16xf32> to vector<1x16xf32>
        tpu.vector_store %arg8[%swap3A_299, %swap3A_300], %swap3A_303 {add = true, strides = array<i32>} : memref<34x128xf32, #tpu.memory_space<vmem>>, vector<1x16xf32>,
        %get3A_304 = arith.index_cast %add3A_258 : i32 to index
        %get3A_305 = arith.constant 80 : index
        %get3A_306 = tpu.vector_load %arg6[%get3A_304, %get3A_305] {strides = array<i32>} : memref<512x128xf32, #tpu.memory_space<vmem>>, vector<1x16xf32>,
        %get3A_307 = vector.shape_cast %get3A_306 : vector<1x16xf32> to vector<16xf32>
        %swap3A_308 = arith.index_cast %squeeze3A_256 : i32 to index
        %swap3A_309 = arith.constant 80 : index
        %swap3A_310 = tpu.vector_load %arg8[%swap3A_308, %swap3A_309] {strides = array<i32>} : memref<34x128xf32, #tpu.memory_space<vmem>>, vector<1x16xf32>,
        %swap3A_311 = vector.shape_cast %swap3A_310 : vector<1x16xf32> to vector<16xf32>
        %swap3A_312 = vector.shape_cast %get3A_307 : vector<16xf32> to vector<1x16xf32>
        tpu.vector_store %arg8[%swap3A_308, %swap3A_309], %swap3A_312 {add = true, strides = array<i32>} : memref<34x128xf32, #tpu.memory_space<vmem>>, vector<1x16xf32>,
        %get3A_313 = arith.index_cast %add3A_258 : i32 to index
        %get3A_314 = arith.constant 96 : index
        %get3A_315 = tpu.vector_load %arg6[%get3A_313, %get3A_314] {strides = array<i32>} : memref<512x128xf32, #tpu.memory_space<vmem>>, vector<1x16xf32>,
        %get3A_316 = vector.shape_cast %get3A_315 : vector<1x16xf32> to vector<16xf32>
        %swap3A_317 = arith.index_cast %squeeze3A_256 : i32 to index
        %swap3A_318 = arith.constant 96 : index
        %swap3A_319 = tpu.vector_load %arg8[%swap3A_317, %swap3A_318] {strides = array<i32>} : memref<34x128xf32, #tpu.memory_space<vmem>>, vector<1x16xf32>,
        %swap3A_320 = vector.shape_cast %swap3A_319 : vector<1x16xf32> to vector<16xf32>
        %swap3A_321 = vector.shape_cast %get3A_316 : vector<16xf32> to vector<1x16xf32>
        tpu.vector_store %arg8[%swap3A_317, %swap3A_318], %swap3A_321 {add = true, strides = array<i32>} : memref<34x128xf32, #tpu.memory_space<vmem>>, vector<1x16xf32>,
        %get3A_322 = arith.index_cast %add3A_258 : i32 to index
        %get3A_323 = arith.constant 112 : index
        %get3A_324 = tpu.vector_load %arg6[%get3A_322, %get3A_323] {strides = array<i32>} : memref<512x128xf32, #tpu.memory_space<vmem>>, vector<1x16xf32>,
        %get3A_325 = vector.shape_cast %get3A_324 : vector<1x16xf32> to vector<16xf32>
        %swap3A_326 = arith.index_cast %squeeze3A_256 : i32 to index
        %swap3A_327 = arith.constant 112 : index
        %swap3A_328 = tpu.vector_load %arg8[%swap3A_326, %swap3A_327] {strides = array<i32>} : memref<34x128xf32, #tpu.memory_space<vmem>>, vector<1x16xf32>,
        %swap3A_329 = vector.shape_cast %swap3A_328 : vector<1x16xf32> to vector<16xf32>
        %swap3A_330 = vector.shape_cast %get3A_325 : vector<16xf32> to vector<1x16xf32>
        tpu.vector_store %arg8[%swap3A_326, %swap3A_327], %swap3A_330 {add = true, strides = array<i32>} : memref<34x128xf32, #tpu.memory_space<vmem>>, vector<1x16xf32>,
        %slice3A_331 = vector.extract_strided_slice %select_n3A_101 {offsets = [3], sizes = [1], strides = [1]} : vector<16xi32> to vector<1xi32>
        %squeeze3A_332 = vector.extract %slice3A_331[0] : i32 from vector<1xi32>
        %add3A_333 = arith.constant 3 : i32
        %add3A_334 = arith.addi %mul3A_103, %add3A_333 : i32
        %get3A_335 = arith.index_cast %add3A_334 : i32 to index
        %get3A_336 = arith.constant 0 : index
        %get3A_337 = tpu.vector_load %arg6[%get3A_335, %get3A_336] {strides = array<i32>} : memref<512x128xf32, #tpu.memory_space<vmem>>, vector<1x16xf32>,
        %get3A_338 = vector.shape_cast %get3A_337 : vector<1x16xf32> to vector<16xf32>
        %swap3A_339 = arith.index_cast %squeeze3A_332 : i32 to index
        %swap3A_340 = arith.constant 0 : index
        %swap3A_341 = tpu.vector_load %arg8[%swap3A_339, %swap3A_340] {strides = array<i32>} : memref<34x128xf32, #tpu.memory_space<vmem>>, vector<1x16xf32>,
        %swap3A_342 = vector.shape_cast %swap3A_341 : vector<1x16xf32> to vector<16xf32>
        %swap3A_343 = vector.shape_cast %get3A_338 : vector<16xf32> to vector<1x16xf32>
        tpu.vector_store %arg8[%swap3A_339, %swap3A_340], %swap3A_343 {add = true, strides = array<i32>} : memref<34x128xf32, #tpu.memory_space<vmem>>, vector<1x16xf32>,
        %get3A_344 = arith.index_cast %add3A_334 : i32 to index
        %get3A_345 = arith.constant 16 : index
        %get3A_346 = tpu.vector_load %arg6[%get3A_344, %get3A_345] {strides = array<i32>} : memref<512x128xf32, #tpu.memory_space<vmem>>, vector<1x16xf32>,
        %get3A_347 = vector.shape_cast %get3A_346 : vector<1x16xf32> to vector<16xf32>
        %swap3A_348 = arith.index_cast %squeeze3A_332 : i32 to index
        %swap3A_349 = arith.constant 16 : index
        %swap3A_350 = tpu.vector_load %arg8[%swap3A_348, %swap3A_349] {strides = array<i32>} : memref<34x128xf32, #tpu.memory_space<vmem>>, vector<1x16xf32>,
        %swap3A_351 = vector.shape_cast %swap3A_350 : vector<1x16xf32> to vector<16xf32>
        %swap3A_352 = vector.shape_cast %get3A_347 : vector<16xf32> to vector<1x16xf32>
        tpu.vector_store %arg8[%swap3A_348, %swap3A_349], %swap3A_352 {add = true, strides = array<i32>} : memref<34x128xf32, #tpu.memory_space<vmem>>, vector<1x16xf32>,
        %get3A_353 = arith.index_cast %add3A_334 : i32 to index
        %get3A_354 = arith.constant 32 : index
        %get3A_355 = tpu.vector_load %arg6[%get3A_353, %get3A_354] {strides = array<i32>} : memref<512x128xf32, #tpu.memory_space<vmem>>, vector<1x16xf32>,
        %get3A_356 = vector.shape_cast %get3A_355 : vector<1x16xf32> to vector<16xf32>
        %swap3A_357 = arith.index_cast %squeeze3A_332 : i32 to index
        %swap3A_358 = arith.constant 32 : index
        %swap3A_359 = tpu.vector_load %arg8[%swap3A_357, %swap3A_358] {strides = array<i32>} : memref<34x128xf32, #tpu.memory_space<vmem>>, vector<1x16xf32>,
        %swap3A_360 = vector.shape_cast %swap3A_359 : vector<1x16xf32> to vector<16xf32>
        %swap3A_361 = vector.shape_cast %get3A_356 : vector<16xf32> to vector<1x16xf32>
        tpu.vector_store %arg8[%swap3A_357, %swap3A_358], %swap3A_361 {add = true, strides = array<i32>} : memref<34x128xf32, #tpu.memory_space<vmem>>, vector<1x16xf32>,
        %get3A_362 = arith.index_cast %add3A_334 : i32 to index
        %get3A_363 = arith.constant 48 : index
        %get3A_364 = tpu.vector_load %arg6[%get3A_362, %get3A_363] {strides = array<i32>} : memref<512x128xf32, #tpu.memory_space<vmem>>, vector<1x16xf32>,
        %get3A_365 = vector.shape_cast %get3A_364 : vector<1x16xf32> to vector<16xf32>
        %swap3A_366 = arith.index_cast %squeeze3A_332 : i32 to index
        %swap3A_367 = arith.constant 48 : index
        %swap3A_368 = tpu.vector_load %arg8[%swap3A_366, %swap3A_367] {strides = array<i32>} : memref<34x128xf32, #tpu.memory_space<vmem>>, vector<1x16xf32>,
        %swap3A_369 = vector.shape_cast %swap3A_368 : vector<1x16xf32> to vector<16xf32>
        %swap3A_370 = vector.shape_cast %get3A_365 : vector<16xf32> to vector<1x16xf32>
        tpu.vector_store %arg8[%swap3A_366, %swap3A_367], %swap3A_370 {add = true, strides = array<i32>} : memref<34x128xf32, #tpu.memory_space<vmem>>, vector<1x16xf32>,
        %get3A_371 = arith.index_cast %add3A_334 : i32 to index
        %get3A_372 = arith.constant 64 : index
        %get3A_373 = tpu.vector_load %arg6[%get3A_371, %get3A_372] {strides = array<i32>} : memref<512x128xf32, #tpu.memory_space<vmem>>, vector<1x16xf32>,
        %get3A_374 = vector.shape_cast %get3A_373 : vector<1x16xf32> to vector<16xf32>
        %swap3A_375 = arith.index_cast %squeeze3A_332 : i32 to index
        %swap3A_376 = arith.constant 64 : index
        %swap3A_377 = tpu.vector_load %arg8[%swap3A_375, %swap3A_376] {strides = array<i32>} : memref<34x128xf32, #tpu.memory_space<vmem>>, vector<1x16xf32>,
        %swap3A_378 = vector.shape_cast %swap3A_377 : vector<1x16xf32> to vector<16xf32>
        %swap3A_379 = vector.shape_cast %get3A_374 : vector<16xf32> to vector<1x16xf32>
        tpu.vector_store %arg8[%swap3A_375, %swap3A_376], %swap3A_379 {add = true, strides = array<i32>} : memref<34x128xf32, #tpu.memory_space<vmem>>, vector<1x16xf32>,
        %get3A_380 = arith.index_cast %add3A_334 : i32 to index
        %get3A_381 = arith.constant 80 : index
        %get3A_382 = tpu.vector_load %arg6[%get3A_380, %get3A_381] {strides = array<i32>} : memref<512x128xf32, #tpu.memory_space<vmem>>, vector<1x16xf32>,
        %get3A_383 = vector.shape_cast %get3A_382 : vector<1x16xf32> to vector<16xf32>
        %swap3A_384 = arith.index_cast %squeeze3A_332 : i32 to index
        %swap3A_385 = arith.constant 80 : index
        %swap3A_386 = tpu.vector_load %arg8[%swap3A_384, %swap3A_385] {strides = array<i32>} : memref<34x128xf32, #tpu.memory_space<vmem>>, vector<1x16xf32>,
        %swap3A_387 = vector.shape_cast %swap3A_386 : vector<1x16xf32> to vector<16xf32>
        %swap3A_388 = vector.shape_cast %get3A_383 : vector<16xf32> to vector<1x16xf32>
        tpu.vector_store %arg8[%swap3A_384, %swap3A_385], %swap3A_388 {add = true, strides = array<i32>} : memref<34x128xf32, #tpu.memory_space<vmem>>, vector<1x16xf32>,
        %get3A_389 = arith.index_cast %add3A_334 : i32 to index
        %get3A_390 = arith.constant 96 : index
        %get3A_391 = tpu.vector_load %arg6[%get3A_389, %get3A_390] {strides = array<i32>} : memref<512x128xf32, #tpu.memory_space<vmem>>, vector<1x16xf32>,
        %get3A_392 = vector.shape_cast %get3A_391 : vector<1x16xf32> to vector<16xf32>
        %swap3A_393 = arith.index_cast %squeeze3A_332 : i32 to index
        %swap3A_394 = arith.constant 96 : index
        %swap3A_395 = tpu.vector_load %arg8[%swap3A_393, %swap3A_394] {strides = array<i32>} : memref<34x128xf32, #tpu.memory_space<vmem>>, vector<1x16xf32>,
        %swap3A_396 = vector.shape_cast %swap3A_395 : vector<1x16xf32> to vector<16xf32>
        %swap3A_397 = vector.shape_cast %get3A_392 : vector<16xf32> to vector<1x16xf32>
        tpu.vector_store %arg8[%swap3A_393, %swap3A_394], %swap3A_397 {add = true, strides = array<i32>} : memref<34x128xf32, #tpu.memory_space<vmem>>, vector<1x16xf32>,
        %get3A_398 = arith.index_cast %add3A_334 : i32 to index
        %get3A_399 = arith.constant 112 : index
        %get3A_400 = tpu.vector_load %arg6[%get3A_398, %get3A_399] {strides = array<i32>} : memref<512x128xf32, #tpu.memory_space<vmem>>, vector<1x16xf32>,
        %get3A_401 = vector.shape_cast %get3A_400 : vector<1x16xf32> to vector<16xf32>
        %swap3A_402 = arith.index_cast %squeeze3A_332 : i32 to index
        %swap3A_403 = arith.constant 112 : index
        %swap3A_404 = tpu.vector_load %arg8[%swap3A_402, %swap3A_403] {strides = array<i32>} : memref<34x128xf32, #tpu.memory_space<vmem>>, vector<1x16xf32>,
        %swap3A_405 = vector.shape_cast %swap3A_404 : vector<1x16xf32> to vector<16xf32>
        %swap3A_406 = vector.shape_cast %get3A_401 : vector<16xf32> to vector<1x16xf32>
        tpu.vector_store %arg8[%swap3A_402, %swap3A_403], %swap3A_406 {add = true, strides = array<i32>} : memref<34x128xf32, #tpu.memory_space<vmem>>, vector<1x16xf32>,
        %slice3A_407 = vector.extract_strided_slice %select_n3A_101 {offsets = [4], sizes = [1], strides = [1]} : vector<16xi32> to vector<1xi32>
        %squeeze3A_408 = vector.extract %slice3A_407[0] : i32 from vector<1xi32>
        %add3A_409 = arith.constant 4 : i32
        %add3A_410 = arith.addi %mul3A_103, %add3A_409 : i32
        %get3A_411 = arith.index_cast %add3A_410 : i32 to index
        %get3A_412 = arith.constant 0 : index
        %get3A_413 = tpu.vector_load %arg6[%get3A_411, %get3A_412] {strides = array<i32>} : memref<512x128xf32, #tpu.memory_space<vmem>>, vector<1x16xf32>,
        %get3A_414 = vector.shape_cast %get3A_413 : vector<1x16xf32> to vector<16xf32>
        %swap3A_415 = arith.index_cast %squeeze3A_408 : i32 to index
        %swap3A_416 = arith.constant 0 : index
        %swap3A_417 = tpu.vector_load %arg8[%swap3A_415, %swap3A_416] {strides = array<i32>} : memref<34x128xf32, #tpu.memory_space<vmem>>, vector<1x16xf32>,
        %swap3A_418 = vector.shape_cast %swap3A_417 : vector<1x16xf32> to vector<16xf32>
        %swap3A_419 = vector.shape_cast %get3A_414 : vector<16xf32> to vector<1x16xf32>
        tpu.vector_store %arg8[%swap3A_415, %swap3A_416], %swap3A_419 {add = true, strides = array<i32>} : memref<34x128xf32, #tpu.memory_space<vmem>>, vector<1x16xf32>,
        %get3A_420 = arith.index_cast %add3A_410 : i32 to index
        %get3A_421 = arith.constant 16 : index
        %get3A_422 = tpu.vector_load %arg6[%get3A_420, %get3A_421] {strides = array<i32>} : memref<512x128xf32, #tpu.memory_space<vmem>>, vector<1x16xf32>,
        %get3A_423 = vector.shape_cast %get3A_422 : vector<1x16xf32> to vector<16xf32>
        %swap3A_424 = arith.index_cast %squeeze3A_408 : i32 to index
        %swap3A_425 = arith.constant 16 : index
        %swap3A_426 = tpu.vector_load %arg8[%swap3A_424, %swap3A_425] {strides = array<i32>} : memref<34x128xf32, #tpu.memory_space<vmem>>, vector<1x16xf32>,
        %swap3A_427 = vector.shape_cast %swap3A_426 : vector<1x16xf32> to vector<16xf32>
        %swap3A_428 = vector.shape_cast %get3A_423 : vector<16xf32> to vector<1x16xf32>
        tpu.vector_store %arg8[%swap3A_424, %swap3A_425], %swap3A_428 {add = true, strides = array<i32>} : memref<34x128xf32, #tpu.memory_space<vmem>>, vector<1x16xf32>,
        %get3A_429 = arith.index_cast %add3A_410 : i32 to index
        %get3A_430 = arith.constant 32 : index
        %get3A_431 = tpu.vector_load %arg6[%get3A_429, %get3A_430] {strides = array<i32>} : memref<512x128xf32, #tpu.memory_space<vmem>>, vector<1x16xf32>,
        %get3A_432 = vector.shape_cast %get3A_431 : vector<1x16xf32> to vector<16xf32>
        %swap3A_433 = arith.index_cast %squeeze3A_408 : i32 to index
        %swap3A_434 = arith.constant 32 : index
        %swap3A_435 = tpu.vector_load %arg8[%swap3A_433, %swap3A_434] {strides = array<i32>} : memref<34x128xf32, #tpu.memory_space<vmem>>, vector<1x16xf32>,
        %swap3A_436 = vector.shape_cast %swap3A_435 : vector<1x16xf32> to vector<16xf32>
        %swap3A_437 = vector.shape_cast %get3A_432 : vector<16xf32> to vector<1x16xf32>
        tpu.vector_store %arg8[%swap3A_433, %swap3A_434], %swap3A_437 {add = true, strides = array<i32>} : memref<34x128xf32, #tpu.memory_space<vmem>>, vector<1x16xf32>,
        %get3A_438 = arith.index_cast %add3A_410 : i32 to index
        %get3A_439 = arith.constant 48 : index
        %get3A_440 = tpu.vector_load %arg6[%get3A_438, %get3A_439] {strides = array<i32>} : memref<512x128xf32, #tpu.memory_space<vmem>>, vector<1x16xf32>,
        %get3A_441 = vector.shape_cast %get3A_440 : vector<1x16xf32> to vector<16xf32>
        %swap3A_442 = arith.index_cast %squeeze3A_408 : i32 to index
        %swap3A_443 = arith.constant 48 : index
        %swap3A_444 = tpu.vector_load %arg8[%swap3A_442, %swap3A_443] {strides = array<i32>} : memref<34x128xf32, #tpu.memory_space<vmem>>, vector<1x16xf32>,
        %swap3A_445 = vector.shape_cast %swap3A_444 : vector<1x16xf32> to vector<16xf32>
        %swap3A_446 = vector.shape_cast %get3A_441 : vector<16xf32> to vector<1x16xf32>
        tpu.vector_store %arg8[%swap3A_442, %swap3A_443], %swap3A_446 {add = true, strides = array<i32>} : memref<34x128xf32, #tpu.memory_space<vmem>>, vector<1x16xf32>,
        %get3A_447 = arith.index_cast %add3A_410 : i32 to index
        %get3A_448 = arith.constant 64 : index
        %get3A_449 = tpu.vector_load %arg6[%get3A_447, %get3A_448] {strides = array<i32>} : memref<512x128xf32, #tpu.memory_space<vmem>>, vector<1x16xf32>,
        %get3A_450 = vector.shape_cast %get3A_449 : vector<1x16xf32> to vector<16xf32>
        %swap3A_451 = arith.index_cast %squeeze3A_408 : i32 to index
        %swap3A_452 = arith.constant 64 : index
        %swap3A_453 = tpu.vector_load %arg8[%swap3A_451, %swap3A_452] {strides = array<i32>} : memref<34x128xf32, #tpu.memory_space<vmem>>, vector<1x16xf32>,
        %swap3A_454 = vector.shape_cast %swap3A_453 : vector<1x16xf32> to vector<16xf32>
        %swap3A_455 = vector.shape_cast %get3A_450 : vector<16xf32> to vector<1x16xf32>
        tpu.vector_store %arg8[%swap3A_451, %swap3A_452], %swap3A_455 {add = true, strides = array<i32>} : memref<34x128xf32, #tpu.memory_space<vmem>>, vector<1x16xf32>,
        %get3A_456 = arith.index_cast %add3A_410 : i32 to index
        %get3A_457 = arith.constant 80 : index
        %get3A_458 = tpu.vector_load %arg6[%get3A_456, %get3A_457] {strides = array<i32>} : memref<512x128xf32, #tpu.memory_space<vmem>>, vector<1x16xf32>,
        %get3A_459 = vector.shape_cast %get3A_458 : vector<1x16xf32> to vector<16xf32>
        %swap3A_460 = arith.index_cast %squeeze3A_408 : i32 to index
        %swap3A_461 = arith.constant 80 : index
        %swap3A_462 = tpu.vector_load %arg8[%swap3A_460, %swap3A_461] {strides = array<i32>} : memref<34x128xf32, #tpu.memory_space<vmem>>, vector<1x16xf32>,
        %swap3A_463 = vector.shape_cast %swap3A_462 : vector<1x16xf32> to vector<16xf32>
        %swap3A_464 = vector.shape_cast %get3A_459 : vector<16xf32> to vector<1x16xf32>
        tpu.vector_store %arg8[%swap3A_460, %swap3A_461], %swap3A_464 {add = true, strides = array<i32>} : memref<34x128xf32, #tpu.memory_space<vmem>>, vector<1x16xf32>,
        %get3A_465 = arith.index_cast %add3A_410 : i32 to index
        %get3A_466 = arith.constant 96 : index
        %get3A_467 = tpu.vector_load %arg6[%get3A_465, %get3A_466] {strides = array<i32>} : memref<512x128xf32, #tpu.memory_space<vmem>>, vector<1x16xf32>,
        %get3A_468 = vector.shape_cast %get3A_467 : vector<1x16xf32> to vector<16xf32>
        %swap3A_469 = arith.index_cast %squeeze3A_408 : i32 to index
        %swap3A_470 = arith.constant 96 : index
        %swap3A_471 = tpu.vector_load %arg8[%swap3A_469, %swap3A_470] {strides = array<i32>} : memref<34x128xf32, #tpu.memory_space<vmem>>, vector<1x16xf32>,
        %swap3A_472 = vector.shape_cast %swap3A_471 : vector<1x16xf32> to vector<16xf32>
        %swap3A_473 = vector.shape_cast %get3A_468 : vector<16xf32> to vector<1x16xf32>
        tpu.vector_store %arg8[%swap3A_469, %swap3A_470], %swap3A_473 {add = true, strides = array<i32>} : memref<34x128xf32, #tpu.memory_space<vmem>>, vector<1x16xf32>,
        %get3A_474 = arith.index_cast %add3A_410 : i32 to index
        %get3A_475 = arith.constant 112 : index
        %get3A_476 = tpu.vector_load %arg6[%get3A_474, %get3A_475] {strides = array<i32>} : memref<512x128xf32, #tpu.memory_space<vmem>>, vector<1x16xf32>,
        %get3A_477 = vector.shape_cast %get3A_476 : vector<1x16xf32> to vector<16xf32>
        %swap3A_478 = arith.index_cast %squeeze3A_408 : i32 to index
        %swap3A_479 = arith.constant 112 : index
        %swap3A_480 = tpu.vector_load %arg8[%swap3A_478, %swap3A_479] {strides = array<i32>} : memref<34x128xf32, #tpu.memory_space<vmem>>, vector<1x16xf32>,
        %swap3A_481 = vector.shape_cast %swap3A_480 : vector<1x16xf32> to vector<16xf32>
        %swap3A_482 = vector.shape_cast %get3A_477 : vector<16xf32> to vector<1x16xf32>
        tpu.vector_store %arg8[%swap3A_478, %swap3A_479], %swap3A_482 {add = true, strides = array<i32>} : memref<34x128xf32, #tpu.memory_space<vmem>>, vector<1x16xf32>,
        %slice3A_483 = vector.extract_strided_slice %select_n3A_101 {offsets = [5], sizes = [1], strides = [1]} : vector<16xi32> to vector<1xi32>
        %squeeze3A_484 = vector.extract %slice3A_483[0] : i32 from vector<1xi32>
        %add3A_485 = arith.constant 5 : i32
        %add3A_486 = arith.addi %mul3A_103, %add3A_485 : i32
        %get3A_487 = arith.index_cast %add3A_486 : i32 to index
        %get3A_488 = arith.constant 0 : index
        %get3A_489 = tpu.vector_load %arg6[%get3A_487, %get3A_488] {strides = array<i32>} : memref<512x128xf32, #tpu.memory_space<vmem>>, vector<1x16xf32>,
        %get3A_490 = vector.shape_cast %get3A_489 : vector<1x16xf32> to vector<16xf32>
        %swap3A_491 = arith.index_cast %squeeze3A_484 : i32 to index
        %swap3A_492 = arith.constant 0 : index
        %swap3A_493 = tpu.vector_load %arg8[%swap3A_491, %swap3A_492] {strides = array<i32>} : memref<34x128xf32, #tpu.memory_space<vmem>>, vector<1x16xf32>,
        %swap3A_494 = vector.shape_cast %swap3A_493 : vector<1x16xf32> to vector<16xf32>
        %swap3A_495 = vector.shape_cast %get3A_490 : vector<16xf32> to vector<1x16xf32>
        tpu.vector_store %arg8[%swap3A_491, %swap3A_492], %swap3A_495 {add = true, strides = array<i32>} : memref<34x128xf32, #tpu.memory_space<vmem>>, vector<1x16xf32>,
        %get3A_496 = arith.index_cast %add3A_486 : i32 to index
        %get3A_497 = arith.constant 16 : index
        %get3A_498 = tpu.vector_load %arg6[%get3A_496, %get3A_497] {strides = array<i32>} : memref<512x128xf32, #tpu.memory_space<vmem>>, vector<1x16xf32>,
        %get3A_499 = vector.shape_cast %get3A_498 : vector<1x16xf32> to vector<16xf32>
        %swap3A_500 = arith.index_cast %squeeze3A_484 : i32 to index
        %swap3A_501 = arith.constant 16 : index
        %swap3A_502 = tpu.vector_load %arg8[%swap3A_500, %swap3A_501] {strides = array<i32>} : memref<34x128xf32, #tpu.memory_space<vmem>>, vector<1x16xf32>,
        %swap3A_503 = vector.shape_cast %swap3A_502 : vector<1x16xf32> to vector<16xf32>
        %swap3A_504 = vector.shape_cast %get3A_499 : vector<16xf32> to vector<1x16xf32>
        tpu.vector_store %arg8[%swap3A_500, %swap3A_501], %swap3A_504 {add = true, strides = array<i32>} : memref<34x128xf32, #tpu.memory_space<vmem>>, vector<1x16xf32>,
        %get3A_505 = arith.index_cast %add3A_486 : i32 to index
        %get3A_506 = arith.constant 32 : index
        %get3A_507 = tpu.vector_load %arg6[%get3A_505, %get3A_506] {strides = array<i32>} : memref<512x128xf32, #tpu.memory_space<vmem>>, vector<1x16xf32>,
        %get3A_508 = vector.shape_cast %get3A_507 : vector<1x16xf32> to vector<16xf32>
        %swap3A_509 = arith.index_cast %squeeze3A_484 : i32 to index
        %swap3A_510 = arith.constant 32 : index
        %swap3A_511 = tpu.vector_load %arg8[%swap3A_509, %swap3A_510] {strides = array<i32>} : memref<34x128xf32, #tpu.memory_space<vmem>>, vector<1x16xf32>,
        %swap3A_512 = vector.shape_cast %swap3A_511 : vector<1x16xf32> to vector<16xf32>
        %swap3A_513 = vector.shape_cast %get3A_508 : vector<16xf32> to vector<1x16xf32>
        tpu.vector_store %arg8[%swap3A_509, %swap3A_510], %swap3A_513 {add = true, strides = array<i32>} : memref<34x128xf32, #tpu.memory_space<vmem>>, vector<1x16xf32>,
        %get3A_514 = arith.index_cast %add3A_486 : i32 to index
        %get3A_515 = arith.constant 48 : index
        %get3A_516 = tpu.vector_load %arg6[%get3A_514, %get3A_515] {strides = array<i32>} : memref<512x128xf32, #tpu.memory_space<vmem>>, vector<1x16xf32>,
        %get3A_517 = vector.shape_cast %get3A_516 : vector<1x16xf32> to vector<16xf32>
        %swap3A_518 = arith.index_cast %squeeze3A_484 : i32 to index
        %swap3A_519 = arith.constant 48 : index
        %swap3A_520 = tpu.vector_load %arg8[%swap3A_518, %swap3A_519] {strides = array<i32>} : memref<34x128xf32, #tpu.memory_space<vmem>>, vector<1x16xf32>,
        %swap3A_521 = vector.shape_cast %swap3A_520 : vector<1x16xf32> to vector<16xf32>
        %swap3A_522 = vector.shape_cast %get3A_517 : vector<16xf32> to vector<1x16xf32>
        tpu.vector_store %arg8[%swap3A_518, %swap3A_519], %swap3A_522 {add = true, strides = array<i32>} : memref<34x128xf32, #tpu.memory_space<vmem>>, vector<1x16xf32>,
        %get3A_523 = arith.index_cast %add3A_486 : i32 to index
        %get3A_524 = arith.constant 64 : index
        %get3A_525 = tpu.vector_load %arg6[%get3A_523, %get3A_524] {strides = array<i32>} : memref<512x128xf32, #tpu.memory_space<vmem>>, vector<1x16xf32>,
        %get3A_526 = vector.shape_cast %get3A_525 : vector<1x16xf32> to vector<16xf32>
        %swap3A_527 = arith.index_cast %squeeze3A_484 : i32 to index
        %swap3A_528 = arith.constant 64 : index
        %swap3A_529 = tpu.vector_load %arg8[%swap3A_527, %swap3A_528] {strides = array<i32>} : memref<34x128xf32, #tpu.memory_space<vmem>>, vector<1x16xf32>,
        %swap3A_530 = vector.shape_cast %swap3A_529 : vector<1x16xf32> to vector<16xf32>
        %swap3A_531 = vector.shape_cast %get3A_526 : vector<16xf32> to vector<1x16xf32>
        tpu.vector_store %arg8[%swap3A_527, %swap3A_528], %swap3A_531 {add = true, strides = array<i32>} : memref<34x128xf32, #tpu.memory_space<vmem>>, vector<1x16xf32>,
        %get3A_532 = arith.index_cast %add3A_486 : i32 to index
        %get3A_533 = arith.constant 80 : index
        %get3A_534 = tpu.vector_load %arg6[%get3A_532, %get3A_533] {strides = array<i32>} : memref<512x128xf32, #tpu.memory_space<vmem>>, vector<1x16xf32>,
        %get3A_535 = vector.shape_cast %get3A_534 : vector<1x16xf32> to vector<16xf32>
        %swap3A_536 = arith.index_cast %squeeze3A_484 : i32 to index
        %swap3A_537 = arith.constant 80 : index
        %swap3A_538 = tpu.vector_load %arg8[%swap3A_536, %swap3A_537] {strides = array<i32>} : memref<34x128xf32, #tpu.memory_space<vmem>>, vector<1x16xf32>,
        %swap3A_539 = vector.shape_cast %swap3A_538 : vector<1x16xf32> to vector<16xf32>
        %swap3A_540 = vector.shape_cast %get3A_535 : vector<16xf32> to vector<1x16xf32>
        tpu.vector_store %arg8[%swap3A_536, %swap3A_537], %swap3A_540 {add = true, strides = array<i32>} : memref<34x128xf32, #tpu.memory_space<vmem>>, vector<1x16xf32>,
        %get3A_541 = arith.index_cast %add3A_486 : i32 to index
        %get3A_542 = arith.constant 96 : index
        %get3A_543 = tpu.vector_load %arg6[%get3A_541, %get3A_542] {strides = array<i32>} : memref<512x128xf32, #tpu.memory_space<vmem>>, vector<1x16xf32>,
        %get3A_544 = vector.shape_cast %get3A_543 : vector<1x16xf32> to vector<16xf32>
        %swap3A_545 = arith.index_cast %squeeze3A_484 : i32 to index
        %swap3A_546 = arith.constant 96 : index
        %swap3A_547 = tpu.vector_load %arg8[%swap3A_545, %swap3A_546] {strides = array<i32>} : memref<34x128xf32, #tpu.memory_space<vmem>>, vector<1x16xf32>,
        %swap3A_548 = vector.shape_cast %swap3A_547 : vector<1x16xf32> to vector<16xf32>
        %swap3A_549 = vector.shape_cast %get3A_544 : vector<16xf32> to vector<1x16xf32>
        tpu.vector_store %arg8[%swap3A_545, %swap3A_546], %swap3A_549 {add = true, strides = array<i32>} : memref<34x128xf32, #tpu.memory_space<vmem>>, vector<1x16xf32>,
        %get3A_550 = arith.index_cast %add3A_486 : i32 to index
        %get3A_551 = arith.constant 112 : index
        %get3A_552 = tpu.vector_load %arg6[%get3A_550, %get3A_551] {strides = array<i32>} : memref<512x128xf32, #tpu.memory_space<vmem>>, vector<1x16xf32>,
        %get3A_553 = vector.shape_cast %get3A_552 : vector<1x16xf32> to vector<16xf32>
        %swap3A_554 = arith.index_cast %squeeze3A_484 : i32 to index
        %swap3A_555 = arith.constant 112 : index
        %swap3A_556 = tpu.vector_load %arg8[%swap3A_554, %swap3A_555] {strides = array<i32>} : memref<34x128xf32, #tpu.memory_space<vmem>>, vector<1x16xf32>,
        %swap3A_557 = vector.shape_cast %swap3A_556 : vector<1x16xf32> to vector<16xf32>
        %swap3A_558 = vector.shape_cast %get3A_553 : vector<16xf32> to vector<1x16xf32>
        tpu.vector_store %arg8[%swap3A_554, %swap3A_555], %swap3A_558 {add = true, strides = array<i32>} : memref<34x128xf32, #tpu.memory_space<vmem>>, vector<1x16xf32>,
        %slice3A_559 = vector.extract_strided_slice %select_n3A_101 {offsets = [6], sizes = [1], strides = [1]} : vector<16xi32> to vector<1xi32>
        %squeeze3A_560 = vector.extract %slice3A_559[0] : i32 from vector<1xi32>
        %add3A_561 = arith.constant 6 : i32
        %add3A_562 = arith.addi %mul3A_103, %add3A_561 : i32
        %get3A_563 = arith.index_cast %add3A_562 : i32 to index
        %get3A_564 = arith.constant 0 : index
        %get3A_565 = tpu.vector_load %arg6[%get3A_563, %get3A_564] {strides = array<i32>} : memref<512x128xf32, #tpu.memory_space<vmem>>, vector<1x16xf32>,
        %get3A_566 = vector.shape_cast %get3A_565 : vector<1x16xf32> to vector<16xf32>
        %swap3A_567 = arith.index_cast %squeeze3A_560 : i32 to index
        %swap3A_568 = arith.constant 0 : index
        %swap3A_569 = tpu.vector_load %arg8[%swap3A_567, %swap3A_568] {strides = array<i32>} : memref<34x128xf32, #tpu.memory_space<vmem>>, vector<1x16xf32>,
        %swap3A_570 = vector.shape_cast %swap3A_569 : vector<1x16xf32> to vector<16xf32>
        %swap3A_571 = vector.shape_cast %get3A_566 : vector<16xf32> to vector<1x16xf32>
        tpu.vector_store %arg8[%swap3A_567, %swap3A_568], %swap3A_571 {add = true, strides = array<i32>} : memref<34x128xf32, #tpu.memory_space<vmem>>, vector<1x16xf32>,
        %get3A_572 = arith.index_cast %add3A_562 : i32 to index
        %get3A_573 = arith.constant 16 : index
        %get3A_574 = tpu.vector_load %arg6[%get3A_572, %get3A_573] {strides = array<i32>} : memref<512x128xf32, #tpu.memory_space<vmem>>, vector<1x16xf32>,
        %get3A_575 = vector.shape_cast %get3A_574 : vector<1x16xf32> to vector<16xf32>
        %swap3A_576 = arith.index_cast %squeeze3A_560 : i32 to index
        %swap3A_577 = arith.constant 16 : index
        %swap3A_578 = tpu.vector_load %arg8[%swap3A_576, %swap3A_577] {strides = array<i32>} : memref<34x128xf32, #tpu.memory_space<vmem>>, vector<1x16xf32>,
        %swap3A_579 = vector.shape_cast %swap3A_578 : vector<1x16xf32> to vector<16xf32>
        %swap3A_580 = vector.shape_cast %get3A_575 : vector<16xf32> to vector<1x16xf32>
        tpu.vector_store %arg8[%swap3A_576, %swap3A_577], %swap3A_580 {add = true, strides = array<i32>} : memref<34x128xf32, #tpu.memory_space<vmem>>, vector<1x16xf32>,
        %get3A_581 = arith.index_cast %add3A_562 : i32 to index
        %get3A_582 = arith.constant 32 : index
        %get3A_583 = tpu.vector_load %arg6[%get3A_581, %get3A_582] {strides = array<i32>} : memref<512x128xf32, #tpu.memory_space<vmem>>, vector<1x16xf32>,
        %get3A_584 = vector.shape_cast %get3A_583 : vector<1x16xf32> to vector<16xf32>
        %swap3A_585 = arith.index_cast %squeeze3A_560 : i32 to index
        %swap3A_586 = arith.constant 32 : index
        %swap3A_587 = tpu.vector_load %arg8[%swap3A_585, %swap3A_586] {strides = array<i32>} : memref<34x128xf32, #tpu.memory_space<vmem>>, vector<1x16xf32>,
        %swap3A_588 = vector.shape_cast %swap3A_587 : vector<1x16xf32> to vector<16xf32>
        %swap3A_589 = vector.shape_cast %get3A_584 : vector<16xf32> to vector<1x16xf32>
        tpu.vector_store %arg8[%swap3A_585, %swap3A_586], %swap3A_589 {add = true, strides = array<i32>} : memref<34x128xf32, #tpu.memory_space<vmem>>, vector<1x16xf32>,
        %get3A_590 = arith.index_cast %add3A_562 : i32 to index
        %get3A_591 = arith.constant 48 : index
        %get3A_592 = tpu.vector_load %arg6[%get3A_590, %get3A_591] {strides = array<i32>} : memref<512x128xf32, #tpu.memory_space<vmem>>, vector<1x16xf32>,
        %get3A_593 = vector.shape_cast %get3A_592 : vector<1x16xf32> to vector<16xf32>
        %swap3A_594 = arith.index_cast %squeeze3A_560 : i32 to index
        %swap3A_595 = arith.constant 48 : index
        %swap3A_596 = tpu.vector_load %arg8[%swap3A_594, %swap3A_595] {strides = array<i32>} : memref<34x128xf32, #tpu.memory_space<vmem>>, vector<1x16xf32>,
        %swap3A_597 = vector.shape_cast %swap3A_596 : vector<1x16xf32> to vector<16xf32>
        %swap3A_598 = vector.shape_cast %get3A_593 : vector<16xf32> to vector<1x16xf32>
        tpu.vector_store %arg8[%swap3A_594, %swap3A_595], %swap3A_598 {add = true, strides = array<i32>} : memref<34x128xf32, #tpu.memory_space<vmem>>, vector<1x16xf32>,
        %get3A_599 = arith.index_cast %add3A_562 : i32 to index
        %get3A_600 = arith.constant 64 : index
        %get3A_601 = tpu.vector_load %arg6[%get3A_599, %get3A_600] {strides = array<i32>} : memref<512x128xf32, #tpu.memory_space<vmem>>, vector<1x16xf32>,
        %get3A_602 = vector.shape_cast %get3A_601 : vector<1x16xf32> to vector<16xf32>
        %swap3A_603 = arith.index_cast %squeeze3A_560 : i32 to index
        %swap3A_604 = arith.constant 64 : index
        %swap3A_605 = tpu.vector_load %arg8[%swap3A_603, %swap3A_604] {strides = array<i32>} : memref<34x128xf32, #tpu.memory_space<vmem>>, vector<1x16xf32>,
        %swap3A_606 = vector.shape_cast %swap3A_605 : vector<1x16xf32> to vector<16xf32>
        %swap3A_607 = vector.shape_cast %get3A_602 : vector<16xf32> to vector<1x16xf32>
        tpu.vector_store %arg8[%swap3A_603, %swap3A_604], %swap3A_607 {add = true, strides = array<i32>} : memref<34x128xf32, #tpu.memory_space<vmem>>, vector<1x16xf32>,
        %get3A_608 = arith.index_cast %add3A_562 : i32 to index
        %get3A_609 = arith.constant 80 : index
        %get3A_610 = tpu.vector_load %arg6[%get3A_608, %get3A_609] {strides = array<i32>} : memref<512x128xf32, #tpu.memory_space<vmem>>, vector<1x16xf32>,
        %get3A_611 = vector.shape_cast %get3A_610 : vector<1x16xf32> to vector<16xf32>
        %swap3A_612 = arith.index_cast %squeeze3A_560 : i32 to index
        %swap3A_613 = arith.constant 80 : index
        %swap3A_614 = tpu.vector_load %arg8[%swap3A_612, %swap3A_613] {strides = array<i32>} : memref<34x128xf32, #tpu.memory_space<vmem>>, vector<1x16xf32>,
        %swap3A_615 = vector.shape_cast %swap3A_614 : vector<1x16xf32> to vector<16xf32>
        %swap3A_616 = vector.shape_cast %get3A_611 : vector<16xf32> to vector<1x16xf32>
        tpu.vector_store %arg8[%swap3A_612, %swap3A_613], %swap3A_616 {add = true, strides = array<i32>} : memref<34x128xf32, #tpu.memory_space<vmem>>, vector<1x16xf32>,
        %get3A_617 = arith.index_cast %add3A_562 : i32 to index
        %get3A_618 = arith.constant 96 : index
        %get3A_619 = tpu.vector_load %arg6[%get3A_617, %get3A_618] {strides = array<i32>} : memref<512x128xf32, #tpu.memory_space<vmem>>, vector<1x16xf32>,
        %get3A_620 = vector.shape_cast %get3A_619 : vector<1x16xf32> to vector<16xf32>
        %swap3A_621 = arith.index_cast %squeeze3A_560 : i32 to index
        %swap3A_622 = arith.constant 96 : index
        %swap3A_623 = tpu.vector_load %arg8[%swap3A_621, %swap3A_622] {strides = array<i32>} : memref<34x128xf32, #tpu.memory_space<vmem>>, vector<1x16xf32>,
        %swap3A_624 = vector.shape_cast %swap3A_623 : vector<1x16xf32> to vector<16xf32>
        %swap3A_625 = vector.shape_cast %get3A_620 : vector<16xf32> to vector<1x16xf32>
        tpu.vector_store %arg8[%swap3A_621, %swap3A_622], %swap3A_625 {add = true, strides = array<i32>} : memref<34x128xf32, #tpu.memory_space<vmem>>, vector<1x16xf32>,
        %get3A_626 = arith.index_cast %add3A_562 : i32 to index
        %get3A_627 = arith.constant 112 : index
        %get3A_628 = tpu.vector_load %arg6[%get3A_626, %get3A_627] {strides = array<i32>} : memref<512x128xf32, #tpu.memory_space<vmem>>, vector<1x16xf32>,
        %get3A_629 = vector.shape_cast %get3A_628 : vector<1x16xf32> to vector<16xf32>
        %swap3A_630 = arith.index_cast %squeeze3A_560 : i32 to index
        %swap3A_631 = arith.constant 112 : index
        %swap3A_632 = tpu.vector_load %arg8[%swap3A_630, %swap3A_631] {strides = array<i32>} : memref<34x128xf32, #tpu.memory_space<vmem>>, vector<1x16xf32>,
        %swap3A_633 = vector.shape_cast %swap3A_632 : vector<1x16xf32> to vector<16xf32>
        %swap3A_634 = vector.shape_cast %get3A_629 : vector<16xf32> to vector<1x16xf32>
        tpu.vector_store %arg8[%swap3A_630, %swap3A_631], %swap3A_634 {add = true, strides = array<i32>} : memref<34x128xf32, #tpu.memory_space<vmem>>, vector<1x16xf32>,
        %slice3A_635 = vector.extract_strided_slice %select_n3A_101 {offsets = [7], sizes = [1], strides = [1]} : vector<16xi32> to vector<1xi32>
        %squeeze3A_636 = vector.extract %slice3A_635[0] : i32 from vector<1xi32>
        %add3A_637 = arith.constant 7 : i32
        %add3A_638 = arith.addi %mul3A_103, %add3A_637 : i32
        %get3A_639 = arith.index_cast %add3A_638 : i32 to index
        %get3A_640 = arith.constant 0 : index
        %get3A_641 = tpu.vector_load %arg6[%get3A_639, %get3A_640] {strides = array<i32>} : memref<512x128xf32, #tpu.memory_space<vmem>>, vector<1x16xf32>,
        %get3A_642 = vector.shape_cast %get3A_641 : vector<1x16xf32> to vector<16xf32>
        %swap3A_643 = arith.index_cast %squeeze3A_636 : i32 to index
        %swap3A_644 = arith.constant 0 : index
        %swap3A_645 = tpu.vector_load %arg8[%swap3A_643, %swap3A_644] {strides = array<i32>} : memref<34x128xf32, #tpu.memory_space<vmem>>, vector<1x16xf32>,
        %swap3A_646 = vector.shape_cast %swap3A_645 : vector<1x16xf32> to vector<16xf32>
        %swap3A_647 = vector.shape_cast %get3A_642 : vector<16xf32> to vector<1x16xf32>
        tpu.vector_store %arg8[%swap3A_643, %swap3A_644], %swap3A_647 {add = true, strides = array<i32>} : memref<34x128xf32, #tpu.memory_space<vmem>>, vector<1x16xf32>,
        %get3A_648 = arith.index_cast %add3A_638 : i32 to index
        %get3A_649 = arith.constant 16 : index
        %get3A_650 = tpu.vector_load %arg6[%get3A_648, %get3A_649] {strides = array<i32>} : memref<512x128xf32, #tpu.memory_space<vmem>>, vector<1x16xf32>,
        %get3A_651 = vector.shape_cast %get3A_650 : vector<1x16xf32> to vector<16xf32>
        %swap3A_652 = arith.index_cast %squeeze3A_636 : i32 to index
        %swap3A_653 = arith.constant 16 : index
        %swap3A_654 = tpu.vector_load %arg8[%swap3A_652, %swap3A_653] {strides = array<i32>} : memref<34x128xf32, #tpu.memory_space<vmem>>, vector<1x16xf32>,
        %swap3A_655 = vector.shape_cast %swap3A_654 : vector<1x16xf32> to vector<16xf32>
        %swap3A_656 = vector.shape_cast %get3A_651 : vector<16xf32> to vector<1x16xf32>
        tpu.vector_store %arg8[%swap3A_652, %swap3A_653], %swap3A_656 {add = true, strides = array<i32>} : memref<34x128xf32, #tpu.memory_space<vmem>>, vector<1x16xf32>,
        %get3A_657 = arith.index_cast %add3A_638 : i32 to index
        %get3A_658 = arith.constant 32 : index
        %get3A_659 = tpu.vector_load %arg6[%get3A_657, %get3A_658] {strides = array<i32>} : memref<512x128xf32, #tpu.memory_space<vmem>>, vector<1x16xf32>,
        %get3A_660 = vector.shape_cast %get3A_659 : vector<1x16xf32> to vector<16xf32>
        %swap3A_661 = arith.index_cast %squeeze3A_636 : i32 to index
        %swap3A_662 = arith.constant 32 : index
        %swap3A_663 = tpu.vector_load %arg8[%swap3A_661, %swap3A_662] {strides = array<i32>} : memref<34x128xf32, #tpu.memory_space<vmem>>, vector<1x16xf32>,
        %swap3A_664 = vector.shape_cast %swap3A_663 : vector<1x16xf32> to vector<16xf32>
        %swap3A_665 = vector.shape_cast %get3A_660 : vector<16xf32> to vector<1x16xf32>
        tpu.vector_store %arg8[%swap3A_661, %swap3A_662], %swap3A_665 {add = true, strides = array<i32>} : memref<34x128xf32, #tpu.memory_space<vmem>>, vector<1x16xf32>,
        %get3A_666 = arith.index_cast %add3A_638 : i32 to index
        %get3A_667 = arith.constant 48 : index
        %get3A_668 = tpu.vector_load %arg6[%get3A_666, %get3A_667] {strides = array<i32>} : memref<512x128xf32, #tpu.memory_space<vmem>>, vector<1x16xf32>,
        %get3A_669 = vector.shape_cast %get3A_668 : vector<1x16xf32> to vector<16xf32>
        %swap3A_670 = arith.index_cast %squeeze3A_636 : i32 to index
        %swap3A_671 = arith.constant 48 : index
        %swap3A_672 = tpu.vector_load %arg8[%swap3A_670, %swap3A_671] {strides = array<i32>} : memref<34x128xf32, #tpu.memory_space<vmem>>, vector<1x16xf32>,
        %swap3A_673 = vector.shape_cast %swap3A_672 : vector<1x16xf32> to vector<16xf32>
        %swap3A_674 = vector.shape_cast %get3A_669 : vector<16xf32> to vector<1x16xf32>
        tpu.vector_store %arg8[%swap3A_670, %swap3A_671], %swap3A_674 {add = true, strides = array<i32>} : memref<34x128xf32, #tpu.memory_space<vmem>>, vector<1x16xf32>,
        %get3A_675 = arith.index_cast %add3A_638 : i32 to index
        %get3A_676 = arith.constant 64 : index
        %get3A_677 = tpu.vector_load %arg6[%get3A_675, %get3A_676] {strides = array<i32>} : memref<512x128xf32, #tpu.memory_space<vmem>>, vector<1x16xf32>,
        %get3A_678 = vector.shape_cast %get3A_677 : vector<1x16xf32> to vector<16xf32>
        %swap3A_679 = arith.index_cast %squeeze3A_636 : i32 to index
        %swap3A_680 = arith.constant 64 : index
        %swap3A_681 = tpu.vector_load %arg8[%swap3A_679, %swap3A_680] {strides = array<i32>} : memref<34x128xf32, #tpu.memory_space<vmem>>, vector<1x16xf32>,
        %swap3A_682 = vector.shape_cast %swap3A_681 : vector<1x16xf32> to vector<16xf32>
        %swap3A_683 = vector.shape_cast %get3A_678 : vector<16xf32> to vector<1x16xf32>
        tpu.vector_store %arg8[%swap3A_679, %swap3A_680], %swap3A_683 {add = true, strides = array<i32>} : memref<34x128xf32, #tpu.memory_space<vmem>>, vector<1x16xf32>,
        %get3A_684 = arith.index_cast %add3A_638 : i32 to index
        %get3A_685 = arith.constant 80 : index
        %get3A_686 = tpu.vector_load %arg6[%get3A_684, %get3A_685] {strides = array<i32>} : memref<512x128xf32, #tpu.memory_space<vmem>>, vector<1x16xf32>,
        %get3A_687 = vector.shape_cast %get3A_686 : vector<1x16xf32> to vector<16xf32>
        %swap3A_688 = arith.index_cast %squeeze3A_636 : i32 to index
        %swap3A_689 = arith.constant 80 : index
        %swap3A_690 = tpu.vector_load %arg8[%swap3A_688, %swap3A_689] {strides = array<i32>} : memref<34x128xf32, #tpu.memory_space<vmem>>, vector<1x16xf32>,
        %swap3A_691 = vector.shape_cast %swap3A_690 : vector<1x16xf32> to vector<16xf32>
        %swap3A_692 = vector.shape_cast %get3A_687 : vector<16xf32> to vector<1x16xf32>
        tpu.vector_store %arg8[%swap3A_688, %swap3A_689], %swap3A_692 {add = true, strides = array<i32>} : memref<34x128xf32, #tpu.memory_space<vmem>>, vector<1x16xf32>,
        %get3A_693 = arith.index_cast %add3A_638 : i32 to index
        %get3A_694 = arith.constant 96 : index
        %get3A_695 = tpu.vector_load %arg6[%get3A_693, %get3A_694] {strides = array<i32>} : memref<512x128xf32, #tpu.memory_space<vmem>>, vector<1x16xf32>,
        %get3A_696 = vector.shape_cast %get3A_695 : vector<1x16xf32> to vector<16xf32>
        %swap3A_697 = arith.index_cast %squeeze3A_636 : i32 to index
        %swap3A_698 = arith.constant 96 : index
        %swap3A_699 = tpu.vector_load %arg8[%swap3A_697, %swap3A_698] {strides = array<i32>} : memref<34x128xf32, #tpu.memory_space<vmem>>, vector<1x16xf32>,
        %swap3A_700 = vector.shape_cast %swap3A_699 : vector<1x16xf32> to vector<16xf32>
        %swap3A_701 = vector.shape_cast %get3A_696 : vector<16xf32> to vector<1x16xf32>
        tpu.vector_store %arg8[%swap3A_697, %swap3A_698], %swap3A_701 {add = true, strides = array<i32>} : memref<34x128xf32, #tpu.memory_space<vmem>>, vector<1x16xf32>,
        %get3A_702 = arith.index_cast %add3A_638 : i32 to index
        %get3A_703 = arith.constant 112 : index
        %get3A_704 = tpu.vector_load %arg6[%get3A_702, %get3A_703] {strides = array<i32>} : memref<512x128xf32, #tpu.memory_space<vmem>>, vector<1x16xf32>,
        %get3A_705 = vector.shape_cast %get3A_704 : vector<1x16xf32> to vector<16xf32>
        %swap3A_706 = arith.index_cast %squeeze3A_636 : i32 to index
        %swap3A_707 = arith.constant 112 : index
        %swap3A_708 = tpu.vector_load %arg8[%swap3A_706, %swap3A_707] {strides = array<i32>} : memref<34x128xf32, #tpu.memory_space<vmem>>, vector<1x16xf32>,
        %swap3A_709 = vector.shape_cast %swap3A_708 : vector<1x16xf32> to vector<16xf32>
        %swap3A_710 = vector.shape_cast %get3A_705 : vector<16xf32> to vector<1x16xf32>
        tpu.vector_store %arg8[%swap3A_706, %swap3A_707], %swap3A_710 {add = true, strides = array<i32>} : memref<34x128xf32, #tpu.memory_space<vmem>>, vector<1x16xf32>,
        %slice3A_711 = vector.extract_strided_slice %select_n3A_101 {offsets = [8], sizes = [1], strides = [1]} : vector<16xi32> to vector<1xi32>
        %squeeze3A_712 = vector.extract %slice3A_711[0] : i32 from vector<1xi32>
        %add3A_713 = arith.constant 8 : i32
        %add3A_714 = arith.addi %mul3A_103, %add3A_713 : i32
        %get3A_715 = arith.index_cast %add3A_714 : i32 to index
        %get3A_716 = arith.constant 0 : index
        %get3A_717 = tpu.vector_load %arg6[%get3A_715, %get3A_716] {strides = array<i32>} : memref<512x128xf32, #tpu.memory_space<vmem>>, vector<1x16xf32>,
        %get3A_718 = vector.shape_cast %get3A_717 : vector<1x16xf32> to vector<16xf32>
        %swap3A_719 = arith.index_cast %squeeze3A_712 : i32 to index
        %swap3A_720 = arith.constant 0 : index
        %swap3A_721 = tpu.vector_load %arg8[%swap3A_719, %swap3A_720] {strides = array<i32>} : memref<34x128xf32, #tpu.memory_space<vmem>>, vector<1x16xf32>,
        %swap3A_722 = vector.shape_cast %swap3A_721 : vector<1x16xf32> to vector<16xf32>
        %swap3A_723 = vector.shape_cast %get3A_718 : vector<16xf32> to vector<1x16xf32>
        tpu.vector_store %arg8[%swap3A_719, %swap3A_720], %swap3A_723 {add = true, strides = array<i32>} : memref<34x128xf32, #tpu.memory_space<vmem>>, vector<1x16xf32>,
        %get3A_724 = arith.index_cast %add3A_714 : i32 to index
        %get3A_725 = arith.constant 16 : index
        %get3A_726 = tpu.vector_load %arg6[%get3A_724, %get3A_725] {strides = array<i32>} : memref<512x128xf32, #tpu.memory_space<vmem>>, vector<1x16xf32>,
        %get3A_727 = vector.shape_cast %get3A_726 : vector<1x16xf32> to vector<16xf32>
        %swap3A_728 = arith.index_cast %squeeze3A_712 : i32 to index
        %swap3A_729 = arith.constant 16 : index
        %swap3A_730 = tpu.vector_load %arg8[%swap3A_728, %swap3A_729] {strides = array<i32>} : memref<34x128xf32, #tpu.memory_space<vmem>>, vector<1x16xf32>,
        %swap3A_731 = vector.shape_cast %swap3A_730 : vector<1x16xf32> to vector<16xf32>
        %swap3A_732 = vector.shape_cast %get3A_727 : vector<16xf32> to vector<1x16xf32>
        tpu.vector_store %arg8[%swap3A_728, %swap3A_729], %swap3A_732 {add = true, strides = array<i32>} : memref<34x128xf32, #tpu.memory_space<vmem>>, vector<1x16xf32>,
        %get3A_733 = arith.index_cast %add3A_714 : i32 to index
        %get3A_734 = arith.constant 32 : index
        %get3A_735 = tpu.vector_load %arg6[%get3A_733, %get3A_734] {strides = array<i32>} : memref<512x128xf32, #tpu.memory_space<vmem>>, vector<1x16xf32>,
        %get3A_736 = vector.shape_cast %get3A_735 : vector<1x16xf32> to vector<16xf32>
        %swap3A_737 = arith.index_cast %squeeze3A_712 : i32 to index
        %swap3A_738 = arith.constant 32 : index
        %swap3A_739 = tpu.vector_load %arg8[%swap3A_737, %swap3A_738] {strides = array<i32>} : memref<34x128xf32, #tpu.memory_space<vmem>>, vector<1x16xf32>,
        %swap3A_740 = vector.shape_cast %swap3A_739 : vector<1x16xf32> to vector<16xf32>
        %swap3A_741 = vector.shape_cast %get3A_736 : vector<16xf32> to vector<1x16xf32>
        tpu.vector_store %arg8[%swap3A_737, %swap3A_738], %swap3A_741 {add = true, strides = array<i32>} : memref<34x128xf32, #tpu.memory_space<vmem>>, vector<1x16xf32>,
        %get3A_742 = arith.index_cast %add3A_714 : i32 to index
        %get3A_743 = arith.constant 48 : index
        %get3A_744 = tpu.vector_load %arg6[%get3A_742, %get3A_743] {strides = array<i32>} : memref<512x128xf32, #tpu.memory_space<vmem>>, vector<1x16xf32>,
        %get3A_745 = vector.shape_cast %get3A_744 : vector<1x16xf32> to vector<16xf32>
        %swap3A_746 = arith.index_cast %squeeze3A_712 : i32 to index
        %swap3A_747 = arith.constant 48 : index
        %swap3A_748 = tpu.vector_load %arg8[%swap3A_746, %swap3A_747] {strides = array<i32>} : memref<34x128xf32, #tpu.memory_space<vmem>>, vector<1x16xf32>,
        %swap3A_749 = vector.shape_cast %swap3A_748 : vector<1x16xf32> to vector<16xf32>
        %swap3A_750 = vector.shape_cast %get3A_745 : vector<16xf32> to vector<1x16xf32>
        tpu.vector_store %arg8[%swap3A_746, %swap3A_747], %swap3A_750 {add = true, strides = array<i32>} : memref<34x128xf32, #tpu.memory_space<vmem>>, vector<1x16xf32>,
        %get3A_751 = arith.index_cast %add3A_714 : i32 to index
        %get3A_752 = arith.constant 64 : index
        %get3A_753 = tpu.vector_load %arg6[%get3A_751, %get3A_752] {strides = array<i32>} : memref<512x128xf32, #tpu.memory_space<vmem>>, vector<1x16xf32>,
        %get3A_754 = vector.shape_cast %get3A_753 : vector<1x16xf32> to vector<16xf32>
        %swap3A_755 = arith.index_cast %squeeze3A_712 : i32 to index
        %swap3A_756 = arith.constant 64 : index
        %swap3A_757 = tpu.vector_load %arg8[%swap3A_755, %swap3A_756] {strides = array<i32>} : memref<34x128xf32, #tpu.memory_space<vmem>>, vector<1x16xf32>,
        %swap3A_758 = vector.shape_cast %swap3A_757 : vector<1x16xf32> to vector<16xf32>
        %swap3A_759 = vector.shape_cast %get3A_754 : vector<16xf32> to vector<1x16xf32>
        tpu.vector_store %arg8[%swap3A_755, %swap3A_756], %swap3A_759 {add = true, strides = array<i32>} : memref<34x128xf32, #tpu.memory_space<vmem>>, vector<1x16xf32>,
        %get3A_760 = arith.index_cast %add3A_714 : i32 to index
        %get3A_761 = arith.constant 80 : index
        %get3A_762 = tpu.vector_load %arg6[%get3A_760, %get3A_761] {strides = array<i32>} : memref<512x128xf32, #tpu.memory_space<vmem>>, vector<1x16xf32>,
        %get3A_763 = vector.shape_cast %get3A_762 : vector<1x16xf32> to vector<16xf32>
        %swap3A_764 = arith.index_cast %squeeze3A_712 : i32 to index
        %swap3A_765 = arith.constant 80 : index
        %swap3A_766 = tpu.vector_load %arg8[%swap3A_764, %swap3A_765] {strides = array<i32>} : memref<34x128xf32, #tpu.memory_space<vmem>>, vector<1x16xf32>,
        %swap3A_767 = vector.shape_cast %swap3A_766 : vector<1x16xf32> to vector<16xf32>
        %swap3A_768 = vector.shape_cast %get3A_763 : vector<16xf32> to vector<1x16xf32>
        tpu.vector_store %arg8[%swap3A_764, %swap3A_765], %swap3A_768 {add = true, strides = array<i32>} : memref<34x128xf32, #tpu.memory_space<vmem>>, vector<1x16xf32>,
        %get3A_769 = arith.index_cast %add3A_714 : i32 to index
        %get3A_770 = arith.constant 96 : index
        %get3A_771 = tpu.vector_load %arg6[%get3A_769, %get3A_770] {strides = array<i32>} : memref<512x128xf32, #tpu.memory_space<vmem>>, vector<1x16xf32>,
        %get3A_772 = vector.shape_cast %get3A_771 : vector<1x16xf32> to vector<16xf32>
        %swap3A_773 = arith.index_cast %squeeze3A_712 : i32 to index
        %swap3A_774 = arith.constant 96 : index
        %swap3A_775 = tpu.vector_load %arg8[%swap3A_773, %swap3A_774] {strides = array<i32>} : memref<34x128xf32, #tpu.memory_space<vmem>>, vector<1x16xf32>,
        %swap3A_776 = vector.shape_cast %swap3A_775 : vector<1x16xf32> to vector<16xf32>
        %swap3A_777 = vector.shape_cast %get3A_772 : vector<16xf32> to vector<1x16xf32>
        tpu.vector_store %arg8[%swap3A_773, %swap3A_774], %swap3A_777 {add = true, strides = array<i32>} : memref<34x128xf32, #tpu.memory_space<vmem>>, vector<1x16xf32>,
        %get3A_778 = arith.index_cast %add3A_714 : i32 to index
        %get3A_779 = arith.constant 112 : index
        %get3A_780 = tpu.vector_load %arg6[%get3A_778, %get3A_779] {strides = array<i32>} : memref<512x128xf32, #tpu.memory_space<vmem>>, vector<1x16xf32>,
        %get3A_781 = vector.shape_cast %get3A_780 : vector<1x16xf32> to vector<16xf32>
        %swap3A_782 = arith.index_cast %squeeze3A_712 : i32 to index
        %swap3A_783 = arith.constant 112 : index
        %swap3A_784 = tpu.vector_load %arg8[%swap3A_782, %swap3A_783] {strides = array<i32>} : memref<34x128xf32, #tpu.memory_space<vmem>>, vector<1x16xf32>,
        %swap3A_785 = vector.shape_cast %swap3A_784 : vector<1x16xf32> to vector<16xf32>
        %swap3A_786 = vector.shape_cast %get3A_781 : vector<16xf32> to vector<1x16xf32>
        tpu.vector_store %arg8[%swap3A_782, %swap3A_783], %swap3A_786 {add = true, strides = array<i32>} : memref<34x128xf32, #tpu.memory_space<vmem>>, vector<1x16xf32>,
        %slice3A_787 = vector.extract_strided_slice %select_n3A_101 {offsets = [9], sizes = [1], strides = [1]} : vector<16xi32> to vector<1xi32>
        %squeeze3A_788 = vector.extract %slice3A_787[0] : i32 from vector<1xi32>
        %add3A_789 = arith.constant 9 : i32
        %add3A_790 = arith.addi %mul3A_103, %add3A_789 : i32
        %get3A_791 = arith.index_cast %add3A_790 : i32 to index
        %get3A_792 = arith.constant 0 : index
        %get3A_793 = tpu.vector_load %arg6[%get3A_791, %get3A_792] {strides = array<i32>} : memref<512x128xf32, #tpu.memory_space<vmem>>, vector<1x16xf32>,
        %get3A_794 = vector.shape_cast %get3A_793 : vector<1x16xf32> to vector<16xf32>
        %swap3A_795 = arith.index_cast %squeeze3A_788 : i32 to index
        %swap3A_796 = arith.constant 0 : index
        %swap3A_797 = tpu.vector_load %arg8[%swap3A_795, %swap3A_796] {strides = array<i32>} : memref<34x128xf32, #tpu.memory_space<vmem>>, vector<1x16xf32>,
        %swap3A_798 = vector.shape_cast %swap3A_797 : vector<1x16xf32> to vector<16xf32>
        %swap3A_799 = vector.shape_cast %get3A_794 : vector<16xf32> to vector<1x16xf32>
        tpu.vector_store %arg8[%swap3A_795, %swap3A_796], %swap3A_799 {add = true, strides = array<i32>} : memref<34x128xf32, #tpu.memory_space<vmem>>, vector<1x16xf32>,
        %get3A_800 = arith.index_cast %add3A_790 : i32 to index
        %get3A_801 = arith.constant 16 : index
        %get3A_802 = tpu.vector_load %arg6[%get3A_800, %get3A_801] {strides = array<i32>} : memref<512x128xf32, #tpu.memory_space<vmem>>, vector<1x16xf32>,
        %get3A_803 = vector.shape_cast %get3A_802 : vector<1x16xf32> to vector<16xf32>
        %swap3A_804 = arith.index_cast %squeeze3A_788 : i32 to index
        %swap3A_805 = arith.constant 16 : index
        %swap3A_806 = tpu.vector_load %arg8[%swap3A_804, %swap3A_805] {strides = array<i32>} : memref<34x128xf32, #tpu.memory_space<vmem>>, vector<1x16xf32>,
        %swap3A_807 = vector.shape_cast %swap3A_806 : vector<1x16xf32> to vector<16xf32>
        %swap3A_808 = vector.shape_cast %get3A_803 : vector<16xf32> to vector<1x16xf32>
        tpu.vector_store %arg8[%swap3A_804, %swap3A_805], %swap3A_808 {add = true, strides = array<i32>} : memref<34x128xf32, #tpu.memory_space<vmem>>, vector<1x16xf32>,
        %get3A_809 = arith.index_cast %add3A_790 : i32 to index
        %get3A_810 = arith.constant 32 : index
        %get3A_811 = tpu.vector_load %arg6[%get3A_809, %get3A_810] {strides = array<i32>} : memref<512x128xf32, #tpu.memory_space<vmem>>, vector<1x16xf32>,
        %get3A_812 = vector.shape_cast %get3A_811 : vector<1x16xf32> to vector<16xf32>
        %swap3A_813 = arith.index_cast %squeeze3A_788 : i32 to index
        %swap3A_814 = arith.constant 32 : index
        %swap3A_815 = tpu.vector_load %arg8[%swap3A_813, %swap3A_814] {strides = array<i32>} : memref<34x128xf32, #tpu.memory_space<vmem>>, vector<1x16xf32>,
        %swap3A_816 = vector.shape_cast %swap3A_815 : vector<1x16xf32> to vector<16xf32>
        %swap3A_817 = vector.shape_cast %get3A_812 : vector<16xf32> to vector<1x16xf32>
        tpu.vector_store %arg8[%swap3A_813, %swap3A_814], %swap3A_817 {add = true, strides = array<i32>} : memref<34x128xf32, #tpu.memory_space<vmem>>, vector<1x16xf32>,
        %get3A_818 = arith.index_cast %add3A_790 : i32 to index
        %get3A_819 = arith.constant 48 : index
        %get3A_820 = tpu.vector_load %arg6[%get3A_818, %get3A_819] {strides = array<i32>} : memref<512x128xf32, #tpu.memory_space<vmem>>, vector<1x16xf32>,
        %get3A_821 = vector.shape_cast %get3A_820 : vector<1x16xf32> to vector<16xf32>
        %swap3A_822 = arith.index_cast %squeeze3A_788 : i32 to index
        %swap3A_823 = arith.constant 48 : index
        %swap3A_824 = tpu.vector_load %arg8[%swap3A_822, %swap3A_823] {strides = array<i32>} : memref<34x128xf32, #tpu.memory_space<vmem>>, vector<1x16xf32>,
        %swap3A_825 = vector.shape_cast %swap3A_824 : vector<1x16xf32> to vector<16xf32>
        %swap3A_826 = vector.shape_cast %get3A_821 : vector<16xf32> to vector<1x16xf32>
        tpu.vector_store %arg8[%swap3A_822, %swap3A_823], %swap3A_826 {add = true, strides = array<i32>} : memref<34x128xf32, #tpu.memory_space<vmem>>, vector<1x16xf32>,
        %get3A_827 = arith.index_cast %add3A_790 : i32 to index
        %get3A_828 = arith.constant 64 : index
        %get3A_829 = tpu.vector_load %arg6[%get3A_827, %get3A_828] {strides = array<i32>} : memref<512x128xf32, #tpu.memory_space<vmem>>, vector<1x16xf32>,
        %get3A_830 = vector.shape_cast %get3A_829 : vector<1x16xf32> to vector<16xf32>
        %swap3A_831 = arith.index_cast %squeeze3A_788 : i32 to index
        %swap3A_832 = arith.constant 64 : index
        %swap3A_833 = tpu.vector_load %arg8[%swap3A_831, %swap3A_832] {strides = array<i32>} : memref<34x128xf32, #tpu.memory_space<vmem>>, vector<1x16xf32>,
        %swap3A_834 = vector.shape_cast %swap3A_833 : vector<1x16xf32> to vector<16xf32>
        %swap3A_835 = vector.shape_cast %get3A_830 : vector<16xf32> to vector<1x16xf32>
        tpu.vector_store %arg8[%swap3A_831, %swap3A_832], %swap3A_835 {add = true, strides = array<i32>} : memref<34x128xf32, #tpu.memory_space<vmem>>, vector<1x16xf32>,
        %get3A_836 = arith.index_cast %add3A_790 : i32 to index
        %get3A_837 = arith.constant 80 : index
        %get3A_838 = tpu.vector_load %arg6[%get3A_836, %get3A_837] {strides = array<i32>} : memref<512x128xf32, #tpu.memory_space<vmem>>, vector<1x16xf32>,
        %get3A_839 = vector.shape_cast %get3A_838 : vector<1x16xf32> to vector<16xf32>
        %swap3A_840 = arith.index_cast %squeeze3A_788 : i32 to index
        %swap3A_841 = arith.constant 80 : index
        %swap3A_842 = tpu.vector_load %arg8[%swap3A_840, %swap3A_841] {strides = array<i32>} : memref<34x128xf32, #tpu.memory_space<vmem>>, vector<1x16xf32>,
        %swap3A_843 = vector.shape_cast %swap3A_842 : vector<1x16xf32> to vector<16xf32>
        %swap3A_844 = vector.shape_cast %get3A_839 : vector<16xf32> to vector<1x16xf32>
        tpu.vector_store %arg8[%swap3A_840, %swap3A_841], %swap3A_844 {add = true, strides = array<i32>} : memref<34x128xf32, #tpu.memory_space<vmem>>, vector<1x16xf32>,
        %get3A_845 = arith.index_cast %add3A_790 : i32 to index
        %get3A_846 = arith.constant 96 : index
        %get3A_847 = tpu.vector_load %arg6[%get3A_845, %get3A_846] {strides = array<i32>} : memref<512x128xf32, #tpu.memory_space<vmem>>, vector<1x16xf32>,
        %get3A_848 = vector.shape_cast %get3A_847 : vector<1x16xf32> to vector<16xf32>
        %swap3A_849 = arith.index_cast %squeeze3A_788 : i32 to index
        %swap3A_850 = arith.constant 96 : index
        %swap3A_851 = tpu.vector_load %arg8[%swap3A_849, %swap3A_850] {strides = array<i32>} : memref<34x128xf32, #tpu.memory_space<vmem>>, vector<1x16xf32>,
        %swap3A_852 = vector.shape_cast %swap3A_851 : vector<1x16xf32> to vector<16xf32>
        %swap3A_853 = vector.shape_cast %get3A_848 : vector<16xf32> to vector<1x16xf32>
        tpu.vector_store %arg8[%swap3A_849, %swap3A_850], %swap3A_853 {add = true, strides = array<i32>} : memref<34x128xf32, #tpu.memory_space<vmem>>, vector<1x16xf32>,
        %get3A_854 = arith.index_cast %add3A_790 : i32 to index
        %get3A_855 = arith.constant 112 : index
        %get3A_856 = tpu.vector_load %arg6[%get3A_854, %get3A_855] {strides = array<i32>} : memref<512x128xf32, #tpu.memory_space<vmem>>, vector<1x16xf32>,
        %get3A_857 = vector.shape_cast %get3A_856 : vector<1x16xf32> to vector<16xf32>
        %swap3A_858 = arith.index_cast %squeeze3A_788 : i32 to index
        %swap3A_859 = arith.constant 112 : index
        %swap3A_860 = tpu.vector_load %arg8[%swap3A_858, %swap3A_859] {strides = array<i32>} : memref<34x128xf32, #tpu.memory_space<vmem>>, vector<1x16xf32>,
        %swap3A_861 = vector.shape_cast %swap3A_860 : vector<1x16xf32> to vector<16xf32>
        %swap3A_862 = vector.shape_cast %get3A_857 : vector<16xf32> to vector<1x16xf32>
        tpu.vector_store %arg8[%swap3A_858, %swap3A_859], %swap3A_862 {add = true, strides = array<i32>} : memref<34x128xf32, #tpu.memory_space<vmem>>, vector<1x16xf32>,
        %slice3A_863 = vector.extract_strided_slice %select_n3A_101 {offsets = [10], sizes = [1], strides = [1]} : vector<16xi32> to vector<1xi32>
        %squeeze3A_864 = vector.extract %slice3A_863[0] : i32 from vector<1xi32>
        %add3A_865 = arith.constant 10 : i32
        %add3A_866 = arith.addi %mul3A_103, %add3A_865 : i32
        %get3A_867 = arith.index_cast %add3A_866 : i32 to index
        %get3A_868 = arith.constant 0 : index
        %get3A_869 = tpu.vector_load %arg6[%get3A_867, %get3A_868] {strides = array<i32>} : memref<512x128xf32, #tpu.memory_space<vmem>>, vector<1x16xf32>,
        %get3A_870 = vector.shape_cast %get3A_869 : vector<1x16xf32> to vector<16xf32>
        %swap3A_871 = arith.index_cast %squeeze3A_864 : i32 to index
        %swap3A_872 = arith.constant 0 : index
        %swap3A_873 = tpu.vector_load %arg8[%swap3A_871, %swap3A_872] {strides = array<i32>} : memref<34x128xf32, #tpu.memory_space<vmem>>, vector<1x16xf32>,
        %swap3A_874 = vector.shape_cast %swap3A_873 : vector<1x16xf32> to vector<16xf32>
        %swap3A_875 = vector.shape_cast %get3A_870 : vector<16xf32> to vector<1x16xf32>
        tpu.vector_store %arg8[%swap3A_871, %swap3A_872], %swap3A_875 {add = true, strides = array<i32>} : memref<34x128xf32, #tpu.memory_space<vmem>>, vector<1x16xf32>,
        %get3A_876 = arith.index_cast %add3A_866 : i32 to index
        %get3A_877 = arith.constant 16 : index
        %get3A_878 = tpu.vector_load %arg6[%get3A_876, %get3A_877] {strides = array<i32>} : memref<512x128xf32, #tpu.memory_space<vmem>>, vector<1x16xf32>,
        %get3A_879 = vector.shape_cast %get3A_878 : vector<1x16xf32> to vector<16xf32>
        %swap3A_880 = arith.index_cast %squeeze3A_864 : i32 to index
        %swap3A_881 = arith.constant 16 : index
        %swap3A_882 = tpu.vector_load %arg8[%swap3A_880, %swap3A_881] {strides = array<i32>} : memref<34x128xf32, #tpu.memory_space<vmem>>, vector<1x16xf32>,
        %swap3A_883 = vector.shape_cast %swap3A_882 : vector<1x16xf32> to vector<16xf32>
        %swap3A_884 = vector.shape_cast %get3A_879 : vector<16xf32> to vector<1x16xf32>
        tpu.vector_store %arg8[%swap3A_880, %swap3A_881], %swap3A_884 {add = true, strides = array<i32>} : memref<34x128xf32, #tpu.memory_space<vmem>>, vector<1x16xf32>,
        %get3A_885 = arith.index_cast %add3A_866 : i32 to index
        %get3A_886 = arith.constant 32 : index
        %get3A_887 = tpu.vector_load %arg6[%get3A_885, %get3A_886] {strides = array<i32>} : memref<512x128xf32, #tpu.memory_space<vmem>>, vector<1x16xf32>,
        %get3A_888 = vector.shape_cast %get3A_887 : vector<1x16xf32> to vector<16xf32>
        %swap3A_889 = arith.index_cast %squeeze3A_864 : i32 to index
        %swap3A_890 = arith.constant 32 : index
        %swap3A_891 = tpu.vector_load %arg8[%swap3A_889, %swap3A_890] {strides = array<i32>} : memref<34x128xf32, #tpu.memory_space<vmem>>, vector<1x16xf32>,
        %swap3A_892 = vector.shape_cast %swap3A_891 : vector<1x16xf32> to vector<16xf32>
        %swap3A_893 = vector.shape_cast %get3A_888 : vector<16xf32> to vector<1x16xf32>
        tpu.vector_store %arg8[%swap3A_889, %swap3A_890], %swap3A_893 {add = true, strides = array<i32>} : memref<34x128xf32, #tpu.memory_space<vmem>>, vector<1x16xf32>,
        %get3A_894 = arith.index_cast %add3A_866 : i32 to index
        %get3A_895 = arith.constant 48 : index
        %get3A_896 = tpu.vector_load %arg6[%get3A_894, %get3A_895] {strides = array<i32>} : memref<512x128xf32, #tpu.memory_space<vmem>>, vector<1x16xf32>,
        %get3A_897 = vector.shape_cast %get3A_896 : vector<1x16xf32> to vector<16xf32>
        %swap3A_898 = arith.index_cast %squeeze3A_864 : i32 to index
        %swap3A_899 = arith.constant 48 : index
        %swap3A_900 = tpu.vector_load %arg8[%swap3A_898, %swap3A_899] {strides = array<i32>} : memref<34x128xf32, #tpu.memory_space<vmem>>, vector<1x16xf32>,
        %swap3A_901 = vector.shape_cast %swap3A_900 : vector<1x16xf32> to vector<16xf32>
        %swap3A_902 = vector.shape_cast %get3A_897 : vector<16xf32> to vector<1x16xf32>
        tpu.vector_store %arg8[%swap3A_898, %swap3A_899], %swap3A_902 {add = true, strides = array<i32>} : memref<34x128xf32, #tpu.memory_space<vmem>>, vector<1x16xf32>,
        %get3A_903 = arith.index_cast %add3A_866 : i32 to index
        %get3A_904 = arith.constant 64 : index
        %get3A_905 = tpu.vector_load %arg6[%get3A_903, %get3A_904] {strides = array<i32>} : memref<512x128xf32, #tpu.memory_space<vmem>>, vector<1x16xf32>,
        %get3A_906 = vector.shape_cast %get3A_905 : vector<1x16xf32> to vector<16xf32>
        %swap3A_907 = arith.index_cast %squeeze3A_864 : i32 to index
        %swap3A_908 = arith.constant 64 : index
        %swap3A_909 = tpu.vector_load %arg8[%swap3A_907, %swap3A_908] {strides = array<i32>} : memref<34x128xf32, #tpu.memory_space<vmem>>, vector<1x16xf32>,
        %swap3A_910 = vector.shape_cast %swap3A_909 : vector<1x16xf32> to vector<16xf32>
        %swap3A_911 = vector.shape_cast %get3A_906 : vector<16xf32> to vector<1x16xf32>
        tpu.vector_store %arg8[%swap3A_907, %swap3A_908], %swap3A_911 {add = true, strides = array<i32>} : memref<34x128xf32, #tpu.memory_space<vmem>>, vector<1x16xf32>,
        %get3A_912 = arith.index_cast %add3A_866 : i32 to index
        %get3A_913 = arith.constant 80 : index
        %get3A_914 = tpu.vector_load %arg6[%get3A_912, %get3A_913] {strides = array<i32>} : memref<512x128xf32, #tpu.memory_space<vmem>>, vector<1x16xf32>,
        %get3A_915 = vector.shape_cast %get3A_914 : vector<1x16xf32> to vector<16xf32>
        %swap3A_916 = arith.index_cast %squeeze3A_864 : i32 to index
        %swap3A_917 = arith.constant 80 : index
        %swap3A_918 = tpu.vector_load %arg8[%swap3A_916, %swap3A_917] {strides = array<i32>} : memref<34x128xf32, #tpu.memory_space<vmem>>, vector<1x16xf32>,
        %swap3A_919 = vector.shape_cast %swap3A_918 : vector<1x16xf32> to vector<16xf32>
        %swap3A_920 = vector.shape_cast %get3A_915 : vector<16xf32> to vector<1x16xf32>
        tpu.vector_store %arg8[%swap3A_916, %swap3A_917], %swap3A_920 {add = true, strides = array<i32>} : memref<34x128xf32, #tpu.memory_space<vmem>>, vector<1x16xf32>,
        %get3A_921 = arith.index_cast %add3A_866 : i32 to index
        %get3A_922 = arith.constant 96 : index
        %get3A_923 = tpu.vector_load %arg6[%get3A_921, %get3A_922] {strides = array<i32>} : memref<512x128xf32, #tpu.memory_space<vmem>>, vector<1x16xf32>,
        %get3A_924 = vector.shape_cast %get3A_923 : vector<1x16xf32> to vector<16xf32>
        %swap3A_925 = arith.index_cast %squeeze3A_864 : i32 to index
        %swap3A_926 = arith.constant 96 : index
        %swap3A_927 = tpu.vector_load %arg8[%swap3A_925, %swap3A_926] {strides = array<i32>} : memref<34x128xf32, #tpu.memory_space<vmem>>, vector<1x16xf32>,
        %swap3A_928 = vector.shape_cast %swap3A_927 : vector<1x16xf32> to vector<16xf32>
        %swap3A_929 = vector.shape_cast %get3A_924 : vector<16xf32> to vector<1x16xf32>
        tpu.vector_store %arg8[%swap3A_925, %swap3A_926], %swap3A_929 {add = true, strides = array<i32>} : memref<34x128xf32, #tpu.memory_space<vmem>>, vector<1x16xf32>,
        %get3A_930 = arith.index_cast %add3A_866 : i32 to index
        %get3A_931 = arith.constant 112 : index
        %get3A_932 = tpu.vector_load %arg6[%get3A_930, %get3A_931] {strides = array<i32>} : memref<512x128xf32, #tpu.memory_space<vmem>>, vector<1x16xf32>,
        %get3A_933 = vector.shape_cast %get3A_932 : vector<1x16xf32> to vector<16xf32>
        %swap3A_934 = arith.index_cast %squeeze3A_864 : i32 to index
        %swap3A_935 = arith.constant 112 : index
        %swap3A_936 = tpu.vector_load %arg8[%swap3A_934, %swap3A_935] {strides = array<i32>} : memref<34x128xf32, #tpu.memory_space<vmem>>, vector<1x16xf32>,
        %swap3A_937 = vector.shape_cast %swap3A_936 : vector<1x16xf32> to vector<16xf32>
        %swap3A_938 = vector.shape_cast %get3A_933 : vector<16xf32> to vector<1x16xf32>
        tpu.vector_store %arg8[%swap3A_934, %swap3A_935], %swap3A_938 {add = true, strides = array<i32>} : memref<34x128xf32, #tpu.memory_space<vmem>>, vector<1x16xf32>,
        %slice3A_939 = vector.extract_strided_slice %select_n3A_101 {offsets = [11], sizes = [1], strides = [1]} : vector<16xi32> to vector<1xi32>
        %squeeze3A_940 = vector.extract %slice3A_939[0] : i32 from vector<1xi32>
        %add3A_941 = arith.constant 11 : i32
        %add3A_942 = arith.addi %mul3A_103, %add3A_941 : i32
        %get3A_943 = arith.index_cast %add3A_942 : i32 to index
        %get3A_944 = arith.constant 0 : index
        %get3A_945 = tpu.vector_load %arg6[%get3A_943, %get3A_944] {strides = array<i32>} : memref<512x128xf32, #tpu.memory_space<vmem>>, vector<1x16xf32>,
        %get3A_946 = vector.shape_cast %get3A_945 : vector<1x16xf32> to vector<16xf32>
        %swap3A_947 = arith.index_cast %squeeze3A_940 : i32 to index
        %swap3A_948 = arith.constant 0 : index
        %swap3A_949 = tpu.vector_load %arg8[%swap3A_947, %swap3A_948] {strides = array<i32>} : memref<34x128xf32, #tpu.memory_space<vmem>>, vector<1x16xf32>,
        %swap3A_950 = vector.shape_cast %swap3A_949 : vector<1x16xf32> to vector<16xf32>
        %swap3A_951 = vector.shape_cast %get3A_946 : vector<16xf32> to vector<1x16xf32>
        tpu.vector_store %arg8[%swap3A_947, %swap3A_948], %swap3A_951 {add = true, strides = array<i32>} : memref<34x128xf32, #tpu.memory_space<vmem>>, vector<1x16xf32>,
        %get3A_952 = arith.index_cast %add3A_942 : i32 to index
        %get3A_953 = arith.constant 16 : index
        %get3A_954 = tpu.vector_load %arg6[%get3A_952, %get3A_953] {strides = array<i32>} : memref<512x128xf32, #tpu.memory_space<vmem>>, vector<1x16xf32>,
        %get3A_955 = vector.shape_cast %get3A_954 : vector<1x16xf32> to vector<16xf32>
        %swap3A_956 = arith.index_cast %squeeze3A_940 : i32 to index
        %swap3A_957 = arith.constant 16 : index
        %swap3A_958 = tpu.vector_load %arg8[%swap3A_956, %swap3A_957] {strides = array<i32>} : memref<34x128xf32, #tpu.memory_space<vmem>>, vector<1x16xf32>,
        %swap3A_959 = vector.shape_cast %swap3A_958 : vector<1x16xf32> to vector<16xf32>
        %swap3A_960 = vector.shape_cast %get3A_955 : vector<16xf32> to vector<1x16xf32>
        tpu.vector_store %arg8[%swap3A_956, %swap3A_957], %swap3A_960 {add = true, strides = array<i32>} : memref<34x128xf32, #tpu.memory_space<vmem>>, vector<1x16xf32>,
        %get3A_961 = arith.index_cast %add3A_942 : i32 to index
        %get3A_962 = arith.constant 32 : index
        %get3A_963 = tpu.vector_load %arg6[%get3A_961, %get3A_962] {strides = array<i32>} : memref<512x128xf32, #tpu.memory_space<vmem>>, vector<1x16xf32>,
        %get3A_964 = vector.shape_cast %get3A_963 : vector<1x16xf32> to vector<16xf32>
        %swap3A_965 = arith.index_cast %squeeze3A_940 : i32 to index
        %swap3A_966 = arith.constant 32 : index
        %swap3A_967 = tpu.vector_load %arg8[%swap3A_965, %swap3A_966] {strides = array<i32>} : memref<34x128xf32, #tpu.memory_space<vmem>>, vector<1x16xf32>,
        %swap3A_968 = vector.shape_cast %swap3A_967 : vector<1x16xf32> to vector<16xf32>
        %swap3A_969 = vector.shape_cast %get3A_964 : vector<16xf32> to vector<1x16xf32>
        tpu.vector_store %arg8[%swap3A_965, %swap3A_966], %swap3A_969 {add = true, strides = array<i32>} : memref<34x128xf32, #tpu.memory_space<vmem>>, vector<1x16xf32>,
        %get3A_970 = arith.index_cast %add3A_942 : i32 to index
        %get3A_971 = arith.constant 48 : index
        %get3A_972 = tpu.vector_load %arg6[%get3A_970, %get3A_971] {strides = array<i32>} : memref<512x128xf32, #tpu.memory_space<vmem>>, vector<1x16xf32>,
        %get3A_973 = vector.shape_cast %get3A_972 : vector<1x16xf32> to vector<16xf32>
        %swap3A_974 = arith.index_cast %squeeze3A_940 : i32 to index
        %swap3A_975 = arith.constant 48 : index
        %swap3A_976 = tpu.vector_load %arg8[%swap3A_974, %swap3A_975] {strides = array<i32>} : memref<34x128xf32, #tpu.memory_space<vmem>>, vector<1x16xf32>,
        %swap3A_977 = vector.shape_cast %swap3A_976 : vector<1x16xf32> to vector<16xf32>
        %swap3A_978 = vector.shape_cast %get3A_973 : vector<16xf32> to vector<1x16xf32>
        tpu.vector_store %arg8[%swap3A_974, %swap3A_975], %swap3A_978 {add = true, strides = array<i32>} : memref<34x128xf32, #tpu.memory_space<vmem>>, vector<1x16xf32>,
        %get3A_979 = arith.index_cast %add3A_942 : i32 to index
        %get3A_980 = arith.constant 64 : index
        %get3A_981 = tpu.vector_load %arg6[%get3A_979, %get3A_980] {strides = array<i32>} : memref<512x128xf32, #tpu.memory_space<vmem>>, vector<1x16xf32>,
        %get3A_982 = vector.shape_cast %get3A_981 : vector<1x16xf32> to vector<16xf32>
        %swap3A_983 = arith.index_cast %squeeze3A_940 : i32 to index
        %swap3A_984 = arith.constant 64 : index
        %swap3A_985 = tpu.vector_load %arg8[%swap3A_983, %swap3A_984] {strides = array<i32>} : memref<34x128xf32, #tpu.memory_space<vmem>>, vector<1x16xf32>,
        %swap3A_986 = vector.shape_cast %swap3A_985 : vector<1x16xf32> to vector<16xf32>
        %swap3A_987 = vector.shape_cast %get3A_982 : vector<16xf32> to vector<1x16xf32>
        tpu.vector_store %arg8[%swap3A_983, %swap3A_984], %swap3A_987 {add = true, strides = array<i32>} : memref<34x128xf32, #tpu.memory_space<vmem>>, vector<1x16xf32>,
        %get3A_988 = arith.index_cast %add3A_942 : i32 to index
        %get3A_989 = arith.constant 80 : index
        %get3A_990 = tpu.vector_load %arg6[%get3A_988, %get3A_989] {strides = array<i32>} : memref<512x128xf32, #tpu.memory_space<vmem>>, vector<1x16xf32>,
        %get3A_991 = vector.shape_cast %get3A_990 : vector<1x16xf32> to vector<16xf32>
        %swap3A_992 = arith.index_cast %squeeze3A_940 : i32 to index
        %swap3A_993 = arith.constant 80 : index
        %swap3A_994 = tpu.vector_load %arg8[%swap3A_992, %swap3A_993] {strides = array<i32>} : memref<34x128xf32, #tpu.memory_space<vmem>>, vector<1x16xf32>,
        %swap3A_995 = vector.shape_cast %swap3A_994 : vector<1x16xf32> to vector<16xf32>
        %swap3A_996 = vector.shape_cast %get3A_991 : vector<16xf32> to vector<1x16xf32>
        tpu.vector_store %arg8[%swap3A_992, %swap3A_993], %swap3A_996 {add = true, strides = array<i32>} : memref<34x128xf32, #tpu.memory_space<vmem>>, vector<1x16xf32>,
        %get3A_997 = arith.index_cast %add3A_942 : i32 to index
        %get3A_998 = arith.constant 96 : index
        %get3A_999 = tpu.vector_load %arg6[%get3A_997, %get3A_998] {strides = array<i32>} : memref<512x128xf32, #tpu.memory_space<vmem>>, vector<1x16xf32>,
        %get3A_1000 = vector.shape_cast %get3A_999 : vector<1x16xf32> to vector<16xf32>
        %swap3A_1001 = arith.index_cast %squeeze3A_940 : i32 to index
        %swap3A_1002 = arith.constant 96 : index
        %swap3A_1003 = tpu.vector_load %arg8[%swap3A_1001, %swap3A_1002] {strides = array<i32>} : memref<34x128xf32, #tpu.memory_space<vmem>>, vector<1x16xf32>,
        %swap3A_1004 = vector.shape_cast %swap3A_1003 : vector<1x16xf32> to vector<16xf32>
        %swap3A_1005 = vector.shape_cast %get3A_1000 : vector<16xf32> to vector<1x16xf32>
        tpu.vector_store %arg8[%swap3A_1001, %swap3A_1002], %swap3A_1005 {add = true, strides = array<i32>} : memref<34x128xf32, #tpu.memory_space<vmem>>, vector<1x16xf32>,
        %get3A_1006 = arith.index_cast %add3A_942 : i32 to index
        %get3A_1007 = arith.constant 112 : index
        %get3A_1008 = tpu.vector_load %arg6[%get3A_1006, %get3A_1007] {strides = array<i32>} : memref<512x128xf32, #tpu.memory_space<vmem>>, vector<1x16xf32>,
        %get3A_1009 = vector.shape_cast %get3A_1008 : vector<1x16xf32> to vector<16xf32>
        %swap3A_1010 = arith.index_cast %squeeze3A_940 : i32 to index
        %swap3A_1011 = arith.constant 112 : index
        %swap3A_1012 = tpu.vector_load %arg8[%swap3A_1010, %swap3A_1011] {strides = array<i32>} : memref<34x128xf32, #tpu.memory_space<vmem>>, vector<1x16xf32>,
        %swap3A_1013 = vector.shape_cast %swap3A_1012 : vector<1x16xf32> to vector<16xf32>
        %swap3A_1014 = vector.shape_cast %get3A_1009 : vector<16xf32> to vector<1x16xf32>
        tpu.vector_store %arg8[%swap3A_1010, %swap3A_1011], %swap3A_1014 {add = true, strides = array<i32>} : memref<34x128xf32, #tpu.memory_space<vmem>>, vector<1x16xf32>,
        %slice3A_1015 = vector.extract_strided_slice %select_n3A_101 {offsets = [12], sizes = [1], strides = [1]} : vector<16xi32> to vector<1xi32>
        %squeeze3A_1016 = vector.extract %slice3A_1015[0] : i32 from vector<1xi32>
        %add3A_1017 = arith.constant 12 : i32
        %add3A_1018 = arith.addi %mul3A_103, %add3A_1017 : i32
        %get3A_1019 = arith.index_cast %add3A_1018 : i32 to index
        %get3A_1020 = arith.constant 0 : index
        %get3A_1021 = tpu.vector_load %arg6[%get3A_1019, %get3A_1020] {strides = array<i32>} : memref<512x128xf32, #tpu.memory_space<vmem>>, vector<1x16xf32>,
        %get3A_1022 = vector.shape_cast %get3A_1021 : vector<1x16xf32> to vector<16xf32>
        %swap3A_1023 = arith.index_cast %squeeze3A_1016 : i32 to index
        %swap3A_1024 = arith.constant 0 : index
        %swap3A_1025 = tpu.vector_load %arg8[%swap3A_1023, %swap3A_1024] {strides = array<i32>} : memref<34x128xf32, #tpu.memory_space<vmem>>, vector<1x16xf32>,
        %swap3A_1026 = vector.shape_cast %swap3A_1025 : vector<1x16xf32> to vector<16xf32>
        %swap3A_1027 = vector.shape_cast %get3A_1022 : vector<16xf32> to vector<1x16xf32>
        tpu.vector_store %arg8[%swap3A_1023, %swap3A_1024], %swap3A_1027 {add = true, strides = array<i32>} : memref<34x128xf32, #tpu.memory_space<vmem>>, vector<1x16xf32>,
        %get3A_1028 = arith.index_cast %add3A_1018 : i32 to index
        %get3A_1029 = arith.constant 16 : index
        %get3A_1030 = tpu.vector_load %arg6[%get3A_1028, %get3A_1029] {strides = array<i32>} : memref<512x128xf32, #tpu.memory_space<vmem>>, vector<1x16xf32>,
        %get3A_1031 = vector.shape_cast %get3A_1030 : vector<1x16xf32> to vector<16xf32>
        %swap3A_1032 = arith.index_cast %squeeze3A_1016 : i32 to index
        %swap3A_1033 = arith.constant 16 : index
        %swap3A_1034 = tpu.vector_load %arg8[%swap3A_1032, %swap3A_1033] {strides = array<i32>} : memref<34x128xf32, #tpu.memory_space<vmem>>, vector<1x16xf32>,
        %swap3A_1035 = vector.shape_cast %swap3A_1034 : vector<1x16xf32> to vector<16xf32>
        %swap3A_1036 = vector.shape_cast %get3A_1031 : vector<16xf32> to vector<1x16xf32>
        tpu.vector_store %arg8[%swap3A_1032, %swap3A_1033], %swap3A_1036 {add = true, strides = array<i32>} : memref<34x128xf32, #tpu.memory_space<vmem>>, vector<1x16xf32>,
        %get3A_1037 = arith.index_cast %add3A_1018 : i32 to index
        %get3A_1038 = arith.constant 32 : index
        %get3A_1039 = tpu.vector_load %arg6[%get3A_1037, %get3A_1038] {strides = array<i32>} : memref<512x128xf32, #tpu.memory_space<vmem>>, vector<1x16xf32>,
        %get3A_1040 = vector.shape_cast %get3A_1039 : vector<1x16xf32> to vector<16xf32>
        %swap3A_1041 = arith.index_cast %squeeze3A_1016 : i32 to index
        %swap3A_1042 = arith.constant 32 : index
        %swap3A_1043 = tpu.vector_load %arg8[%swap3A_1041, %swap3A_1042] {strides = array<i32>} : memref<34x128xf32, #tpu.memory_space<vmem>>, vector<1x16xf32>,
        %swap3A_1044 = vector.shape_cast %swap3A_1043 : vector<1x16xf32> to vector<16xf32>
        %swap3A_1045 = vector.shape_cast %get3A_1040 : vector<16xf32> to vector<1x16xf32>
        tpu.vector_store %arg8[%swap3A_1041, %swap3A_1042], %swap3A_1045 {add = true, strides = array<i32>} : memref<34x128xf32, #tpu.memory_space<vmem>>, vector<1x16xf32>,
        %get3A_1046 = arith.index_cast %add3A_1018 : i32 to index
        %get3A_1047 = arith.constant 48 : index
        %get3A_1048 = tpu.vector_load %arg6[%get3A_1046, %get3A_1047] {strides = array<i32>} : memref<512x128xf32, #tpu.memory_space<vmem>>, vector<1x16xf32>,
        %get3A_1049 = vector.shape_cast %get3A_1048 : vector<1x16xf32> to vector<16xf32>
        %swap3A_1050 = arith.index_cast %squeeze3A_1016 : i32 to index
        %swap3A_1051 = arith.constant 48 : index
        %swap3A_1052 = tpu.vector_load %arg8[%swap3A_1050, %swap3A_1051] {strides = array<i32>} : memref<34x128xf32, #tpu.memory_space<vmem>>, vector<1x16xf32>,
        %swap3A_1053 = vector.shape_cast %swap3A_1052 : vector<1x16xf32> to vector<16xf32>
        %swap3A_1054 = vector.shape_cast %get3A_1049 : vector<16xf32> to vector<1x16xf32>
        tpu.vector_store %arg8[%swap3A_1050, %swap3A_1051], %swap3A_1054 {add = true, strides = array<i32>} : memref<34x128xf32, #tpu.memory_space<vmem>>, vector<1x16xf32>,
        %get3A_1055 = arith.index_cast %add3A_1018 : i32 to index
        %get3A_1056 = arith.constant 64 : index
        %get3A_1057 = tpu.vector_load %arg6[%get3A_1055, %get3A_1056] {strides = array<i32>} : memref<512x128xf32, #tpu.memory_space<vmem>>, vector<1x16xf32>,
        %get3A_1058 = vector.shape_cast %get3A_1057 : vector<1x16xf32> to vector<16xf32>
        %swap3A_1059 = arith.index_cast %squeeze3A_1016 : i32 to index
        %swap3A_1060 = arith.constant 64 : index
        %swap3A_1061 = tpu.vector_load %arg8[%swap3A_1059, %swap3A_1060] {strides = array<i32>} : memref<34x128xf32, #tpu.memory_space<vmem>>, vector<1x16xf32>,
        %swap3A_1062 = vector.shape_cast %swap3A_1061 : vector<1x16xf32> to vector<16xf32>
        %swap3A_1063 = vector.shape_cast %get3A_1058 : vector<16xf32> to vector<1x16xf32>
        tpu.vector_store %arg8[%swap3A_1059, %swap3A_1060], %swap3A_1063 {add = true, strides = array<i32>} : memref<34x128xf32, #tpu.memory_space<vmem>>, vector<1x16xf32>,
        %get3A_1064 = arith.index_cast %add3A_1018 : i32 to index
        %get3A_1065 = arith.constant 80 : index
        %get3A_1066 = tpu.vector_load %arg6[%get3A_1064, %get3A_1065] {strides = array<i32>} : memref<512x128xf32, #tpu.memory_space<vmem>>, vector<1x16xf32>,
        %get3A_1067 = vector.shape_cast %get3A_1066 : vector<1x16xf32> to vector<16xf32>
        %swap3A_1068 = arith.index_cast %squeeze3A_1016 : i32 to index
        %swap3A_1069 = arith.constant 80 : index
        %swap3A_1070 = tpu.vector_load %arg8[%swap3A_1068, %swap3A_1069] {strides = array<i32>} : memref<34x128xf32, #tpu.memory_space<vmem>>, vector<1x16xf32>,
        %swap3A_1071 = vector.shape_cast %swap3A_1070 : vector<1x16xf32> to vector<16xf32>
        %swap3A_1072 = vector.shape_cast %get3A_1067 : vector<16xf32> to vector<1x16xf32>
        tpu.vector_store %arg8[%swap3A_1068, %swap3A_1069], %swap3A_1072 {add = true, strides = array<i32>} : memref<34x128xf32, #tpu.memory_space<vmem>>, vector<1x16xf32>,
        %get3A_1073 = arith.index_cast %add3A_1018 : i32 to index
        %get3A_1074 = arith.constant 96 : index
        %get3A_1075 = tpu.vector_load %arg6[%get3A_1073, %get3A_1074] {strides = array<i32>} : memref<512x128xf32, #tpu.memory_space<vmem>>, vector<1x16xf32>,
        %get3A_1076 = vector.shape_cast %get3A_1075 : vector<1x16xf32> to vector<16xf32>
        %swap3A_1077 = arith.index_cast %squeeze3A_1016 : i32 to index
        %swap3A_1078 = arith.constant 96 : index
        %swap3A_1079 = tpu.vector_load %arg8[%swap3A_1077, %swap3A_1078] {strides = array<i32>} : memref<34x128xf32, #tpu.memory_space<vmem>>, vector<1x16xf32>,
        %swap3A_1080 = vector.shape_cast %swap3A_1079 : vector<1x16xf32> to vector<16xf32>
        %swap3A_1081 = vector.shape_cast %get3A_1076 : vector<16xf32> to vector<1x16xf32>
        tpu.vector_store %arg8[%swap3A_1077, %swap3A_1078], %swap3A_1081 {add = true, strides = array<i32>} : memref<34x128xf32, #tpu.memory_space<vmem>>, vector<1x16xf32>,
        %get3A_1082 = arith.index_cast %add3A_1018 : i32 to index
        %get3A_1083 = arith.constant 112 : index
        %get3A_1084 = tpu.vector_load %arg6[%get3A_1082, %get3A_1083] {strides = array<i32>} : memref<512x128xf32, #tpu.memory_space<vmem>>, vector<1x16xf32>,
        %get3A_1085 = vector.shape_cast %get3A_1084 : vector<1x16xf32> to vector<16xf32>
        %swap3A_1086 = arith.index_cast %squeeze3A_1016 : i32 to index
        %swap3A_1087 = arith.constant 112 : index
        %swap3A_1088 = tpu.vector_load %arg8[%swap3A_1086, %swap3A_1087] {strides = array<i32>} : memref<34x128xf32, #tpu.memory_space<vmem>>, vector<1x16xf32>,
        %swap3A_1089 = vector.shape_cast %swap3A_1088 : vector<1x16xf32> to vector<16xf32>
        %swap3A_1090 = vector.shape_cast %get3A_1085 : vector<16xf32> to vector<1x16xf32>
        tpu.vector_store %arg8[%swap3A_1086, %swap3A_1087], %swap3A_1090 {add = true, strides = array<i32>} : memref<34x128xf32, #tpu.memory_space<vmem>>, vector<1x16xf32>,
        %slice3A_1091 = vector.extract_strided_slice %select_n3A_101 {offsets = [13], sizes = [1], strides = [1]} : vector<16xi32> to vector<1xi32>
        %squeeze3A_1092 = vector.extract %slice3A_1091[0] : i32 from vector<1xi32>
        %add3A_1093 = arith.constant 13 : i32
        %add3A_1094 = arith.addi %mul3A_103, %add3A_1093 : i32
        %get3A_1095 = arith.index_cast %add3A_1094 : i32 to index
        %get3A_1096 = arith.constant 0 : index
        %get3A_1097 = tpu.vector_load %arg6[%get3A_1095, %get3A_1096] {strides = array<i32>} : memref<512x128xf32, #tpu.memory_space<vmem>>, vector<1x16xf32>,
        %get3A_1098 = vector.shape_cast %get3A_1097 : vector<1x16xf32> to vector<16xf32>
        %swap3A_1099 = arith.index_cast %squeeze3A_1092 : i32 to index
        %swap3A_1100 = arith.constant 0 : index
        %swap3A_1101 = tpu.vector_load %arg8[%swap3A_1099, %swap3A_1100] {strides = array<i32>} : memref<34x128xf32, #tpu.memory_space<vmem>>, vector<1x16xf32>,
        %swap3A_1102 = vector.shape_cast %swap3A_1101 : vector<1x16xf32> to vector<16xf32>
        %swap3A_1103 = vector.shape_cast %get3A_1098 : vector<16xf32> to vector<1x16xf32>
        tpu.vector_store %arg8[%swap3A_1099, %swap3A_1100], %swap3A_1103 {add = true, strides = array<i32>} : memref<34x128xf32, #tpu.memory_space<vmem>>, vector<1x16xf32>,
        %get3A_1104 = arith.index_cast %add3A_1094 : i32 to index
        %get3A_1105 = arith.constant 16 : index
        %get3A_1106 = tpu.vector_load %arg6[%get3A_1104, %get3A_1105] {strides = array<i32>} : memref<512x128xf32, #tpu.memory_space<vmem>>, vector<1x16xf32>,
        %get3A_1107 = vector.shape_cast %get3A_1106 : vector<1x16xf32> to vector<16xf32>
        %swap3A_1108 = arith.index_cast %squeeze3A_1092 : i32 to index
        %swap3A_1109 = arith.constant 16 : index
        %swap3A_1110 = tpu.vector_load %arg8[%swap3A_1108, %swap3A_1109] {strides = array<i32>} : memref<34x128xf32, #tpu.memory_space<vmem>>, vector<1x16xf32>,
        %swap3A_1111 = vector.shape_cast %swap3A_1110 : vector<1x16xf32> to vector<16xf32>
        %swap3A_1112 = vector.shape_cast %get3A_1107 : vector<16xf32> to vector<1x16xf32>
        tpu.vector_store %arg8[%swap3A_1108, %swap3A_1109], %swap3A_1112 {add = true, strides = array<i32>} : memref<34x128xf32, #tpu.memory_space<vmem>>, vector<1x16xf32>,
        %get3A_1113 = arith.index_cast %add3A_1094 : i32 to index
        %get3A_1114 = arith.constant 32 : index
        %get3A_1115 = tpu.vector_load %arg6[%get3A_1113, %get3A_1114] {strides = array<i32>} : memref<512x128xf32, #tpu.memory_space<vmem>>, vector<1x16xf32>,
        %get3A_1116 = vector.shape_cast %get3A_1115 : vector<1x16xf32> to vector<16xf32>
        %swap3A_1117 = arith.index_cast %squeeze3A_1092 : i32 to index
        %swap3A_1118 = arith.constant 32 : index
        %swap3A_1119 = tpu.vector_load %arg8[%swap3A_1117, %swap3A_1118] {strides = array<i32>} : memref<34x128xf32, #tpu.memory_space<vmem>>, vector<1x16xf32>,
        %swap3A_1120 = vector.shape_cast %swap3A_1119 : vector<1x16xf32> to vector<16xf32>
        %swap3A_1121 = vector.shape_cast %get3A_1116 : vector<16xf32> to vector<1x16xf32>
        tpu.vector_store %arg8[%swap3A_1117, %swap3A_1118], %swap3A_1121 {add = true, strides = array<i32>} : memref<34x128xf32, #tpu.memory_space<vmem>>, vector<1x16xf32>,
        %get3A_1122 = arith.index_cast %add3A_1094 : i32 to index
        %get3A_1123 = arith.constant 48 : index
        %get3A_1124 = tpu.vector_load %arg6[%get3A_1122, %get3A_1123] {strides = array<i32>} : memref<512x128xf32, #tpu.memory_space<vmem>>, vector<1x16xf32>,
        %get3A_1125 = vector.shape_cast %get3A_1124 : vector<1x16xf32> to vector<16xf32>
        %swap3A_1126 = arith.index_cast %squeeze3A_1092 : i32 to index
        %swap3A_1127 = arith.constant 48 : index
        %swap3A_1128 = tpu.vector_load %arg8[%swap3A_1126, %swap3A_1127] {strides = array<i32>} : memref<34x128xf32, #tpu.memory_space<vmem>>, vector<1x16xf32>,
        %swap3A_1129 = vector.shape_cast %swap3A_1128 : vector<1x16xf32> to vector<16xf32>
        %swap3A_1130 = vector.shape_cast %get3A_1125 : vector<16xf32> to vector<1x16xf32>
        tpu.vector_store %arg8[%swap3A_1126, %swap3A_1127], %swap3A_1130 {add = true, strides = array<i32>} : memref<34x128xf32, #tpu.memory_space<vmem>>, vector<1x16xf32>,
        %get3A_1131 = arith.index_cast %add3A_1094 : i32 to index
        %get3A_1132 = arith.constant 64 : index
        %get3A_1133 = tpu.vector_load %arg6[%get3A_1131, %get3A_1132] {strides = array<i32>} : memref<512x128xf32, #tpu.memory_space<vmem>>, vector<1x16xf32>,
        %get3A_1134 = vector.shape_cast %get3A_1133 : vector<1x16xf32> to vector<16xf32>
        %swap3A_1135 = arith.index_cast %squeeze3A_1092 : i32 to index
        %swap3A_1136 = arith.constant 64 : index
        %swap3A_1137 = tpu.vector_load %arg8[%swap3A_1135, %swap3A_1136] {strides = array<i32>} : memref<34x128xf32, #tpu.memory_space<vmem>>, vector<1x16xf32>,
        %swap3A_1138 = vector.shape_cast %swap3A_1137 : vector<1x16xf32> to vector<16xf32>
        %swap3A_1139 = vector.shape_cast %get3A_1134 : vector<16xf32> to vector<1x16xf32>
        tpu.vector_store %arg8[%swap3A_1135, %swap3A_1136], %swap3A_1139 {add = true, strides = array<i32>} : memref<34x128xf32, #tpu.memory_space<vmem>>, vector<1x16xf32>,
        %get3A_1140 = arith.index_cast %add3A_1094 : i32 to index
        %get3A_1141 = arith.constant 80 : index
        %get3A_1142 = tpu.vector_load %arg6[%get3A_1140, %get3A_1141] {strides = array<i32>} : memref<512x128xf32, #tpu.memory_space<vmem>>, vector<1x16xf32>,
        %get3A_1143 = vector.shape_cast %get3A_1142 : vector<1x16xf32> to vector<16xf32>
        %swap3A_1144 = arith.index_cast %squeeze3A_1092 : i32 to index
        %swap3A_1145 = arith.constant 80 : index
        %swap3A_1146 = tpu.vector_load %arg8[%swap3A_1144, %swap3A_1145] {strides = array<i32>} : memref<34x128xf32, #tpu.memory_space<vmem>>, vector<1x16xf32>,
        %swap3A_1147 = vector.shape_cast %swap3A_1146 : vector<1x16xf32> to vector<16xf32>
        %swap3A_1148 = vector.shape_cast %get3A_1143 : vector<16xf32> to vector<1x16xf32>
        tpu.vector_store %arg8[%swap3A_1144, %swap3A_1145], %swap3A_1148 {add = true, strides = array<i32>} : memref<34x128xf32, #tpu.memory_space<vmem>>, vector<1x16xf32>,
        %get3A_1149 = arith.index_cast %add3A_1094 : i32 to index
        %get3A_1150 = arith.constant 96 : index
        %get3A_1151 = tpu.vector_load %arg6[%get3A_1149, %get3A_1150] {strides = array<i32>} : memref<512x128xf32, #tpu.memory_space<vmem>>, vector<1x16xf32>,
        %get3A_1152 = vector.shape_cast %get3A_1151 : vector<1x16xf32> to vector<16xf32>
        %swap3A_1153 = arith.index_cast %squeeze3A_1092 : i32 to index
        %swap3A_1154 = arith.constant 96 : index
        %swap3A_1155 = tpu.vector_load %arg8[%swap3A_1153, %swap3A_1154] {strides = array<i32>} : memref<34x128xf32, #tpu.memory_space<vmem>>, vector<1x16xf32>,
        %swap3A_1156 = vector.shape_cast %swap3A_1155 : vector<1x16xf32> to vector<16xf32>
        %swap3A_1157 = vector.shape_cast %get3A_1152 : vector<16xf32> to vector<1x16xf32>
        tpu.vector_store %arg8[%swap3A_1153, %swap3A_1154], %swap3A_1157 {add = true, strides = array<i32>} : memref<34x128xf32, #tpu.memory_space<vmem>>, vector<1x16xf32>,
        %get3A_1158 = arith.index_cast %add3A_1094 : i32 to index
        %get3A_1159 = arith.constant 112 : index
        %get3A_1160 = tpu.vector_load %arg6[%get3A_1158, %get3A_1159] {strides = array<i32>} : memref<512x128xf32, #tpu.memory_space<vmem>>, vector<1x16xf32>,
        %get3A_1161 = vector.shape_cast %get3A_1160 : vector<1x16xf32> to vector<16xf32>
        %swap3A_1162 = arith.index_cast %squeeze3A_1092 : i32 to index
        %swap3A_1163 = arith.constant 112 : index
        %swap3A_1164 = tpu.vector_load %arg8[%swap3A_1162, %swap3A_1163] {strides = array<i32>} : memref<34x128xf32, #tpu.memory_space<vmem>>, vector<1x16xf32>,
        %swap3A_1165 = vector.shape_cast %swap3A_1164 : vector<1x16xf32> to vector<16xf32>
        %swap3A_1166 = vector.shape_cast %get3A_1161 : vector<16xf32> to vector<1x16xf32>
        tpu.vector_store %arg8[%swap3A_1162, %swap3A_1163], %swap3A_1166 {add = true, strides = array<i32>} : memref<34x128xf32, #tpu.memory_space<vmem>>, vector<1x16xf32>,
        %slice3A_1167 = vector.extract_strided_slice %select_n3A_101 {offsets = [14], sizes = [1], strides = [1]} : vector<16xi32> to vector<1xi32>
        %squeeze3A_1168 = vector.extract %slice3A_1167[0] : i32 from vector<1xi32>
        %add3A_1169 = arith.constant 14 : i32
        %add3A_1170 = arith.addi %mul3A_103, %add3A_1169 : i32
        %get3A_1171 = arith.index_cast %add3A_1170 : i32 to index
        %get3A_1172 = arith.constant 0 : index
        %get3A_1173 = tpu.vector_load %arg6[%get3A_1171, %get3A_1172] {strides = array<i32>} : memref<512x128xf32, #tpu.memory_space<vmem>>, vector<1x16xf32>,
        %get3A_1174 = vector.shape_cast %get3A_1173 : vector<1x16xf32> to vector<16xf32>
        %swap3A_1175 = arith.index_cast %squeeze3A_1168 : i32 to index
        %swap3A_1176 = arith.constant 0 : index
        %swap3A_1177 = tpu.vector_load %arg8[%swap3A_1175, %swap3A_1176] {strides = array<i32>} : memref<34x128xf32, #tpu.memory_space<vmem>>, vector<1x16xf32>,
        %swap3A_1178 = vector.shape_cast %swap3A_1177 : vector<1x16xf32> to vector<16xf32>
        %swap3A_1179 = vector.shape_cast %get3A_1174 : vector<16xf32> to vector<1x16xf32>
        tpu.vector_store %arg8[%swap3A_1175, %swap3A_1176], %swap3A_1179 {add = true, strides = array<i32>} : memref<34x128xf32, #tpu.memory_space<vmem>>, vector<1x16xf32>,
        %get3A_1180 = arith.index_cast %add3A_1170 : i32 to index
        %get3A_1181 = arith.constant 16 : index
        %get3A_1182 = tpu.vector_load %arg6[%get3A_1180, %get3A_1181] {strides = array<i32>} : memref<512x128xf32, #tpu.memory_space<vmem>>, vector<1x16xf32>,
        %get3A_1183 = vector.shape_cast %get3A_1182 : vector<1x16xf32> to vector<16xf32>
        %swap3A_1184 = arith.index_cast %squeeze3A_1168 : i32 to index
        %swap3A_1185 = arith.constant 16 : index
        %swap3A_1186 = tpu.vector_load %arg8[%swap3A_1184, %swap3A_1185] {strides = array<i32>} : memref<34x128xf32, #tpu.memory_space<vmem>>, vector<1x16xf32>,
        %swap3A_1187 = vector.shape_cast %swap3A_1186 : vector<1x16xf32> to vector<16xf32>
        %swap3A_1188 = vector.shape_cast %get3A_1183 : vector<16xf32> to vector<1x16xf32>
        tpu.vector_store %arg8[%swap3A_1184, %swap3A_1185], %swap3A_1188 {add = true, strides = array<i32>} : memref<34x128xf32, #tpu.memory_space<vmem>>, vector<1x16xf32>,
        %get3A_1189 = arith.index_cast %add3A_1170 : i32 to index
        %get3A_1190 = arith.constant 32 : index
        %get3A_1191 = tpu.vector_load %arg6[%get3A_1189, %get3A_1190] {strides = array<i32>} : memref<512x128xf32, #tpu.memory_space<vmem>>, vector<1x16xf32>,
        %get3A_1192 = vector.shape_cast %get3A_1191 : vector<1x16xf32> to vector<16xf32>
        %swap3A_1193 = arith.index_cast %squeeze3A_1168 : i32 to index
        %swap3A_1194 = arith.constant 32 : index
        %swap3A_1195 = tpu.vector_load %arg8[%swap3A_1193, %swap3A_1194] {strides = array<i32>} : memref<34x128xf32, #tpu.memory_space<vmem>>, vector<1x16xf32>,
        %swap3A_1196 = vector.shape_cast %swap3A_1195 : vector<1x16xf32> to vector<16xf32>
        %swap3A_1197 = vector.shape_cast %get3A_1192 : vector<16xf32> to vector<1x16xf32>
        tpu.vector_store %arg8[%swap3A_1193, %swap3A_1194], %swap3A_1197 {add = true, strides = array<i32>} : memref<34x128xf32, #tpu.memory_space<vmem>>, vector<1x16xf32>,
        %get3A_1198 = arith.index_cast %add3A_1170 : i32 to index
        %get3A_1199 = arith.constant 48 : index
        %get3A_1200 = tpu.vector_load %arg6[%get3A_1198, %get3A_1199] {strides = array<i32>} : memref<512x128xf32, #tpu.memory_space<vmem>>, vector<1x16xf32>,
        %get3A_1201 = vector.shape_cast %get3A_1200 : vector<1x16xf32> to vector<16xf32>
        %swap3A_1202 = arith.index_cast %squeeze3A_1168 : i32 to index
        %swap3A_1203 = arith.constant 48 : index
        %swap3A_1204 = tpu.vector_load %arg8[%swap3A_1202, %swap3A_1203] {strides = array<i32>} : memref<34x128xf32, #tpu.memory_space<vmem>>, vector<1x16xf32>,
        %swap3A_1205 = vector.shape_cast %swap3A_1204 : vector<1x16xf32> to vector<16xf32>
        %swap3A_1206 = vector.shape_cast %get3A_1201 : vector<16xf32> to vector<1x16xf32>
        tpu.vector_store %arg8[%swap3A_1202, %swap3A_1203], %swap3A_1206 {add = true, strides = array<i32>} : memref<34x128xf32, #tpu.memory_space<vmem>>, vector<1x16xf32>,
        %get3A_1207 = arith.index_cast %add3A_1170 : i32 to index
        %get3A_1208 = arith.constant 64 : index
        %get3A_1209 = tpu.vector_load %arg6[%get3A_1207, %get3A_1208] {strides = array<i32>} : memref<512x128xf32, #tpu.memory_space<vmem>>, vector<1x16xf32>,
        %get3A_1210 = vector.shape_cast %get3A_1209 : vector<1x16xf32> to vector<16xf32>
        %swap3A_1211 = arith.index_cast %squeeze3A_1168 : i32 to index
        %swap3A_1212 = arith.constant 64 : index
        %swap3A_1213 = tpu.vector_load %arg8[%swap3A_1211, %swap3A_1212] {strides = array<i32>} : memref<34x128xf32, #tpu.memory_space<vmem>>, vector<1x16xf32>,
        %swap3A_1214 = vector.shape_cast %swap3A_1213 : vector<1x16xf32> to vector<16xf32>
        %swap3A_1215 = vector.shape_cast %get3A_1210 : vector<16xf32> to vector<1x16xf32>
        tpu.vector_store %arg8[%swap3A_1211, %swap3A_1212], %swap3A_1215 {add = true, strides = array<i32>} : memref<34x128xf32, #tpu.memory_space<vmem>>, vector<1x16xf32>,
        %get3A_1216 = arith.index_cast %add3A_1170 : i32 to index
        %get3A_1217 = arith.constant 80 : index
        %get3A_1218 = tpu.vector_load %arg6[%get3A_1216, %get3A_1217] {strides = array<i32>} : memref<512x128xf32, #tpu.memory_space<vmem>>, vector<1x16xf32>,
        %get3A_1219 = vector.shape_cast %get3A_1218 : vector<1x16xf32> to vector<16xf32>
        %swap3A_1220 = arith.index_cast %squeeze3A_1168 : i32 to index
        %swap3A_1221 = arith.constant 80 : index
        %swap3A_1222 = tpu.vector_load %arg8[%swap3A_1220, %swap3A_1221] {strides = array<i32>} : memref<34x128xf32, #tpu.memory_space<vmem>>, vector<1x16xf32>,
        %swap3A_1223 = vector.shape_cast %swap3A_1222 : vector<1x16xf32> to vector<16xf32>
        %swap3A_1224 = vector.shape_cast %get3A_1219 : vector<16xf32> to vector<1x16xf32>
        tpu.vector_store %arg8[%swap3A_1220, %swap3A_1221], %swap3A_1224 {add = true, strides = array<i32>} : memref<34x128xf32, #tpu.memory_space<vmem>>, vector<1x16xf32>,
        %get3A_1225 = arith.index_cast %add3A_1170 : i32 to index
        %get3A_1226 = arith.constant 96 : index
        %get3A_1227 = tpu.vector_load %arg6[%get3A_1225, %get3A_1226] {strides = array<i32>} : memref<512x128xf32, #tpu.memory_space<vmem>>, vector<1x16xf32>,
        %get3A_1228 = vector.shape_cast %get3A_1227 : vector<1x16xf32> to vector<16xf32>
        %swap3A_1229 = arith.index_cast %squeeze3A_1168 : i32 to index
        %swap3A_1230 = arith.constant 96 : index
        %swap3A_1231 = tpu.vector_load %arg8[%swap3A_1229, %swap3A_1230] {strides = array<i32>} : memref<34x128xf32, #tpu.memory_space<vmem>>, vector<1x16xf32>,
        %swap3A_1232 = vector.shape_cast %swap3A_1231 : vector<1x16xf32> to vector<16xf32>
        %swap3A_1233 = vector.shape_cast %get3A_1228 : vector<16xf32> to vector<1x16xf32>
        tpu.vector_store %arg8[%swap3A_1229, %swap3A_1230], %swap3A_1233 {add = true, strides = array<i32>} : memref<34x128xf32, #tpu.memory_space<vmem>>, vector<1x16xf32>,
        %get3A_1234 = arith.index_cast %add3A_1170 : i32 to index
        %get3A_1235 = arith.constant 112 : index
        %get3A_1236 = tpu.vector_load %arg6[%get3A_1234, %get3A_1235] {strides = array<i32>} : memref<512x128xf32, #tpu.memory_space<vmem>>, vector<1x16xf32>,
        %get3A_1237 = vector.shape_cast %get3A_1236 : vector<1x16xf32> to vector<16xf32>
        %swap3A_1238 = arith.index_cast %squeeze3A_1168 : i32 to index
        %swap3A_1239 = arith.constant 112 : index
        %swap3A_1240 = tpu.vector_load %arg8[%swap3A_1238, %swap3A_1239] {strides = array<i32>} : memref<34x128xf32, #tpu.memory_space<vmem>>, vector<1x16xf32>,
        %swap3A_1241 = vector.shape_cast %swap3A_1240 : vector<1x16xf32> to vector<16xf32>
        %swap3A_1242 = vector.shape_cast %get3A_1237 : vector<16xf32> to vector<1x16xf32>
        tpu.vector_store %arg8[%swap3A_1238, %swap3A_1239], %swap3A_1242 {add = true, strides = array<i32>} : memref<34x128xf32, #tpu.memory_space<vmem>>, vector<1x16xf32>,
        %slice3A_1243 = vector.extract_strided_slice %select_n3A_101 {offsets = [15], sizes = [1], strides = [1]} : vector<16xi32> to vector<1xi32>
        %squeeze3A_1244 = vector.extract %slice3A_1243[0] : i32 from vector<1xi32>
        %add3A_1245 = arith.constant 15 : i32
        %add3A_1246 = arith.addi %mul3A_103, %add3A_1245 : i32
        %get3A_1247 = arith.index_cast %add3A_1246 : i32 to index
        %get3A_1248 = arith.constant 0 : index
        %get3A_1249 = tpu.vector_load %arg6[%get3A_1247, %get3A_1248] {strides = array<i32>} : memref<512x128xf32, #tpu.memory_space<vmem>>, vector<1x16xf32>,
        %get3A_1250 = vector.shape_cast %get3A_1249 : vector<1x16xf32> to vector<16xf32>
        %swap3A_1251 = arith.index_cast %squeeze3A_1244 : i32 to index
        %swap3A_1252 = arith.constant 0 : index
        %swap3A_1253 = tpu.vector_load %arg8[%swap3A_1251, %swap3A_1252] {strides = array<i32>} : memref<34x128xf32, #tpu.memory_space<vmem>>, vector<1x16xf32>,
        %swap3A_1254 = vector.shape_cast %swap3A_1253 : vector<1x16xf32> to vector<16xf32>
        %swap3A_1255 = vector.shape_cast %get3A_1250 : vector<16xf32> to vector<1x16xf32>
        tpu.vector_store %arg8[%swap3A_1251, %swap3A_1252], %swap3A_1255 {add = true, strides = array<i32>} : memref<34x128xf32, #tpu.memory_space<vmem>>, vector<1x16xf32>,
        %get3A_1256 = arith.index_cast %add3A_1246 : i32 to index
        %get3A_1257 = arith.constant 16 : index
        %get3A_1258 = tpu.vector_load %arg6[%get3A_1256, %get3A_1257] {strides = array<i32>} : memref<512x128xf32, #tpu.memory_space<vmem>>, vector<1x16xf32>,
        %get3A_1259 = vector.shape_cast %get3A_1258 : vector<1x16xf32> to vector<16xf32>
        %swap3A_1260 = arith.index_cast %squeeze3A_1244 : i32 to index
        %swap3A_1261 = arith.constant 16 : index
        %swap3A_1262 = tpu.vector_load %arg8[%swap3A_1260, %swap3A_1261] {strides = array<i32>} : memref<34x128xf32, #tpu.memory_space<vmem>>, vector<1x16xf32>,
        %swap3A_1263 = vector.shape_cast %swap3A_1262 : vector<1x16xf32> to vector<16xf32>
        %swap3A_1264 = vector.shape_cast %get3A_1259 : vector<16xf32> to vector<1x16xf32>
        tpu.vector_store %arg8[%swap3A_1260, %swap3A_1261], %swap3A_1264 {add = true, strides = array<i32>} : memref<34x128xf32, #tpu.memory_space<vmem>>, vector<1x16xf32>,
        %get3A_1265 = arith.index_cast %add3A_1246 : i32 to index
        %get3A_1266 = arith.constant 32 : index
        %get3A_1267 = tpu.vector_load %arg6[%get3A_1265, %get3A_1266] {strides = array<i32>} : memref<512x128xf32, #tpu.memory_space<vmem>>, vector<1x16xf32>,
        %get3A_1268 = vector.shape_cast %get3A_1267 : vector<1x16xf32> to vector<16xf32>
        %swap3A_1269 = arith.index_cast %squeeze3A_1244 : i32 to index
        %swap3A_1270 = arith.constant 32 : index
        %swap3A_1271 = tpu.vector_load %arg8[%swap3A_1269, %swap3A_1270] {strides = array<i32>} : memref<34x128xf32, #tpu.memory_space<vmem>>, vector<1x16xf32>,
        %swap3A_1272 = vector.shape_cast %swap3A_1271 : vector<1x16xf32> to vector<16xf32>
        %swap3A_1273 = vector.shape_cast %get3A_1268 : vector<16xf32> to vector<1x16xf32>
        tpu.vector_store %arg8[%swap3A_1269, %swap3A_1270], %swap3A_1273 {add = true, strides = array<i32>} : memref<34x128xf32, #tpu.memory_space<vmem>>, vector<1x16xf32>,
        %get3A_1274 = arith.index_cast %add3A_1246 : i32 to index
        %get3A_1275 = arith.constant 48 : index
        %get3A_1276 = tpu.vector_load %arg6[%get3A_1274, %get3A_1275] {strides = array<i32>} : memref<512x128xf32, #tpu.memory_space<vmem>>, vector<1x16xf32>,
        %get3A_1277 = vector.shape_cast %get3A_1276 : vector<1x16xf32> to vector<16xf32>
        %swap3A_1278 = arith.index_cast %squeeze3A_1244 : i32 to index
        %swap3A_1279 = arith.constant 48 : index
        %swap3A_1280 = tpu.vector_load %arg8[%swap3A_1278, %swap3A_1279] {strides = array<i32>} : memref<34x128xf32, #tpu.memory_space<vmem>>, vector<1x16xf32>,
        %swap3A_1281 = vector.shape_cast %swap3A_1280 : vector<1x16xf32> to vector<16xf32>
        %swap3A_1282 = vector.shape_cast %get3A_1277 : vector<16xf32> to vector<1x16xf32>
        tpu.vector_store %arg8[%swap3A_1278, %swap3A_1279], %swap3A_1282 {add = true, strides = array<i32>} : memref<34x128xf32, #tpu.memory_space<vmem>>, vector<1x16xf32>,
        %get3A_1283 = arith.index_cast %add3A_1246 : i32 to index
        %get3A_1284 = arith.constant 64 : index
        %get3A_1285 = tpu.vector_load %arg6[%get3A_1283, %get3A_1284] {strides = array<i32>} : memref<512x128xf32, #tpu.memory_space<vmem>>, vector<1x16xf32>,
        %get3A_1286 = vector.shape_cast %get3A_1285 : vector<1x16xf32> to vector<16xf32>
        %swap3A_1287 = arith.index_cast %squeeze3A_1244 : i32 to index
        %swap3A_1288 = arith.constant 64 : index
        %swap3A_1289 = tpu.vector_load %arg8[%swap3A_1287, %swap3A_1288] {strides = array<i32>} : memref<34x128xf32, #tpu.memory_space<vmem>>, vector<1x16xf32>,
        %swap3A_1290 = vector.shape_cast %swap3A_1289 : vector<1x16xf32> to vector<16xf32>
        %swap3A_1291 = vector.shape_cast %get3A_1286 : vector<16xf32> to vector<1x16xf32>
        tpu.vector_store %arg8[%swap3A_1287, %swap3A_1288], %swap3A_1291 {add = true, strides = array<i32>} : memref<34x128xf32, #tpu.memory_space<vmem>>, vector<1x16xf32>,
        %get3A_1292 = arith.index_cast %add3A_1246 : i32 to index
        %get3A_1293 = arith.constant 80 : index
        %get3A_1294 = tpu.vector_load %arg6[%get3A_1292, %get3A_1293] {strides = array<i32>} : memref<512x128xf32, #tpu.memory_space<vmem>>, vector<1x16xf32>,
        %get3A_1295 = vector.shape_cast %get3A_1294 : vector<1x16xf32> to vector<16xf32>
        %swap3A_1296 = arith.index_cast %squeeze3A_1244 : i32 to index
        %swap3A_1297 = arith.constant 80 : index
        %swap3A_1298 = tpu.vector_load %arg8[%swap3A_1296, %swap3A_1297] {strides = array<i32>} : memref<34x128xf32, #tpu.memory_space<vmem>>, vector<1x16xf32>,
        %swap3A_1299 = vector.shape_cast %swap3A_1298 : vector<1x16xf32> to vector<16xf32>
        %swap3A_1300 = vector.shape_cast %get3A_1295 : vector<16xf32> to vector<1x16xf32>
        tpu.vector_store %arg8[%swap3A_1296, %swap3A_1297], %swap3A_1300 {add = true, strides = array<i32>} : memref<34x128xf32, #tpu.memory_space<vmem>>, vector<1x16xf32>,
        %get3A_1301 = arith.index_cast %add3A_1246 : i32 to index
        %get3A_1302 = arith.constant 96 : index
        %get3A_1303 = tpu.vector_load %arg6[%get3A_1301, %get3A_1302] {strides = array<i32>} : memref<512x128xf32, #tpu.memory_space<vmem>>, vector<1x16xf32>,
        %get3A_1304 = vector.shape_cast %get3A_1303 : vector<1x16xf32> to vector<16xf32>
        %swap3A_1305 = arith.index_cast %squeeze3A_1244 : i32 to index
        %swap3A_1306 = arith.constant 96 : index
        %swap3A_1307 = tpu.vector_load %arg8[%swap3A_1305, %swap3A_1306] {strides = array<i32>} : memref<34x128xf32, #tpu.memory_space<vmem>>, vector<1x16xf32>,
        %swap3A_1308 = vector.shape_cast %swap3A_1307 : vector<1x16xf32> to vector<16xf32>
        %swap3A_1309 = vector.shape_cast %get3A_1304 : vector<16xf32> to vector<1x16xf32>
        tpu.vector_store %arg8[%swap3A_1305, %swap3A_1306], %swap3A_1309 {add = true, strides = array<i32>} : memref<34x128xf32, #tpu.memory_space<vmem>>, vector<1x16xf32>,
        %get3A_1310 = arith.index_cast %add3A_1246 : i32 to index
        %get3A_1311 = arith.constant 112 : index
        %get3A_1312 = tpu.vector_load %arg6[%get3A_1310, %get3A_1311] {strides = array<i32>} : memref<512x128xf32, #tpu.memory_space<vmem>>, vector<1x16xf32>,
        %get3A_1313 = vector.shape_cast %get3A_1312 : vector<1x16xf32> to vector<16xf32>
        %swap3A_1314 = arith.index_cast %squeeze3A_1244 : i32 to index
        %swap3A_1315 = arith.constant 112 : index
        %swap3A_1316 = tpu.vector_load %arg8[%swap3A_1314, %swap3A_1315] {strides = array<i32>} : memref<34x128xf32, #tpu.memory_space<vmem>>, vector<1x16xf32>,
        %swap3A_1317 = vector.shape_cast %swap3A_1316 : vector<1x16xf32> to vector<16xf32>
        %swap3A_1318 = vector.shape_cast %get3A_1313 : vector<16xf32> to vector<1x16xf32>
        tpu.vector_store %arg8[%swap3A_1314, %swap3A_1315], %swap3A_1318 {add = true, strides = array<i32>} : memref<34x128xf32, #tpu.memory_space<vmem>>, vector<1x16xf32>,
      }
      %scan3A_81 = arith.constant 32 : i32
    }
    %mul3A_68 = arith.constant 32 : i32
    %mul3A_69 = arith.muli %add3A, %mul3A_68 : i32
    "tpu.region"() ({
      %run_scoped3A = tpu.sem_alloc : memref<!tpu.dma_semaphore, #tpu.memory_space<semaphore_mem>>
      %dma_start3A = arith.constant 1 : i32
      %dma_start3A_70 = arith.constant 0 : i32
      %dma_start3A_71 = tpu.memref_slice %arg8[%dma_start3A, %dma_start3A_70] : memref<34x128xf32, #tpu.memory_space<vmem>> -> memref<32x128xf32, #tpu.memory_space<vmem>>
      %dma_start3A_72 = arith.constant 0 : i32
      %dma_start3A_73 = tpu.memref_slice %arg5[%mul3A_69, %dma_start3A_72] : memref<1024x128xf32, #tpu.memory_space<hbm>> -> memref<32x128xf32, #tpu.memory_space<hbm>>
      %dma_start3A_74 = arith.constant 0 : i32
      %dma_start3A_75 = tpu.memref_slice %arg5[%mul3A_69, %dma_start3A_74] : memref<1024x128xf32, #tpu.memory_space<hbm>> -> memref<32x128xf32, #tpu.memory_space<hbm>>
      %dma_start3A_76 = arith.constant 1 : i32
      %dma_start3A_77 = arith.constant 0 : i32
      %dma_start3A_78 = tpu.memref_slice %arg8[%dma_start3A_76, %dma_start3A_77] : memref<34x128xf32, #tpu.memory_space<vmem>> -> memref<32x128xf32, #tpu.memory_space<vmem>>
      tpu.enqueue_dma source(%dma_start3A_78 : memref<32x128xf32, #tpu.memory_space<vmem>>) target(%dma_start3A_75 : memref<32x128xf32, #tpu.memory_space<hbm>>) target_semaphore(%run_scoped3A : memref<!tpu.dma_semaphore, #tpu.memory_space<semaphore_mem>>)
      %dma_wait3A = arith.constant 1 : i32
      %dma_wait3A_79 = arith.constant 0 : i32
      %dma_wait3A_80 = tpu.memref_slice %arg8[%dma_wait3A, %dma_wait3A_79] : memref<34x128xf32, #tpu.memory_space<vmem>> -> memref<32x128xf32, #tpu.memory_space<vmem>>
      %dma_wait3A_81 = arith.constant 0 : i32
      %dma_wait3A_82 = tpu.memref_slice %arg5[%mul3A_69, %dma_wait3A_81] : memref<1024x128xf32, #tpu.memory_space<hbm>> -> memref<32x128xf32, #tpu.memory_space<hbm>>
      %dma_wait3A_83 = arith.constant 0 : i32
      %dma_wait3A_84 = tpu.memref_slice %arg5[%mul3A_69, %dma_wait3A_83] : memref<1024x128xf32, #tpu.memory_space<hbm>> -> memref<32x128xf32, #tpu.memory_space<hbm>>
      %dma_wait3A_85 = arith.constant 1 : i32
      %dma_wait3A_86 = arith.constant 0 : i32
      %dma_wait3A_87 = tpu.memref_slice %arg8[%dma_wait3A_85, %dma_wait3A_86] : memref<34x128xf32, #tpu.memory_space<vmem>> -> memref<32x128xf32, #tpu.memory_space<vmem>>
      tpu.wait_dma2 semaphore(%run_scoped3A : memref<!tpu.dma_semaphore, #tpu.memory_space<semaphore_mem>>) src(%dma_wait3A_87 : memref<32x128xf32, #tpu.memory_space<vmem>>) dst(%dma_wait3A_84 : memref<32x128xf32, #tpu.memory_space<hbm>>)
      tpu.yield
    }) : () -> ()
    return
  }
}

module attributes {stable_mosaic.version = 14 : i64} {
  func.func @_mlp_body(%arg0: memref<1024x128xf32, #tpu.memory_space<vmem>>, %arg1: memref<128x256xf32, #tpu.memory_space<vmem>>, %arg2: memref<1x256xf32, #tpu.memory_space<vmem>>, %arg3: memref<256x16xf32, #tpu.memory_space<vmem>>, %arg4: memref<1x16xf32, #tpu.memory_space<vmem>>, %arg5: memref<1024x16xf32, #tpu.memory_space<vmem>>) attributes {dimension_semantics = [], scalar_prefetch = 0 : i64, scratch_operands = 0 : i64, tpu.core_type = #tpu.core_type<tc>} {
    %get3A = arith.constant 0 : index
    %get3A_0 = arith.constant 0 : index
    %get3A_1 = vector.load %arg0[%get3A, %get3A_0] : memref<1024x128xf32, #tpu.memory_space<vmem>>, vector<1024x128xf32>
    %get3A_2 = arith.constant 0 : index
    %get3A_3 = arith.constant 0 : index
    %get3A_4 = vector.load %arg1[%get3A_2, %get3A_3] : memref<128x256xf32, #tpu.memory_space<vmem>>, vector<128x256xf32>
    %dot_general3A = arith.constant dense<0.000000e+00> : vector<1024x256xf32>
    %dot_general3A_5 = tpu.matmul %get3A_1, %get3A_4, %dot_general3A {dimension_numbers = #tpu.dot_dimension_numbers<[1], [0], [0], [1], [0, 0, 1, 1], [], []>, transpose_lhs_hint = false} : vector<1024x128xf32>, vector<128x256xf32>, vector<1024x256xf32> -> vector<1024x256xf32>
    %get3A_6 = arith.constant 0 : index
    %get3A_7 = arith.constant 0 : index
    %get3A_8 = vector.load %arg2[%get3A_6, %get3A_7] : memref<1x256xf32, #tpu.memory_space<vmem>>, vector<1x256xf32>
    %add3A = vector.broadcast %get3A_8 : vector<1x256xf32> to vector<1024x256xf32>
    %add3A_9 = arith.addf %dot_general3A_5, %add3A : vector<1024x256xf32>
    %max3A = arith.constant 0.000000e+00 : f32
    %max3A_10 = vector.broadcast %max3A : f32 to vector<1024x256xf32>
    %max3A_11 = arith.maximumf %add3A_9, %max3A_10 : vector<1024x256xf32>
    %get3A_12 = arith.constant 0 : index
    %get3A_13 = arith.constant 0 : index
    %get3A_14 = vector.load %arg3[%get3A_12, %get3A_13] : memref<256x16xf32, #tpu.memory_space<vmem>>, vector<256x16xf32>
    %dot_general3A_15 = arith.constant dense<0.000000e+00> : vector<1024x16xf32>
    %dot_general3A_16 = tpu.matmul %max3A_11, %get3A_14, %dot_general3A_15 {dimension_numbers = #tpu.dot_dimension_numbers<[1], [0], [0], [1], [0, 0, 1, 1], [], []>, transpose_lhs_hint = false} : vector<1024x256xf32>, vector<256x16xf32>, vector<1024x16xf32> -> vector<1024x16xf32>
    %get3A_17 = arith.constant 0 : index
    %get3A_18 = arith.constant 0 : index
    %get3A_19 = vector.load %arg4[%get3A_17, %get3A_18] : memref<1x16xf32, #tpu.memory_space<vmem>>, vector<1x16xf32>
    %add3A_20 = vector.broadcast %get3A_19 : vector<1x16xf32> to vector<1024x16xf32>
    %add3A_21 = arith.addf %dot_general3A_16, %add3A_20 : vector<1024x16xf32>
    %swap3A = arith.constant 0 : index
    %swap3A_22 = arith.constant 0 : index
    %swap3A_23 = vector.load %arg5[%swap3A, %swap3A_22] : memref<1024x16xf32, #tpu.memory_space<vmem>>, vector<1024x16xf32>
    tpu.vector_store %arg5[%swap3A, %swap3A_22], %add3A_21 {strides = array<i32>} : memref<1024x16xf32, #tpu.memory_space<vmem>>, vector<1024x16xf32>,
    return
  }
}

</mosaic_0001>

<sc_bundles>
// kernel: kernel.4.cloned.1.call-start
scs
__scs_entry_jumppad:
0x0: {  	(pc) =	sbr.rel $0x88, $3  }
0x1: {  	(tag) =	ssettag $0x0;
	lr =	simm.s32 $0x1  }
0x2: {  	[smem:$0x3F9B] =	sst lr;
	_ =	strace $0xD0000000  }
0x3: {  	_ = 	snop  }
0x4: {  	_ = 	snop  }
0x5: {  	_ = 	snop  }
0x6: {  	_ = 	snop  }
0x7: {  	_ = 	snop  }
__scs_overlays_trampoline_lowered:
0x8: {  	[smem:$0x3FAA] =	sst s0  }
0x9: {  	[smem:$0x3FAB] =	sst s1  }
0xa: {  	[smem:$0x3FAC] =	sst s2  }
0xb: {  	[smem:$0x3FAD] =	sst s3  }
0xc: {  	[smem:$0x3FAE] =	sst s4  }
0xd: {  	[smem:$0x3FAF] =	sst s5  }
0xe: {  	[smem:$0x3FB0] =	sst s6  }
0xf: {  	[smem:$0x3FB1] =	sst s7  }
0x10: {  	[smem:$0x3FB2] =	sst s8  }
0x11: {  	[smem:$0x3FB3] =	sst s9;
	s0 =	simm.s32 @!p0 $0x0  }
0x12: {  	s1 =	sld [smem:$0x3F99];
	s0 =	simm.s32 @p0 $0x1  }
0x13: {  	[smem:$0x3FB4] =	sst s0;
	s0 =	simm.s32 @!p1 $0x0  }
0x14: {  	s2 =	sld [smem:$0x3F98];
	s0 =	simm.s32 @p1 $0x1  }
0x15: {  	[smem:$0x3FB5] =	sst s0;
	s0 =	simm.s32 @!p2 $0x0  }
0x16: {  	s3 =	sld [smem:$0x3FDB];
	s0 =	simm.s32 @p2 $0x1  }
0x17: {  	s4 =	simm.s32 $0x1BF5;
	[smem:$0x3FB7] =	sst s0  }
0x18: {  	s0 =	sld [smem:$0x3F9A];
	_ =	swait.ge [sflag:s4], $0x0  }
0x19: {  	s7 =	sld [smem:$0x3F9B]  }
0x1a: {  	s8 =	sadd.s32 $0xFFFFE003, lr  }
0x1b: {  	s9 =	sadd.s32 $0xFFFFFEF7, lr;
	s5 =	simm.s32 $0xFFFFFFFF;
	p2 =	slt.u32 s8, $0xFFFFF086  }
0x1c: {  	p1 =	slt.u32 s9, $0xF7A;
	s5 =	simm.s32 @!p2 $0x0  }
0x1d: {  	s5 =	simm.s32 @p1 $0x1;
	p0 =	seq.s32 s7, s2  }
0x1e: {  	s7 =	smul.u32 @!p0 $0xF7A, s2;
	p2 =	seq.s32 @!p0 s5, $0x0  }
0x1f: {  	s9 =	smul.u32 $0xF7A, s1;
	s8 =	simm.s32 @!p0 $0x1BF5;
	p2 =	por !p2, p0  }
0x20: {  	[sflag:s8] =	ssyncset.s32 @!p0 $0xFFFFF086;
	s6 =	sadd.s32 @!p0 s3, s7;
	s7 =	simm.s32 @!p0 $0x108  }
0x21: {  	s3 =	sadd.s32 s3, s9;
	s6 =	sadd.s32 @!p0 $0x88, s6;
	s7 =	simm.s32 @p2 $0x1082  }
0x22: {  	[simem:s7], [sflag:s8] =	dma.local @!p0 [hbm:s6], $0xF7A  }
0x23: {  	s9 =	sor.u32 $0xD0000000, s2;
	s6 =	simm.s32 $0x108;
	_ =	swait.ge @!p0 [sflag:s8], $0x0  }
0x24: {  	s3 =	sadd.s32 $0x88, s3;
	s6 =	simm.s32 @!p1 $0x1082;
	[sflag:s4] =	ssyncset.s32 $0xFFFFF086  }
0x25: {  	[simem:s6], [sflag:s4] =	dma.local [hbm:s3], $0xF7A  }
0x26: {  	[smem:$0x3F9B] =	sst s1;
	(tag) =	ssettag s2;
	_ =	strace s9  }
0x27: {  	s1 =	sld [smem:$0x3FAB]  }
0x28: {  	s2 =	sld [smem:$0x3FAC]  }
0x29: {  	s4 =	sld [smem:$0x3FAE]  }
0x2a: {  	p0 =	seq.s32 s5, $0x0;
	s5 =	sld [smem:$0x3FAF]  }
0x2b: {  	s6 =	sld [smem:$0x3FB0]  }
0x2c: {  	s7 =	sld [smem:$0x3FB1]  }
0x2d: {  	s3 =	simm.s32 $0x108;
	s8 =	sld [smem:$0x3FB2]  }
0x2e: {  	s3 =	simm.s32 @!p0 $0x1082;
	s9 =	sld [smem:$0x3FB3]  }
0x2f: {  	lr =	sadd.s32 s0, s3;
	s0 =	sld [smem:$0x3FAA]  }
0x30: {  	s3 =	sld [smem:$0x3FAD]  }
0x31: {  	[smem:$0x3FB6] =	sst s10  }
0x32: {  	s10 =	sld [smem:$0x3FB4];
	_ =	sdelay $0x3  }
0x33: {  	p0 =	seq.s32 s10, $0x1;
	s10 =	sld [smem:$0x3FB6];
	_ =	sdelay $0x3  }
0x34: {  	[smem:$0x3FB6] =	sst s10  }
0x35: {  	s10 =	sld [smem:$0x3FB5];
	_ =	sdelay $0x3  }
0x36: {  	p1 =	seq.s32 s10, $0x1;
	s10 =	sld [smem:$0x3FB6];
	_ =	sdelay $0x3  }
0x37: {  	[smem:$0x3FB6] =	sst s10  }
0x38: {  	s10 =	sld [smem:$0x3FB7]  }
0x39: {  	_ = 	snop;
	(pc) =	sbr.ind lr, $3  }
0x3a: {  	_ = 	snop  }
0x3b: {  	_ = 	snop  }
0x3c: {  	p2 =	seq.s32 s10, $0x1;
	s10 =	sld [smem:$0x3FB6]  }
0x3d: {  	_ =	shalt  }
0x3e: {  	_ =	shalt  }
0x3f: {  	_ =	shalt  }
0x40: {  	_ =	shalt  }
0x41: {  	_ =	shalt  }
0x42: {  	_ =	shalt  }
0x43: {  	_ =	shalt  }
0x44: {  	_ =	shalt  }
0x45: {  	_ =	shalt  }
0x46: {  	_ =	shalt  }
0x47: {  	_ =	shalt  }
0x48: {  	_ =	shalt  }
0x49: {  	_ =	shalt  }
0x4a: {  	_ =	shalt  }
0x4b: {  	_ =	shalt  }
0x4c: {  	_ =	shalt  }
0x4d: {  	_ =	shalt  }
0x4e: {  	_ =	shalt  }
0x4f: {  	_ =	shalt  }
0x50: {  	_ =	shalt  }
0x51: {  	_ =	shalt  }
0x52: {  	_ =	shalt  }
0x53: {  	_ =	shalt  }
0x54: {  	_ =	shalt  }
0x55: {  	_ =	shalt  }
0x56: {  	_ =	shalt  }
0x57: {  	_ =	shalt  }
0x58: {  	_ =	shalt  }
0x59: {  	_ =	shalt  }
0x5a: {  	_ =	shalt  }
0x5b: {  	_ =	shalt  }
0x5c: {  	_ =	shalt  }
0x5d: {  	_ =	shalt  }
0x5e: {  	_ =	shalt  }
0x5f: {  	_ =	shalt  }
0x60: {  	_ =	shalt  }
0x61: {  	_ =	shalt  }
0x62: {  	_ =	shalt  }
0x63: {  	_ =	shalt  }
0x64: {  	_ =	shalt  }
0x65: {  	_ =	shalt  }
0x66: {  	_ =	shalt  }
0x67: {  	_ =	shalt  }
0x68: {  	_ =	shalt  }
0x69: {  	_ =	shalt  }
0x6a: {  	_ =	shalt  }
0x6b: {  	_ =	shalt  }
0x6c: {  	_ =	shalt  }
0x6d: {  	_ =	shalt  }
0x6e: {  	_ =	shalt  }
0x6f: {  	_ =	shalt  }
0x70: {  	_ =	shalt  }
0x71: {  	_ =	shalt  }
0x72: {  	_ =	shalt  }
0x73: {  	_ =	shalt  }
0x74: {  	_ =	shalt  }
0x75: {  	_ =	shalt  }
0x76: {  	_ =	shalt  }
0x77: {  	_ =	shalt  }
0x78: {  	_ =	shalt  }
0x79: {  	_ =	shalt  }
0x7a: {  	_ =	shalt  }
0x7b: {  	_ =	shalt  }
0x7c: {  	_ =	shalt  }
0x7d: {  	_ =	shalt  }
0x7e: {  	_ =	shalt  }
0x7f: {  	_ =	shalt  }
0x80: {  	_ =	shalt  }
0x81: {  	_ =	shalt  }
0x82: {  	_ =	shalt  }
0x83: {  	_ =	shalt  }
0x84: {  	_ =	shalt  }
0x85: {  	_ =	shalt  }
0x86: {  	_ =	shalt  }
0x87: {  	_ =	shalt  }
.Lfunc_end0:
.L_simem_size_0:
called_computation_lowered:
.L_overlay_start_0:
0x88: {  	s2 =	sld [smem:$0x3FD9]  }
0x89: {  	s3 =	sld [smem:$0x3FFE];
	_ =	sdelay $0x1  }
0x8a: {  	s1 =	srdreg.scid  }
0x8b: {  	s0 =	sand.u32 $0x1, s1  }
0x8c: {  	s17 =	sshll.u32 s0, $0xA;
	s2 =	sadd.s32 s3, s2  }
0x8d: {  	s2 =	sadd.s32 s2, s17  }
0x8e: {  	[smem:$0x3FC2] =	sst s2  }
0x8f: {  	_ = 	snop  }
0x90: {  	s2 =	sld [smem:$0x3FC9]  }
0x91: {  	s18 =	sld [smem:$0x3FC8]  }
0x92: {  	s4 =	sld [smem:$0x3FD0];
	(tm) =	ssettm $0x1  }
0x93: {  	s5 =	sld [smem:$0x3FFB];
	_ =	sdelay $0x3  }
0x94: {  	_ =	strace s5  }
0x95: {  	s5 =	sld [smem:$0x3FFC];
	_ =	sdelay $0x3  }
0x96: {  	_ =	strace s5  }
0x97: {  	s5 =	sld [smem:$0x3FFD];
	_ =	sdelay $0x3  }
0x98: {  	_ =	strace s5  }
0x99: {  	_ =	strace $0x8FFFFFFF  }
0x9a: {  	s19 =	sld [smem:$0x3FDB];
	_ =	sdelay $0x1  }
0x9b: {  	s6 =	simm.s32 $_scs_section_size  }
0x9c: {  	s7 =	simm.s32 $_size__tile_overlayer_lowered;
	s8 =	simm.s32 $_tile_overlayer_lowered  }
0x9d: {  	s22 =	simm.s32 $0x1BFF;
	s21 =	sshll.u32 s8, $0x1;
	s5 =	sadd.s32 s6, s19  }
0x9e: {  	s9 =	simm.s32 $0x0;
	s20 =	sshll.u32 s7, $0x1;
	s7 =	sadd.s32 s21, s5  }
0x9f: {  	[timem:s9], [sflag:s22] =	dma.local [hbm:s7], s20  }
0xa0: {  	_ =	swait.ge [sflag:s22], s20  }
0xa1: {  	s6 =	ssub.s32 $0x0, s20;
	[sflag:s22] =	ssyncset.done $0x0  }
0xa2: {  	[sflag:s22] =	ssyncadd.s32 s6;
	_ =	sdelay $0x1  }
0xa3: {  	s23 =	simm.s32 $0x1B8B  }
0xa4: {  	_ =	swait.ge [sflag:s23], $0x1  }
0xa5: {  	[sflag:s23] =	ssyncset.done $0x0  }
0xa6: {  	s25 =	simm.s32 $0x1B8E;
	s24 =	sld [smem:$0x3FFE];
	[sflag:s23] =	ssyncadd.s32 $0xFFFFFFFF  }
0xa7: {  	s26 =	simm.s32 $execute0_lowered;
	[smem:$0x3FD2] =	sst s25  }
0xa8: {  	s7 =	sshll.u32 s26, $0x1;
	_ =	strace $0x80000046;
	[dreg:$0x1] =	wrdreg $0xFFFFFFFF  }
0xa9: {  	s28 =	simm.s32 $_size_execute0_lowered;
	s5 =	sadd.s32 s5, s7;
	[dreg:$0x0] =	wrdreg $0x0  }
0xaa: {  	s7 =	sshll.u32 s28, $0x1;
	[dreg:$0x2] =	wrdreg s5  }
0xab: {  	[dreg:$0x3] =	wrdreg s7  }
0xac: {  	[dreg:$0x4] =	wrdreg $0xC0  }
0xad: {  	_ =	task [dreg:s9], $0x5FFFF  }
0xae: {  	[dreg:$0x1] =	wrdreg $0xFFFFFFFF  }
0xaf: {  	[dreg:$0x0] =	wrdreg $0x60  }
0xb0: {  	[dreg:$0x2] =	wrdreg s2  }
0xb1: {  	[dreg:$0x3] =	wrdreg s18  }
0xb2: {  	[dreg:$0x4] =	wrdreg s4  }
0xb3: {  	[dreg:$0x5] =	wrdreg s24  }
0xb4: {  	[dreg:$0x6] =	wrdreg $0x9  }
0xb5: {  	_ =	task.clear_ibuf [dreg:s9], $0x7FFFF;
	_ =	strace $0x90000046  }
0xb6: {  	s29 =	simm.s32 $0x9;
	_ =	strace $0x80000048  }
0xb7: {  	_ =	swait.ge [sflag:s29], $0x1  }
0xb8: {  	[sflag:s29] =	ssyncadd.s32 $0xFFFFFFFF  }
0xb9: {  	_ =	strace $0x90000048  }
0xba: {  	_ =	sfence  }
0xbb: {  	s30 =	sld [smem:$0x0];
	_ =	sdelay $0x2  }
0xbc: {  	s31 =	sshll.u32 s1, $0xD;
	s1 =	sshrl.u32 s1, $0x2  }
0xbd: {  	s3 =	sand.u32 $0x4000, s31;
	s1 =	sadd.s32 s1, s30  }
0xbe: {  	s0 =	sor.u32 s3, s0;
	s1 =	sshll.u32 s1, $0x11  }
0xbf: {  	s0 =	sor.u32 s1, s0  }
0xc0: {  	s0 =	sadd.s32 $0x8F2B, s0  }
0xc1: {  	[sflag:s0] =	ssyncadd.remote.s32 $0x1  }
0xc2: {  	_ =	sfence.sel $0xFFFF  }
0xc3: {  	[dreg:$0x0] =	wrdreg $0xFFFFFFFF;
	(pc) =	sbr.abs _section_cstart, $3  }
0xc4: {  	[dreg:$0x1] =	wrdreg $0xFFFFFFFF  }
0xc5: {  	_ =	task.clear_ibuf [dreg:s9], $0x2FFFF;
	_ =	strace $0x9FFFFFFF  }
0xc6: {  	(tm) =	ssettm $0x7FFFFFFF  }
0xc7: {  	_ =	shalt  }
tec
execute0_lowered:
.L_overlay_start_1:
0x0: {  	(tag) =	ssettag $0x1  }
0x1: {  	s1 =	rddreg [dreg:$0x0]  }
0x2: {  	s2 =	rddreg [dreg:$0x1]  }
0x3: {  	s3 =	rddreg [dreg:$0x2]  }
0x4: {  	s7 =	rddreg [dreg:$0x3]  }
0x5: {  	s0 =	rddreg [dreg:$0x4];
	s5 =	simm.s32 $0x0  }
0x6: {  	s6 =	srdreg.scid;
	s4 =	stileid.u32;
	s12 =	simm.s32 $0x0  }
0x7: {  	[smem:$0x7FF] =	sst s5;
	s8 =	sand.u32 $0x1, s6;
	s30 =	sshll.u32 s4, $0x1  }
.Ltmp0:
0x8: {  	s6 =	sor.u32 s8, s30;
	s8 =	ssub.s32 $0x2, s8;
	(pc) =	sbr.rel .LBB2_1-.Ltmp0, $4  }
0x9: {  	_ =	strace $0x80000047;
	s9 =	sshll.u32 s6, $0x9;
	s10 =	sshrl.u32 s8, $0x1  }
0xa: {  	s11 =	sshll.u32 s6, $0x5;
	s7 =	sadd.s32 s9, s7;
	s8 =	ssub.s32 s8, s10  }
0xb: {  	s31 =	sadd.s32 $0xFFFFFFFF, s11;
	s9 =	simm.s32 $0x11600;
	s10 =	simm.s32 $0x1  }
0xc: {  	v1 =	vimm.f32 $0.0e+00;
	v2 =	vlaneseq.u32;
	s11 =	simm.s32 $0x10280;
	s7 =	sadd.s32 $0x1200, s7;
	s8 =	smax.u32 s8, $0x1;
	v0 =	vmov s31  }
.LBB2_7:
0xd: {  	s12 =	sadd.s32 $0x1, s12  }
0xe: {  	p0 =	sne.s32 s12, s8  }
.Ltmp1:
0xf: {  	_ = 	snop;
	(pc) =	sbr.rel @!p0 .LBB2_8-.Ltmp1, $4  }
0x10: {  	[hbm4b:s7+s5] =	stream.linear.scatter [tilespmem:s11], [sflag:$0x1], $0x1000, $0x38;
	[tilespmem:$0x11680] =	vst v63  }
0x11: {  	_ =	swait.ge [sflag:s10], $0x1000  }
0x12: {  	[sflag:s10] =	ssyncset.done $0x0  }
0x13: {  	[sflag:s10] =	ssyncadd.s32 $0xFFFFF000  }
.LBB2_1:
0x14: {  	[tilespmem:s9], [sflag:$0x1] =	stream.linear.gather [hbm4b:s3+s5], $0x80, $0x38;
	[tilespmem:$0x11680] =	vst v63  }
0x15: {  	_ =	swait.ge [sflag:s10], $0x80  }
0x16: {  	[sflag:s10] =	ssyncset.done $0x0  }
0x17: {  	[sflag:s10] =	ssyncadd.s32 $0xFFFFFF80  }
0x18: {  	s15 =	simm.s32 $0x0;
	s13 =	simm.s32 $0x200;
	v3 =	vld [tilespmem:s6+$0x11600]  }
.LBB2_2:
0x19: {  	p0 =	sne.s32 s13, $0x4200;
	[tilespmem:s15+$0x10270] =	vst v1  }
0x1a: {  	[tilespmem:s15+$0x10200] =	vst v1  }
0x1b: {  	[tilespmem:s15+$0x10210] =	vst v1  }
.Ltmp2:
0x1c: {  	[tilespmem:s15+$0x10220] =	vst v1;
	(pc) =	sbr.rel @p0 .LBB2_2-.Ltmp2, $4  }
0x1d: {  	[tilespmem:s15+$0x10230] =	vst v1  }
0x1e: {  	[tilespmem:s15+$0x10240] =	vst v1  }
0x1f: {  	[tilespmem:s15+$0x10250] =	vst v1  }
0x20: {  	[tilespmem:s15+$0x10260] =	vst v1;
	s15 =	sshra.s32 s13, $0x2;
	s13 =	sadd.s32 $0x200, s13  }
0x21: {  	(v2sf) =	vpush v3, $0x0;
	_ =	sdelay $0x6  }
0x22: {  	(v2sf) =	vpush v3, $0x1;
	_ =	sdelay $0x7  }
0x23: {  	s13 =	spop (v2sf)  }
0x24: {  	s14 =	sand.u32 $0x7, s13  }
0x25: {  	s16 =	sshra.s32 s13, $0x1F;
	p0 =	slt.s32 s13, $0x1;
	p1 =	sne.s32 s14, $0x0  }
0x26: {  	s28 =	sshrl.u32 s16, $0x1D;
	p0 =	por !p0, !p1  }
0x27: {  	s14 =	simm.s32 $0x1;
	s13 =	sadd.s32 s28, s13;
	p0 =	por !p0, !p0  }
0x28: {  	s13 =	sshrl.u32 s13, $0x3;
	s14 =	simm.s32 @!p0 $0x0  }
0x29: {  	s13 =	ssub.s32 s13, s14  }
0x2a: {  	s29 =	spop (v2sf);
	s13 =	sshll.u32 s13, $0x3  }
0x2b: {  	s14 =	ssub.s32 s29, s13  }
0x2c: {  	s14 =	sadd.s32 $0x1FF, s14  }
0x2d: {  	s30 =	sand.u32 $0x1FF, s14  }
0x2e: {  	s31 =	sshra.s32 s14, $0x1F;
	p6 =	slt.s32 s14, $0x1;
	p5 =	sne.s32 s30, $0x0  }
0x2f: {  	s16 =	sshrl.u32 s31, $0x17;
	p0 =	por !p6, !p5  }
0x30: {  	s14 =	sadd.s32 s16, s14;
	s16 =	simm.s32 $0x1;
	p0 =	por !p0, !p0  }
0x31: {  	[tilespmem:s15+$0x10270] =	vst v1;
	s14 =	sshra.s32 s14, $0x9;
	s16 =	simm.s32 @!p0 $0x0  }
0x32: {  	[tilespmem:s15+$0x10200] =	vst v1;
	s14 =	ssub.s32 s14, s16  }
0x33: {  	[tilespmem:s15+$0x10210] =	vst v1;
	p0 =	slt.s32 s14, $0x1  }
.Ltmp3:
0x34: {  	[tilespmem:s15+$0x10220] =	vst v1;
	(pc) =	sbr.rel @p0 .LBB2_7-.Ltmp3, $4  }
0x35: {  	[tilespmem:s15+$0x10230] =	vst v1  }
0x36: {  	[tilespmem:s15+$0x10240] =	vst v1  }
0x37: {  	[tilespmem:s15+$0x10250] =	vst v1  }
0x38: {  	[tilespmem:s15+$0x10260] =	vst v1;
	s15 =	simm.s32 $0x0;
	s16 =	simm.s32 $0x0  }
.LBB2_4:
0x39: {  	s17 =	sshll.u32 s16, $0x9  }
0x3a: {  	s18 =	sadd.s32 s13, s17  }
0x3b: {  	p0 =	slt.s32 s18, $0x4E000;
	s19 =	smov.u32 s18  }
0x3c: {  	s19 =	simm.s32 @!p0 $0x4E000  }
0x3d: {  	s30 =	sshll.u32 s19, $0x4  }
0x3e: {  	s17 =	sadd.s32 s1, s30  }
0x3f: {  	[tilespmem:s15], [sflag:$0x1] =	stream.linear.gather [hbm4b:s17+s15], $0x10000, $0x38;
	[tilespmem:$0x11680] =	vst v63  }
0x40: {  	_ =	swait.ge [sflag:s10], $0x10000  }
0x41: {  	s31 =	sshrl.u32 s19, $0x3;
	[sflag:s10] =	ssyncset.done $0x0  }
0x42: {  	s20 =	sadd.s32 s2, s31;
	s17 =	simm.s32 $0x10000;
	[sflag:s10] =	ssyncadd.s32 $0xFFFF0000  }
0x43: {  	[tilespmem:s17], [sflag:$0x1] =	stream.linear.gather [hbm4b:s20+s15], $0x200, $0x38;
	[tilespmem:$0x11680] =	vst v63  }
0x44: {  	_ =	swait.ge [sflag:s10], $0x200  }
0x45: {  	s18 =	ssub.s32 s18, s19;
	[sflag:s10] =	ssyncset.done $0x0  }
0x46: {  	s19 =	simm.s32 $0x0;
	v3 =	vmov s18;
	s18 =	simm.s32 $0x400;
	[sflag:s10] =	ssyncadd.s32 $0xFFFFFE00  }
.LBB2_5:
0x47: {  	v4 =	vld [tilespmem:s17+$0x0];
	_ =	sdelay $0x4  }
0x48: {  	v4 =	vsub.s32 v4, v0  }
0x49: {  	vm0 =	vgt.s32 v4, $0x0  }
0x4a: {  	v5 =	vor.u32 s19, v2;
	v4 =	vnsel vm0, $0x0, v4  }
0x4b: {  	vm15 =	vlt.s32 v5, v3;
	v4 =	vmin.u32 v4, $0x21  }
0x4c: {  	v4 =	vsel vm15, $0x0, v4  }
0x4d: {  	v4 =	vshll.u32 v4, $0x7  }
0x4e: {  	(v2sf) =	vpush v4, $0x1  }
0x4f: {  	(v2sf) =	vpush v4, $0x0;
	_ =	sdelay $0xa  }
0x50: {  	v5 =	vld [tilespmem:s18+$0xFFFFFC00];
	_ =	sdelay $0x2  }
0x51: {  	s20 =	spop (v2sf)  }
0x52: {  	s21 =	spop (v2sf)  }
0x53: {  	[tilespmem:s21+$0x10200] =	vst.add.f32.msk $0xffff, v5  }
0x54: {  	v5 =	vld [tilespmem:s18+$0xFFFFFC10];
	_ =	sdelay $0x4  }
0x55: {  	[tilespmem:s21+$0x10210] =	vst.add.f32.msk $0xffff, v5  }
0x56: {  	v5 =	vld [tilespmem:s18+$0xFFFFFC20];
	_ =	sdelay $0x4  }
0x57: {  	[tilespmem:s21+$0x10220] =	vst.add.f32.msk $0xffff, v5  }
0x58: {  	v5 =	vld [tilespmem:s18+$0xFFFFFC30];
	_ =	sdelay $0x4  }
0x59: {  	[tilespmem:s21+$0x10230] =	vst.add.f32.msk $0xffff, v5  }
0x5a: {  	v5 =	vld [tilespmem:s18+$0xFFFFFC40];
	_ =	sdelay $0x4  }
0x5b: {  	[tilespmem:s21+$0x10240] =	vst.add.f32.msk $0xffff, v5  }
0x5c: {  	v5 =	vld [tilespmem:s18+$0xFFFFFC50];
	_ =	sdelay $0x4  }
0x5d: {  	[tilespmem:s21+$0x10250] =	vst.add.f32.msk $0xffff, v5  }
0x5e: {  	v5 =	vld [tilespmem:s18+$0xFFFFFC60];
	_ =	sdelay $0x4  }
0x5f: {  	[tilespmem:s21+$0x10260] =	vst.add.f32.msk $0xffff, v5  }
0x60: {  	v5 =	vld [tilespmem:s18+$0xFFFFFC70];
	_ =	sdelay $0x4  }
0x61: {  	[tilespmem:s21+$0x10270] =	vst.add.f32.msk $0xffff, v5  }
0x62: {  	v5 =	vld [tilespmem:s18+$0xFFFFFC80];
	_ =	sdelay $0x4  }
0x63: {  	[tilespmem:s20+$0x10200] =	vst.add.f32.msk $0xffff, v5  }
0x64: {  	v5 =	vld [tilespmem:s18+$0xFFFFFC90];
	_ =	sdelay $0x4  }
0x65: {  	[tilespmem:s20+$0x10210] =	vst.add.f32.msk $0xffff, v5  }
0x66: {  	v5 =	vld [tilespmem:s18+$0xFFFFFCA0];
	_ =	sdelay $0x4  }
0x67: {  	[tilespmem:s20+$0x10220] =	vst.add.f32.msk $0xffff, v5  }
0x68: {  	v5 =	vld [tilespmem:s18+$0xFFFFFCB0];
	_ =	sdelay $0x4  }
0x69: {  	[tilespmem:s20+$0x10230] =	vst.add.f32.msk $0xffff, v5  }
0x6a: {  	v5 =	vld [tilespmem:s18+$0xFFFFFCC0];
	_ =	sdelay $0x4  }
0x6b: {  	[tilespmem:s20+$0x10240] =	vst.add.f32.msk $0xffff, v5  }
0x6c: {  	v5 =	vld [tilespmem:s18+$0xFFFFFCD0];
	_ =	sdelay $0x4  }
0x6d: {  	[tilespmem:s20+$0x10250] =	vst.add.f32.msk $0xffff, v5  }
0x6e: {  	(v2sf) =	vpush v4, $0x3;
	v5 =	vld [tilespmem:s18+$0xFFFFFCE0]  }
0x6f: {  	(v2sf) =	vpush v4, $0x2;
	_ =	sdelay $0x3  }
0x70: {  	[tilespmem:s20+$0x10260] =	vst.add.f32.msk $0xffff, v5  }
0x71: {  	v5 =	vld [tilespmem:s18+$0xFFFFFCF0];
	_ =	sdelay $0x4  }
0x72: {  	[tilespmem:s20+$0x10270] =	vst.add.f32.msk $0xffff, v5  }
0x73: {  	v5 =	vld [tilespmem:s18+$0xFFFFFD00];
	_ =	sdelay $0x2  }
0x74: {  	s26 =	spop (v2sf)  }
0x75: {  	s28 =	spop (v2sf)  }
0x76: {  	[tilespmem:s28+$0x10200] =	vst.add.f32.msk $0xffff, v5  }
0x77: {  	v5 =	vld [tilespmem:s18+$0xFFFFFD10];
	_ =	sdelay $0x4  }
0x78: {  	[tilespmem:s28+$0x10210] =	vst.add.f32.msk $0xffff, v5  }
0x79: {  	v5 =	vld [tilespmem:s18+$0xFFFFFD20];
	_ =	sdelay $0x4  }
0x7a: {  	[tilespmem:s28+$0x10220] =	vst.add.f32.msk $0xffff, v5  }
0x7b: {  	v5 =	vld [tilespmem:s18+$0xFFFFFD30];
	_ =	sdelay $0x4  }
0x7c: {  	[tilespmem:s28+$0x10230] =	vst.add.f32.msk $0xffff, v5  }
0x7d: {  	v5 =	vld [tilespmem:s18+$0xFFFFFD40];
	_ =	sdelay $0x4  }
0x7e: {  	[tilespmem:s28+$0x10240] =	vst.add.f32.msk $0xffff, v5  }
0x7f: {  	v5 =	vld [tilespmem:s18+$0xFFFFFD50];
	_ =	sdelay $0x4  }
0x80: {  	[tilespmem:s28+$0x10250] =	vst.add.f32.msk $0xffff, v5  }
0x81: {  	v5 =	vld [tilespmem:s18+$0xFFFFFD60];
	_ =	sdelay $0x4  }
0x82: {  	[tilespmem:s28+$0x10260] =	vst.add.f32.msk $0xffff, v5  }
0x83: {  	v5 =	vld [tilespmem:s18+$0xFFFFFD70];
	_ =	sdelay $0x4  }
0x84: {  	[tilespmem:s28+$0x10270] =	vst.add.f32.msk $0xffff, v5  }
0x85: {  	v5 =	vld [tilespmem:s18+$0xFFFFFD80];
	_ =	sdelay $0x4  }
0x86: {  	[tilespmem:s26+$0x10200] =	vst.add.f32.msk $0xffff, v5  }
0x87: {  	v5 =	vld [tilespmem:s18+$0xFFFFFD90];
	_ =	sdelay $0x4  }
0x88: {  	[tilespmem:s26+$0x10210] =	vst.add.f32.msk $0xffff, v5  }
0x89: {  	v5 =	vld [tilespmem:s18+$0xFFFFFDA0];
	_ =	sdelay $0x4  }
0x8a: {  	[tilespmem:s26+$0x10220] =	vst.add.f32.msk $0xffff, v5  }
0x8b: {  	v5 =	vld [tilespmem:s18+$0xFFFFFDB0];
	_ =	sdelay $0x4  }
0x8c: {  	[tilespmem:s26+$0x10230] =	vst.add.f32.msk $0xffff, v5  }
0x8d: {  	v5 =	vld [tilespmem:s18+$0xFFFFFDC0];
	_ =	sdelay $0x4  }
0x8e: {  	[tilespmem:s26+$0x10240] =	vst.add.f32.msk $0xffff, v5  }
0x8f: {  	v5 =	vld [tilespmem:s18+$0xFFFFFDD0];
	_ =	sdelay $0x4  }
0x90: {  	[tilespmem:s26+$0x10250] =	vst.add.f32.msk $0xffff, v5  }
0x91: {  	(v2sf) =	vpush v4, $0x5;
	v5 =	vld [tilespmem:s18+$0xFFFFFDE0]  }
0x92: {  	(v2sf) =	vpush v4, $0x4;
	_ =	sdelay $0x3  }
0x93: {  	[tilespmem:s26+$0x10260] =	vst.add.f32.msk $0xffff, v5  }
0x94: {  	v5 =	vld [tilespmem:s18+$0xFFFFFDF0];
	_ =	sdelay $0x4  }
0x95: {  	[tilespmem:s26+$0x10270] =	vst.add.f32.msk $0xffff, v5  }
0x96: {  	v5 =	vld [tilespmem:s18+$0xFFFFFE00];
	_ =	sdelay $0x2  }
0x97: {  	s29 =	spop (v2sf)  }
0x98: {  	s30 =	spop (v2sf)  }
0x99: {  	[tilespmem:s30+$0x10200] =	vst.add.f32.msk $0xffff, v5  }
0x9a: {  	v5 =	vld [tilespmem:s18+$0xFFFFFE10];
	_ =	sdelay $0x4  }
0x9b: {  	[tilespmem:s30+$0x10210] =	vst.add.f32.msk $0xffff, v5  }
0x9c: {  	v5 =	vld [tilespmem:s18+$0xFFFFFE20];
	_ =	sdelay $0x4  }
0x9d: {  	[tilespmem:s30+$0x10220] =	vst.add.f32.msk $0xffff, v5  }
0x9e: {  	v5 =	vld [tilespmem:s18+$0xFFFFFE30];
	_ =	sdelay $0x4  }
0x9f: {  	[tilespmem:s30+$0x10230] =	vst.add.f32.msk $0xffff, v5  }
0xa0: {  	v5 =	vld [tilespmem:s18+$0xFFFFFE40];
	_ =	sdelay $0x4  }
0xa1: {  	[tilespmem:s30+$0x10240] =	vst.add.f32.msk $0xffff, v5  }
0xa2: {  	v5 =	vld [tilespmem:s18+$0xFFFFFE50];
	_ =	sdelay $0x4  }
0xa3: {  	[tilespmem:s30+$0x10250] =	vst.add.f32.msk $0xffff, v5  }
0xa4: {  	v5 =	vld [tilespmem:s18+$0xFFFFFE60];
	_ =	sdelay $0x4  }
0xa5: {  	[tilespmem:s30+$0x10260] =	vst.add.f32.msk $0xffff, v5  }
0xa6: {  	v5 =	vld [tilespmem:s18+$0xFFFFFE70];
	_ =	sdelay $0x4  }
0xa7: {  	[tilespmem:s30+$0x10270] =	vst.add.f32.msk $0xffff, v5  }
0xa8: {  	v5 =	vld [tilespmem:s18+$0xFFFFFE80];
	_ =	sdelay $0x4  }
0xa9: {  	[tilespmem:s29+$0x10200] =	vst.add.f32.msk $0xffff, v5  }
0xaa: {  	v5 =	vld [tilespmem:s18+$0xFFFFFE90];
	_ =	sdelay $0x4  }
0xab: {  	[tilespmem:s29+$0x10210] =	vst.add.f32.msk $0xffff, v5  }
0xac: {  	v5 =	vld [tilespmem:s18+$0xFFFFFEA0];
	_ =	sdelay $0x4  }
0xad: {  	[tilespmem:s29+$0x10220] =	vst.add.f32.msk $0xffff, v5  }
0xae: {  	v5 =	vld [tilespmem:s18+$0xFFFFFEB0];
	_ =	sdelay $0x4  }
0xaf: {  	[tilespmem:s29+$0x10230] =	vst.add.f32.msk $0xffff, v5  }
0xb0: {  	v5 =	vld [tilespmem:s18+$0xFFFFFEC0];
	_ =	sdelay $0x4  }
0xb1: {  	[tilespmem:s29+$0x10240] =	vst.add.f32.msk $0xffff, v5  }
0xb2: {  	v5 =	vld [tilespmem:s18+$0xFFFFFED0];
	_ =	sdelay $0x4  }
0xb3: {  	[tilespmem:s29+$0x10250] =	vst.add.f32.msk $0xffff, v5  }
0xb4: {  	(v2sf) =	vpush v4, $0x7;
	v5 =	vld [tilespmem:s18+$0xFFFFFEE0]  }
0xb5: {  	(v2sf) =	vpush v4, $0x6;
	_ =	sdelay $0x3  }
0xb6: {  	[tilespmem:s29+$0x10260] =	vst.add.f32.msk $0xffff, v5  }
0xb7: {  	v5 =	vld [tilespmem:s18+$0xFFFFFEF0];
	_ =	sdelay $0x4  }
0xb8: {  	[tilespmem:s29+$0x10270] =	vst.add.f32.msk $0xffff, v5  }
0xb9: {  	v5 =	vld [tilespmem:s18+$0xFFFFFF00];
	_ =	sdelay $0x2  }
0xba: {  	s31 =	spop (v2sf)  }
0xbb: {  	s22 =	spop (v2sf)  }
0xbc: {  	[tilespmem:s22+$0x10200] =	vst.add.f32.msk $0xffff, v5  }
0xbd: {  	v5 =	vld [tilespmem:s18+$0xFFFFFF10];
	_ =	sdelay $0x4  }
0xbe: {  	[tilespmem:s22+$0x10210] =	vst.add.f32.msk $0xffff, v5  }
0xbf: {  	v5 =	vld [tilespmem:s18+$0xFFFFFF20];
	_ =	sdelay $0x4  }
0xc0: {  	[tilespmem:s22+$0x10220] =	vst.add.f32.msk $0xffff, v5  }
0xc1: {  	v5 =	vld [tilespmem:s18+$0xFFFFFF30];
	_ =	sdelay $0x4  }
0xc2: {  	[tilespmem:s22+$0x10230] =	vst.add.f32.msk $0xffff, v5  }
0xc3: {  	v5 =	vld [tilespmem:s18+$0xFFFFFF40];
	_ =	sdelay $0x4  }
0xc4: {  	[tilespmem:s22+$0x10240] =	vst.add.f32.msk $0xffff, v5  }
0xc5: {  	v5 =	vld [tilespmem:s18+$0xFFFFFF50];
	_ =	sdelay $0x4  }
0xc6: {  	[tilespmem:s22+$0x10250] =	vst.add.f32.msk $0xffff, v5  }
0xc7: {  	v5 =	vld [tilespmem:s18+$0xFFFFFF60];
	_ =	sdelay $0x4  }
0xc8: {  	[tilespmem:s22+$0x10260] =	vst.add.f32.msk $0xffff, v5  }
0xc9: {  	v5 =	vld [tilespmem:s18+$0xFFFFFF70];
	_ =	sdelay $0x4  }
0xca: {  	[tilespmem:s22+$0x10270] =	vst.add.f32.msk $0xffff, v5  }
0xcb: {  	v5 =	vld [tilespmem:s18+$0xFFFFFF80];
	_ =	sdelay $0x4  }
0xcc: {  	[tilespmem:s31+$0x10200] =	vst.add.f32.msk $0xffff, v5  }
0xcd: {  	v5 =	vld [tilespmem:s18+$0xFFFFFF90];
	_ =	sdelay $0x4  }
0xce: {  	[tilespmem:s31+$0x10210] =	vst.add.f32.msk $0xffff, v5  }
0xcf: {  	v5 =	vld [tilespmem:s18+$0xFFFFFFA0];
	_ =	sdelay $0x4  }
0xd0: {  	[tilespmem:s31+$0x10220] =	vst.add.f32.msk $0xffff, v5  }
0xd1: {  	v5 =	vld [tilespmem:s18+$0xFFFFFFB0];
	_ =	sdelay $0x4  }
0xd2: {  	[tilespmem:s31+$0x10230] =	vst.add.f32.msk $0xffff, v5  }
0xd3: {  	v5 =	vld [tilespmem:s18+$0xFFFFFFC0];
	_ =	sdelay $0x4  }
0xd4: {  	[tilespmem:s31+$0x10240] =	vst.add.f32.msk $0xffff, v5  }
0xd5: {  	v5 =	vld [tilespmem:s18+$0xFFFFFFD0];
	_ =	sdelay $0x4  }
0xd6: {  	[tilespmem:s31+$0x10250] =	vst.add.f32.msk $0xffff, v5  }
0xd7: {  	(v2sf) =	vpush v4, $0x9;
	v5 =	vld [tilespmem:s18+$0xFFFFFFE0]  }
0xd8: {  	(v2sf) =	vpush v4, $0x8;
	_ =	sdelay $0x3  }
0xd9: {  	[tilespmem:s31+$0x10260] =	vst.add.f32.msk $0xffff, v5  }
0xda: {  	v5 =	vld [tilespmem:s18+$0xFFFFFFF0];
	_ =	sdelay $0x4  }
0xdb: {  	[tilespmem:s31+$0x10270] =	vst.add.f32.msk $0xffff, v5  }
0xdc: {  	v5 =	vld [tilespmem:s18+$0x0];
	_ =	sdelay $0x2  }
0xdd: {  	s23 =	spop (v2sf)  }
0xde: {  	s24 =	spop (v2sf)  }
0xdf: {  	[tilespmem:s24+$0x10200] =	vst.add.f32.msk $0xffff, v5  }
0xe0: {  	v5 =	vld [tilespmem:s18+$0x10];
	_ =	sdelay $0x4  }
0xe1: {  	[tilespmem:s24+$0x10210] =	vst.add.f32.msk $0xffff, v5  }
0xe2: {  	v5 =	vld [tilespmem:s18+$0x20];
	_ =	sdelay $0x4  }
0xe3: {  	[tilespmem:s24+$0x10220] =	vst.add.f32.msk $0xffff, v5  }
0xe4: {  	v5 =	vld [tilespmem:s18+$0x30];
	_ =	sdelay $0x4  }
0xe5: {  	[tilespmem:s24+$0x10230] =	vst.add.f32.msk $0xffff, v5  }
0xe6: {  	v5 =	vld [tilespmem:s18+$0x40];
	_ =	sdelay $0x4  }
0xe7: {  	[tilespmem:s24+$0x10240] =	vst.add.f32.msk $0xffff, v5  }
0xe8: {  	v5 =	vld [tilespmem:s18+$0x50];
	_ =	sdelay $0x4  }
0xe9: {  	[tilespmem:s24+$0x10250] =	vst.add.f32.msk $0xffff, v5  }
0xea: {  	v5 =	vld [tilespmem:s18+$0x60];
	_ =	sdelay $0x4  }
0xeb: {  	[tilespmem:s24+$0x10260] =	vst.add.f32.msk $0xffff, v5  }
0xec: {  	v5 =	vld [tilespmem:s18+$0x70];
	_ =	sdelay $0x4  }
0xed: {  	[tilespmem:s24+$0x10270] =	vst.add.f32.msk $0xffff, v5  }
0xee: {  	v5 =	vld [tilespmem:s18+$0x80];
	_ =	sdelay $0x4  }
0xef: {  	[tilespmem:s23+$0x10200] =	vst.add.f32.msk $0xffff, v5  }
0xf0: {  	v5 =	vld [tilespmem:s18+$0x90];
	_ =	sdelay $0x4  }
0xf1: {  	[tilespmem:s23+$0x10210] =	vst.add.f32.msk $0xffff, v5  }
0xf2: {  	v5 =	vld [tilespmem:s18+$0xA0];
	_ =	sdelay $0x4  }
0xf3: {  	[tilespmem:s23+$0x10220] =	vst.add.f32.msk $0xffff, v5  }
0xf4: {  	v5 =	vld [tilespmem:s18+$0xB0];
	_ =	sdelay $0x4  }
0xf5: {  	[tilespmem:s23+$0x10230] =	vst.add.f32.msk $0xffff, v5  }
0xf6: {  	v5 =	vld [tilespmem:s18+$0xC0];
	_ =	sdelay $0x4  }
0xf7: {  	[tilespmem:s23+$0x10240] =	vst.add.f32.msk $0xffff, v5  }
0xf8: {  	v5 =	vld [tilespmem:s18+$0xD0];
	_ =	sdelay $0x4  }
0xf9: {  	[tilespmem:s23+$0x10250] =	vst.add.f32.msk $0xffff, v5  }
0xfa: {  	(v2sf) =	vpush v4, $0xB;
	v5 =	vld [tilespmem:s18+$0xE0]  }
0xfb: {  	(v2sf) =	vpush v4, $0xA;
	_ =	sdelay $0x3  }
0xfc: {  	[tilespmem:s23+$0x10260] =	vst.add.f32.msk $0xffff, v5  }
0xfd: {  	v5 =	vld [tilespmem:s18+$0xF0];
	_ =	sdelay $0x4  }
0xfe: {  	[tilespmem:s23+$0x10270] =	vst.add.f32.msk $0xffff, v5  }
0xff: {  	v5 =	vld [tilespmem:s18+$0x100];
	_ =	sdelay $0x2  }
0x100: {  	s25 =	spop (v2sf)  }
0x101: {  	s26 =	spop (v2sf)  }
0x102: {  	[tilespmem:s26+$0x10200] =	vst.add.f32.msk $0xffff, v5  }
0x103: {  	v5 =	vld [tilespmem:s18+$0x110];
	_ =	sdelay $0x4  }
0x104: {  	[tilespmem:s26+$0x10210] =	vst.add.f32.msk $0xffff, v5  }
0x105: {  	v5 =	vld [tilespmem:s18+$0x120];
	_ =	sdelay $0x4  }
0x106: {  	[tilespmem:s26+$0x10220] =	vst.add.f32.msk $0xffff, v5  }
0x107: {  	v5 =	vld [tilespmem:s18+$0x130];
	_ =	sdelay $0x4  }
0x108: {  	[tilespmem:s26+$0x10230] =	vst.add.f32.msk $0xffff, v5  }
0x109: {  	v5 =	vld [tilespmem:s18+$0x140];
	_ =	sdelay $0x4  }
0x10a: {  	[tilespmem:s26+$0x10240] =	vst.add.f32.msk $0xffff, v5  }
0x10b: {  	v5 =	vld [tilespmem:s18+$0x150];
	_ =	sdelay $0x4  }
0x10c: {  	[tilespmem:s26+$0x10250] =	vst.add.f32.msk $0xffff, v5  }
0x10d: {  	v5 =	vld [tilespmem:s18+$0x160];
	_ =	sdelay $0x4  }
0x10e: {  	[tilespmem:s26+$0x10260] =	vst.add.f32.msk $0xffff, v5  }
0x10f: {  	v5 =	vld [tilespmem:s18+$0x170];
	_ =	sdelay $0x4  }
0x110: {  	[tilespmem:s26+$0x10270] =	vst.add.f32.msk $0xffff, v5  }
0x111: {  	v5 =	vld [tilespmem:s18+$0x180];
	_ =	sdelay $0x4  }
0x112: {  	[tilespmem:s25+$0x10200] =	vst.add.f32.msk $0xffff, v5  }
0x113: {  	v5 =	vld [tilespmem:s18+$0x190];
	_ =	sdelay $0x4  }
0x114: {  	[tilespmem:s25+$0x10210] =	vst.add.f32.msk $0xffff, v5  }
0x115: {  	v5 =	vld [tilespmem:s18+$0x1A0];
	_ =	sdelay $0x4  }
0x116: {  	[tilespmem:s25+$0x10220] =	vst.add.f32.msk $0xffff, v5  }
0x117: {  	v5 =	vld [tilespmem:s18+$0x1B0];
	_ =	sdelay $0x4  }
0x118: {  	[tilespmem:s25+$0x10230] =	vst.add.f32.msk $0xffff, v5  }
0x119: {  	v5 =	vld [tilespmem:s18+$0x1C0];
	_ =	sdelay $0x4  }
0x11a: {  	[tilespmem:s25+$0x10240] =	vst.add.f32.msk $0xffff, v5  }
0x11b: {  	v5 =	vld [tilespmem:s18+$0x1D0];
	_ =	sdelay $0x4  }
0x11c: {  	[tilespmem:s25+$0x10250] =	vst.add.f32.msk $0xffff, v5  }
0x11d: {  	(v2sf) =	vpush v4, $0xD;
	v5 =	vld [tilespmem:s18+$0x1E0]  }
0x11e: {  	(v2sf) =	vpush v4, $0xC;
	_ =	sdelay $0x3  }
0x11f: {  	[tilespmem:s25+$0x10260] =	vst.add.f32.msk $0xffff, v5  }
0x120: {  	v5 =	vld [tilespmem:s18+$0x1F0];
	_ =	sdelay $0x4  }
0x121: {  	[tilespmem:s25+$0x10270] =	vst.add.f32.msk $0xffff, v5  }
0x122: {  	v5 =	vld [tilespmem:s18+$0x200];
	_ =	sdelay $0x2  }
0x123: {  	s28 =	spop (v2sf)  }
0x124: {  	s29 =	spop (v2sf)  }
0x125: {  	[tilespmem:s29+$0x10200] =	vst.add.f32.msk $0xffff, v5  }
0x126: {  	v5 =	vld [tilespmem:s18+$0x210];
	_ =	sdelay $0x4  }
0x127: {  	[tilespmem:s29+$0x10210] =	vst.add.f32.msk $0xffff, v5  }
0x128: {  	v5 =	vld [tilespmem:s18+$0x220];
	_ =	sdelay $0x4  }
0x129: {  	[tilespmem:s29+$0x10220] =	vst.add.f32.msk $0xffff, v5  }
0x12a: {  	v5 =	vld [tilespmem:s18+$0x230];
	_ =	sdelay $0x4  }
0x12b: {  	[tilespmem:s29+$0x10230] =	vst.add.f32.msk $0xffff, v5  }
0x12c: {  	v5 =	vld [tilespmem:s18+$0x240];
	_ =	sdelay $0x4  }
0x12d: {  	[tilespmem:s29+$0x10240] =	vst.add.f32.msk $0xffff, v5  }
0x12e: {  	v5 =	vld [tilespmem:s18+$0x250];
	_ =	sdelay $0x4  }
0x12f: {  	[tilespmem:s29+$0x10250] =	vst.add.f32.msk $0xffff, v5  }
0x130: {  	v5 =	vld [tilespmem:s18+$0x260];
	_ =	sdelay $0x4  }
0x131: {  	[tilespmem:s29+$0x10260] =	vst.add.f32.msk $0xffff, v5  }
0x132: {  	v5 =	vld [tilespmem:s18+$0x270];
	_ =	sdelay $0x4  }
0x133: {  	[tilespmem:s29+$0x10270] =	vst.add.f32.msk $0xffff, v5  }
0x134: {  	v5 =	vld [tilespmem:s18+$0x280];
	_ =	sdelay $0x4  }
0x135: {  	[tilespmem:s28+$0x10200] =	vst.add.f32.msk $0xffff, v5  }
0x136: {  	v5 =	vld [tilespmem:s18+$0x290];
	_ =	sdelay $0x4  }
0x137: {  	[tilespmem:s28+$0x10210] =	vst.add.f32.msk $0xffff, v5  }
0x138: {  	v5 =	vld [tilespmem:s18+$0x2A0];
	_ =	sdelay $0x4  }
0x139: {  	[tilespmem:s28+$0x10220] =	vst.add.f32.msk $0xffff, v5  }
0x13a: {  	v5 =	vld [tilespmem:s18+$0x2B0];
	_ =	sdelay $0x4  }
0x13b: {  	[tilespmem:s28+$0x10230] =	vst.add.f32.msk $0xffff, v5  }
0x13c: {  	v5 =	vld [tilespmem:s18+$0x2C0];
	_ =	sdelay $0x4  }
0x13d: {  	[tilespmem:s28+$0x10240] =	vst.add.f32.msk $0xffff, v5  }
0x13e: {  	v5 =	vld [tilespmem:s18+$0x2D0];
	_ =	sdelay $0x4  }
0x13f: {  	[tilespmem:s28+$0x10250] =	vst.add.f32.msk $0xffff, v5  }
0x140: {  	(v2sf) =	vpush v4, $0xF;
	v5 =	vld [tilespmem:s18+$0x2E0]  }
0x141: {  	(v2sf) =	vpush v4, $0xE;
	_ =	sdelay $0x3  }
0x142: {  	[tilespmem:s28+$0x10260] =	vst.add.f32.msk $0xffff, v5  }
0x143: {  	v4 =	vld [tilespmem:s18+$0x2F0];
	_ =	sdelay $0x4  }
0x144: {  	[tilespmem:s28+$0x10270] =	vst.add.f32.msk $0xffff, v4  }
0x145: {  	v4 =	vld [tilespmem:s18+$0x300];
	_ =	sdelay $0x2  }
0x146: {  	s30 =	spop (v2sf)  }
0x147: {  	s31 =	spop (v2sf)  }
0x148: {  	[tilespmem:s31+$0x10200] =	vst.add.f32.msk $0xffff, v4  }
0x149: {  	v4 =	vld [tilespmem:s18+$0x310];
	_ =	sdelay $0x4  }
0x14a: {  	[tilespmem:s31+$0x10210] =	vst.add.f32.msk $0xffff, v4  }
0x14b: {  	v4 =	vld [tilespmem:s18+$0x320];
	_ =	sdelay $0x4  }
0x14c: {  	[tilespmem:s31+$0x10220] =	vst.add.f32.msk $0xffff, v4  }
0x14d: {  	v4 =	vld [tilespmem:s18+$0x330];
	_ =	sdelay $0x4  }
0x14e: {  	[tilespmem:s31+$0x10230] =	vst.add.f32.msk $0xffff, v4  }
0x14f: {  	v4 =	vld [tilespmem:s18+$0x340];
	_ =	sdelay $0x4  }
0x150: {  	[tilespmem:s31+$0x10240] =	vst.add.f32.msk $0xffff, v4  }
0x151: {  	v4 =	vld [tilespmem:s18+$0x350];
	_ =	sdelay $0x4  }
0x152: {  	[tilespmem:s31+$0x10250] =	vst.add.f32.msk $0xffff, v4  }
0x153: {  	v4 =	vld [tilespmem:s18+$0x360];
	_ =	sdelay $0x4  }
0x154: {  	[tilespmem:s31+$0x10260] =	vst.add.f32.msk $0xffff, v4  }
0x155: {  	v4 =	vld [tilespmem:s18+$0x370];
	_ =	sdelay $0x4  }
0x156: {  	[tilespmem:s31+$0x10270] =	vst.add.f32.msk $0xffff, v4  }
0x157: {  	v4 =	vld [tilespmem:s18+$0x380];
	_ =	sdelay $0x4  }
0x158: {  	[tilespmem:s30+$0x10200] =	vst.add.f32.msk $0xffff, v4  }
0x159: {  	v4 =	vld [tilespmem:s18+$0x390];
	_ =	sdelay $0x4  }
0x15a: {  	[tilespmem:s30+$0x10210] =	vst.add.f32.msk $0xffff, v4  }
0x15b: {  	v4 =	vld [tilespmem:s18+$0x3A0];
	_ =	sdelay $0x4  }
0x15c: {  	[tilespmem:s30+$0x10220] =	vst.add.f32.msk $0xffff, v4  }
0x15d: {  	v4 =	vld [tilespmem:s18+$0x3B0];
	_ =	sdelay $0x4  }
0x15e: {  	[tilespmem:s30+$0x10230] =	vst.add.f32.msk $0xffff, v4  }
0x15f: {  	v4 =	vld [tilespmem:s18+$0x3C0];
	_ =	sdelay $0x4  }
0x160: {  	[tilespmem:s30+$0x10240] =	vst.add.f32.msk $0xffff, v4  }
0x161: {  	v4 =	vld [tilespmem:s18+$0x3D0];
	_ =	sdelay $0x4  }
0x162: {  	[tilespmem:s30+$0x10250] =	vst.add.f32.msk $0xffff, v4  }
0x163: {  	v4 =	vld [tilespmem:s18+$0x3E0];
	_ =	sdelay $0x4  }
0x164: {  	[tilespmem:s30+$0x10260] =	vst.add.f32.msk $0xffff, v4  }
0x165: {  	p0 =	sne.s32 s19, $0x1F0;
	v4 =	vld [tilespmem:s18+$0x3F0]  }
.Ltmp4:
0x166: {  	_ = 	snop;
	(pc) =	sbr.rel @p0 .LBB2_5-.Ltmp4, $2  }
0x167: {  	_ =	sdelay $0x2  }
0x168: {  	s17 =	sadd.s32 $0x10, s17;
	s19 =	sadd.s32 $0x10, s19;
	s18 =	sadd.s32 $0x800, s18;
	[tilespmem:s30+$0x10270] =	vst.add.f32.msk $0xffff, v4  }
0x169: {  	s16 =	sadd.s32 $0x1, s16  }
0x16a: {  	p0 =	sne.s32 s16, s14  }
.Ltmp5:
0x16b: {  	_ = 	snop;
	(pc) =	sbr.rel @p0 .LBB2_4-.Ltmp5, $4  }
.Ltmp6:
0x16c: {  	_ = 	snop;
	(pc) =	sbr.rel @!p0 .LBB2_7-.Ltmp6, $4  }
0x16d: {  	_ = 	snop  }
0x16e: {  	_ = 	snop  }
0x16f: {  	_ = 	snop  }
0x170: {  	_ = 	snop  }
.LBB2_8:
0x171: {  	_ =	sfence.sel $0x180000  }
0x172: {  	[bflag:$0x0] =	sbarrier.arrive $0xFFFF  }
0x173: {  	p0 =	sne.s32 s4, $0x0;
	_ =	strace $0x90000047  }
0x174: {  	s0 =	sadd.s32 @!p0 $0x100000, s0;
	[bflag:$0x2] =	sbarrier.arrive $0xFFFF  }
0x175: {  	[sflag:s0] =	ssyncadd.tile.s32 @!p0 $0x1;
	_ =	shalt  }
.Lfunc_end2:
_tile_overlayer_lowered:
.L_overlay_start_2:
0x176: {  	(tag) =	ssettag $0x2  }
0x177: {  	s0 =	rddreg [dreg:$0x0];
	s2 =	stileid.u32  }
0x178: {  	s1 =	rddreg [dreg:$0x1];
	p0 =	sne.s32 s2, $0x0  }
0x179: {  	s3 =	rddreg [dreg:$0x2];
	[bflag:$0x3] =	sbarrier.arrive $0xFFFF;
	s2 =	simm.s32 @!p0 $0x1C01  }
0x17a: {  	[timem:s3], [sflag:s2] =	dma.local @!p0 [hbm:s0], s1  }
0x17b: {  	s0 =	simm.s32 @!p0 $0x1  }
0x17c: {  	_ =	swait.ge @!p0 [sflag:s0], s1  }
0x17d: {  	s1 =	ssub.s32 @!p0 $0x0, s1;
	[sflag:s0] =	ssyncset.done @!p0 $0x0  }
0x17e: {  	[sflag:s0] =	ssyncadd.s32 @!p0 s1  }
0x17f: {  	[bflag:$0x3] =	sbarrier.arrive $0xFFFF  }
0x180: {  	_ =	shalt  }

</sc_bundles>
